<compile_context>
chip_gen: v7x
topology: tpu7x:2x2x1
jax: 0.10.2.dev20260603
libtpu: 0.0.44.dev20260713+nightly
codegen_flags: <defaults>
</compile_context>

<pallas_src>
import functools

import jax
import jax.numpy as jnp
from jax import lax
from jax.experimental import pallas as pl
from jax.experimental.pallas import tpu as pltpu
from jax.experimental.pallas import tpu_sc as plsc

NC = 2
NS = 16
NW = NC * NS
HALF = 100
SPLIT = 104
NBUF = 4


def _sc_embed(x_r, embed, pos_embed):
    n_half, _ = x_r.shape
    V, D = embed.shape
    L, _ = pos_embed.shape
    BL = n_half * HALF
    B = BL // L
    BPW = B // NW
    assert BPW % NBUF == 0 and L == 2 * HALF

    mesh = plsc.VectorSubcoreMesh(core_axis_name="c", subcore_axis_name="s")

    @functools.partial(
        pl.kernel,
        mesh=mesh,
        compiler_params=pltpu.CompilerParams(use_tc_tiling_on_sc=False),
        out_type=jax.ShapeDtypeStruct((BL, D), jnp.float32),
        scratch_types=[
            pltpu.VMEM((L, D), jnp.float32),
            pltpu.VMEM((NBUF, 2, HALF), jnp.int32),
            pltpu.VMEM((NBUF, L, D), jnp.float32),
            pltpu.SemaphoreType.DMA,
            pltpu.SemaphoreType.DMA,
            pltpu.SemaphoreType.DMA,
            pltpu.SemaphoreType.DMA,
            pltpu.SemaphoreType.DMA,
            pltpu.SemaphoreType.DMA,
            pltpu.SemaphoreType.DMA,
            pltpu.SemaphoreType.DMA,
            pltpu.SemaphoreType.DMA,
            pltpu.SemaphoreType.DMA,
            pltpu.SemaphoreType.DMA,
            pltpu.SemaphoreType.DMA,
            pltpu.SemaphoreType.DMA,
        ],
    )
    def k(x_hbm, embed_hbm, pos_hbm, out_hbm, pos_v, idx_v, rows_v,
          si0, si1, si2, si3, sg0, sg1, sg2, sg3, so0, so1, so2, so3, sp):
        sem_i = (si0, si1, si2, si3)
        sem_g = (sg0, sg1, sg2, sg3)
        sem_o = (so0, so1, so2, so3)
        wid = lax.axis_index("s") * NC + lax.axis_index("c")
        b0 = wid * BPW

        def idx_copy(b, buf):
            return pltpu.make_async_copy(
                x_hbm.at[pl.ds((b0 + b) * 2, 2)], idx_v.at[buf], sem_i[buf])

        def gather_copy(h, buf):
            return pltpu.make_async_copy(
                embed_hbm.at[idx_v.at[buf, h]],
                rows_v.at[buf, pl.ds(h * HALF, HALF)], sem_g[buf])

        def out_copy(b, buf, part):
            lo, sz = (0, SPLIT) if part == 0 else (SPLIT, L - SPLIT)
            return pltpu.make_async_copy(
                rows_v.at[buf, pl.ds(lo, sz)],
                out_hbm.at[pl.ds((b0 + b) * L + lo, sz)], sem_o[buf])

        def start_gather(b, buf):
            gather_copy(0, buf).start()
            gather_copy(1, buf).start()

        def wait_gather(buf):
            gather_copy(0, buf).wait()
            gather_copy(1, buf).wait()

        def wait_out(b, buf):
            out_copy(b, buf, 0).wait()
            out_copy(b, buf, 1).wait()

        pos_cp = pltpu.make_async_copy(pos_hbm, pos_v, sp)
        pos_cp.start()
        for b in range(NBUF):
            idx_copy(b, b).start()
        idx_copy(0, 0).wait()
        start_gather(0, 0)
        idx_copy(1, 1).wait()
        start_gather(1, 1)
        pos_cp.wait()

        @pl.loop(0, BPW, step=NBUF)
        def per_ring(i):
            for cur in range(NBUF):
                ii = i + cur
                nb = (cur + 2) % NBUF

                @pl.when(ii + 2 < BPW)
                def _():
                    idx_copy(ii + 2, nb).wait()

                    @pl.when(ii >= 2)
                    def _():
                        wait_out(ii - 2, nb)

                    start_gather(ii + 2, nb)

                wait_gather(cur)

                @pl.when(ii + NBUF < BPW)
                def _():
                    idx_copy(ii + NBUF, cur).start()

                def add_l(lo, hi):
                    def body(l, c):
                        for j in range(D // 16):
                            sl = pl.ds(j * 16, 16)
                            rows_v[cur, l, sl] = (
                                rows_v[cur, l, sl] + pos_v[l, sl])
                        return c
                    lax.fori_loop(lo, hi, body, 0)

                add_l(0, SPLIT)
                out_copy(ii, cur, 0).start()
                add_l(SPLIT, L)
                out_copy(ii, cur, 1).start()

        for t in range(NBUF):
            b = BPW - NBUF + t
            wait_out(b, b % NBUF)

    return k(x_r, embed, pos_embed)


def kernel(x, embed, pos_embed):
    B, L = x.shape
    V, D = embed.shape
    x_r = x.astype(jnp.int32).reshape(B * L // HALF, HALF)
    out = _sc_embed(x_r, embed, pos_embed)
    return out.reshape(B, L, D)

# --- scband reference (transcript-rebuilt; emitter-appended) ---
"""Pipeline reference for scband-embedding-66898410602520 (READ-ONLY COPY).

The authoritative reference and input builder live on the scoring server;
editing this copy changes nothing except your own understanding.
"""

import jax, jax.numpy as jnp
import numpy as np

VOCAB = 100000
L = 200
DMODEL = 128
B = 4096

def setup_inputs(seed: int = 0) -> dict:
    key = jax.random.key(seed)
    k1, k2, k3 = jax.random.split(key, 3)
    x = jax.random.randint(k1, (B, L), 0, VOCAB, dtype=jnp.int64 if jax.config.read('jax_enable_x64') else jnp.int32)
    embed = jax.random.normal(k2, (VOCAB, DMODEL), dtype=jnp.float32)
    pos_embed = jax.random.normal(k3, (L, DMODEL), dtype=jnp.float32)
    return {"x": x, "embed": embed, "pos_embed": pos_embed}

def reference(x, embed, pos_embed):
    Bx, Lx = x.shape
    pos_idx = jnp.arange(Lx)
    pos = jnp.take(pos_embed, pos_idx, axis=0)[None, :, :]  # (1, L, dmodel)
    y = jnp.take(embed, x, axis=0)  # (B, L, dmodel)
    y = y + pos
    return y

if __name__ == "__main__":
    import jax
    _d = setup_inputs()
    print(jax.jit(kernel)(*tuple(_d.values())))

</pallas_src>

<mosaic_0001>
#map = affine_map<(d0, d1) -> (0, 0)>
module attributes {stable_mosaic.version = 14 : i64} {
  func.func @k(%arg0: i32, %arg1: i32, %arg2: memref<8192x100xi32, #tpu.memory_space<hbm>>, %arg3: memref<100000x128xf32, #tpu.memory_space<hbm>>, %arg4: memref<200x128xf32, #tpu.memory_space<hbm>>, %arg5: memref<819200x128xf32, #tpu.memory_space<hbm>>, %arg6: memref<200x128xf32, #tpu.memory_space<vmem>>, %arg7: memref<4x2x100xi32, #tpu.memory_space<vmem>>, %arg8: memref<4x200x128xf32, #tpu.memory_space<vmem>>, %arg9: memref<!tpu.dma_semaphore, #tpu.memory_space<semaphore_mem>>, %arg10: memref<!tpu.dma_semaphore, #tpu.memory_space<semaphore_mem>>, %arg11: memref<!tpu.dma_semaphore, #tpu.memory_space<semaphore_mem>>, %arg12: memref<!tpu.dma_semaphore, #tpu.memory_space<semaphore_mem>>, %arg13: memref<!tpu.dma_semaphore, #tpu.memory_space<semaphore_mem>>, %arg14: memref<!tpu.dma_semaphore, #tpu.memory_space<semaphore_mem>>, %arg15: memref<!tpu.dma_semaphore, #tpu.memory_space<semaphore_mem>>, %arg16: memref<!tpu.dma_semaphore, #tpu.memory_space<semaphore_mem>>, %arg17: memref<!tpu.dma_semaphore, #tpu.memory_space<semaphore_mem>>, %arg18: memref<!tpu.dma_semaphore, #tpu.memory_space<semaphore_mem>>, %arg19: memref<!tpu.dma_semaphore, #tpu.memory_space<semaphore_mem>>, %arg20: memref<!tpu.dma_semaphore, #tpu.memory_space<semaphore_mem>>, %arg21: memref<!tpu.dma_semaphore, #tpu.memory_space<semaphore_mem>>) attributes {dimension_semantics = [#tpu.dimension_semantics<core_parallel>, #tpu.dimension_semantics<subcore_parallel>], iteration_bounds = array<i64: 2, 16>, scalar_prefetch = 0 : i64, scratch_operands = 16 : i64, tpu.core_type = #tpu.core_type<sc_vector_subcore>, window_params = [{transform_indices = #map}, {transform_indices = #map}, {transform_indices = #map}, {transform_indices = #map}]} {
    %mul3A = arith.constant 2 : i32
    %mul3A_0 = arith.muli %arg1, %mul3A : i32
    %add3A = arith.addi %mul3A_0, %arg0 : i32
    %mul3A_1 = arith.constant 128 : i32
    %mul3A_2 = arith.muli %add3A, %mul3A_1 : i32
    tpu.enqueue_dma source(%arg4 : memref<200x128xf32, #tpu.memory_space<hbm>>) target(%arg6 : memref<200x128xf32, #tpu.memory_space<vmem>>) target_semaphore(%arg21 : memref<!tpu.dma_semaphore, #tpu.memory_space<semaphore_mem>>)
    %add3A_3 = arith.constant 0 : i32
    %add3A_4 = arith.addi %mul3A_2, %add3A_3 : i32
    %mul3A_5 = arith.constant 2 : i32
    %mul3A_6 = arith.muli %add3A_4, %mul3A_5 : i32
    %dma_start3A = arith.constant 0 : i32
    %dma_start3A_7 = arith.constant 0 : i32
    %dma_start3A_8 = arith.constant 0 : i32
    %dma_start3A_9 = tpu.memref_slice %arg7[%dma_start3A, %dma_start3A_7, %dma_start3A_8] : memref<4x2x100xi32, #tpu.memory_space<vmem>> -> memref<1x2x100xi32, #tpu.memory_space<vmem>>
    %dma_start3A_10 = tpu.memref_squeeze %dma_start3A_9 : memref<1x2x100xi32, #tpu.memory_space<vmem>> -> memref<2x100xi32, #tpu.memory_space<vmem>>
    %dma_start3A_11 = arith.constant 0 : i32
    %dma_start3A_12 = tpu.memref_slice %arg2[%mul3A_6, %dma_start3A_11] : memref<8192x100xi32, #tpu.memory_space<hbm>> -> memref<2x100xi32, #tpu.memory_space<hbm>>
    %dma_start3A_13 = arith.constant 0 : i32
    %dma_start3A_14 = arith.constant 0 : i32
    %dma_start3A_15 = tpu.memref_slice %arg7[%dma_start3A, %dma_start3A_13, %dma_start3A_14] : memref<4x2x100xi32, #tpu.memory_space<vmem>> -> memref<1x2x100xi32, #tpu.memory_space<vmem>>
    %dma_start3A_16 = tpu.memref_squeeze %dma_start3A_15 : memref<1x2x100xi32, #tpu.memory_space<vmem>> -> memref<2x100xi32, #tpu.memory_space<vmem>>
    %dma_start3A_17 = arith.constant 0 : i32
    %dma_start3A_18 = tpu.memref_slice %arg2[%mul3A_6, %dma_start3A_17] : memref<8192x100xi32, #tpu.memory_space<hbm>> -> memref<2x100xi32, #tpu.memory_space<hbm>>
    tpu.enqueue_dma source(%dma_start3A_18 : memref<2x100xi32, #tpu.memory_space<hbm>>) target(%dma_start3A_16 : memref<2x100xi32, #tpu.memory_space<vmem>>) target_semaphore(%arg9 : memref<!tpu.dma_semaphore, #tpu.memory_space<semaphore_mem>>)
    %add3A_19 = arith.constant 1 : i32
    %add3A_20 = arith.addi %mul3A_2, %add3A_19 : i32
    %mul3A_21 = arith.constant 2 : i32
    %mul3A_22 = arith.muli %add3A_20, %mul3A_21 : i32
    %dma_start3A_23 = arith.constant 1 : i32
    %dma_start3A_24 = arith.constant 0 : i32
    %dma_start3A_25 = arith.constant 0 : i32
    %dma_start3A_26 = tpu.memref_slice %arg7[%dma_start3A_23, %dma_start3A_24, %dma_start3A_25] : memref<4x2x100xi32, #tpu.memory_space<vmem>> -> memref<1x2x100xi32, #tpu.memory_space<vmem>>
    %dma_start3A_27 = tpu.memref_squeeze %dma_start3A_26 : memref<1x2x100xi32, #tpu.memory_space<vmem>> -> memref<2x100xi32, #tpu.memory_space<vmem>>
    %dma_start3A_28 = arith.constant 0 : i32
    %dma_start3A_29 = tpu.memref_slice %arg2[%mul3A_22, %dma_start3A_28] : memref<8192x100xi32, #tpu.memory_space<hbm>> -> memref<2x100xi32, #tpu.memory_space<hbm>>
    %dma_start3A_30 = arith.constant 0 : i32
    %dma_start3A_31 = arith.constant 0 : i32
    %dma_start3A_32 = tpu.memref_slice %arg7[%dma_start3A_23, %dma_start3A_30, %dma_start3A_31] : memref<4x2x100xi32, #tpu.memory_space<vmem>> -> memref<1x2x100xi32, #tpu.memory_space<vmem>>
    %dma_start3A_33 = tpu.memref_squeeze %dma_start3A_32 : memref<1x2x100xi32, #tpu.memory_space<vmem>> -> memref<2x100xi32, #tpu.memory_space<vmem>>
    %dma_start3A_34 = arith.constant 0 : i32
    %dma_start3A_35 = tpu.memref_slice %arg2[%mul3A_22, %dma_start3A_34] : memref<8192x100xi32, #tpu.memory_space<hbm>> -> memref<2x100xi32, #tpu.memory_space<hbm>>
    tpu.enqueue_dma source(%dma_start3A_35 : memref<2x100xi32, #tpu.memory_space<hbm>>) target(%dma_start3A_33 : memref<2x100xi32, #tpu.memory_space<vmem>>) target_semaphore(%arg10 : memref<!tpu.dma_semaphore, #tpu.memory_space<semaphore_mem>>)
    %add3A_36 = arith.constant 2 : i32
    %add3A_37 = arith.addi %mul3A_2, %add3A_36 : i32
    %mul3A_38 = arith.constant 2 : i32
    %mul3A_39 = arith.muli %add3A_37, %mul3A_38 : i32
    %dma_start3A_40 = arith.constant 2 : i32
    %dma_start3A_41 = arith.constant 0 : i32
    %dma_start3A_42 = arith.constant 0 : i32
    %dma_start3A_43 = tpu.memref_slice %arg7[%dma_start3A_40, %dma_start3A_41, %dma_start3A_42] : memref<4x2x100xi32, #tpu.memory_space<vmem>> -> memref<1x2x100xi32, #tpu.memory_space<vmem>>
    %dma_start3A_44 = tpu.memref_squeeze %dma_start3A_43 : memref<1x2x100xi32, #tpu.memory_space<vmem>> -> memref<2x100xi32, #tpu.memory_space<vmem>>
    %dma_start3A_45 = arith.constant 0 : i32
    %dma_start3A_46 = tpu.memref_slice %arg2[%mul3A_39, %dma_start3A_45] : memref<8192x100xi32, #tpu.memory_space<hbm>> -> memref<2x100xi32, #tpu.memory_space<hbm>>
    %dma_start3A_47 = arith.constant 0 : i32
    %dma_start3A_48 = arith.constant 0 : i32
    %dma_start3A_49 = tpu.memref_slice %arg7[%dma_start3A_40, %dma_start3A_47, %dma_start3A_48] : memref<4x2x100xi32, #tpu.memory_space<vmem>> -> memref<1x2x100xi32, #tpu.memory_space<vmem>>
    %dma_start3A_50 = tpu.memref_squeeze %dma_start3A_49 : memref<1x2x100xi32, #tpu.memory_space<vmem>> -> memref<2x100xi32, #tpu.memory_space<vmem>>
    %dma_start3A_51 = arith.constant 0 : i32
    %dma_start3A_52 = tpu.memref_slice %arg2[%mul3A_39, %dma_start3A_51] : memref<8192x100xi32, #tpu.memory_space<hbm>> -> memref<2x100xi32, #tpu.memory_space<hbm>>
    tpu.enqueue_dma source(%dma_start3A_52 : memref<2x100xi32, #tpu.memory_space<hbm>>) target(%dma_start3A_50 : memref<2x100xi32, #tpu.memory_space<vmem>>) target_semaphore(%arg11 : memref<!tpu.dma_semaphore, #tpu.memory_space<semaphore_mem>>)
    %add3A_53 = arith.constant 3 : i32
    %add3A_54 = arith.addi %mul3A_2, %add3A_53 : i32
    %mul3A_55 = arith.constant 2 : i32
    %mul3A_56 = arith.muli %add3A_54, %mul3A_55 : i32
    %dma_start3A_57 = arith.constant 3 : i32
    %dma_start3A_58 = arith.constant 0 : i32
    %dma_start3A_59 = arith.constant 0 : i32
    %dma_start3A_60 = tpu.memref_slice %arg7[%dma_start3A_57, %dma_start3A_58, %dma_start3A_59] : memref<4x2x100xi32, #tpu.memory_space<vmem>> -> memref<1x2x100xi32, #tpu.memory_space<vmem>>
    %dma_start3A_61 = tpu.memref_squeeze %dma_start3A_60 : memref<1x2x100xi32, #tpu.memory_space<vmem>> -> memref<2x100xi32, #tpu.memory_space<vmem>>
    %dma_start3A_62 = arith.constant 0 : i32
    %dma_start3A_63 = tpu.memref_slice %arg2[%mul3A_56, %dma_start3A_62] : memref<8192x100xi32, #tpu.memory_space<hbm>> -> memref<2x100xi32, #tpu.memory_space<hbm>>
    %dma_start3A_64 = arith.constant 0 : i32
    %dma_start3A_65 = arith.constant 0 : i32
    %dma_start3A_66 = tpu.memref_slice %arg7[%dma_start3A_57, %dma_start3A_64, %dma_start3A_65] : memref<4x2x100xi32, #tpu.memory_space<vmem>> -> memref<1x2x100xi32, #tpu.memory_space<vmem>>
    %dma_start3A_67 = tpu.memref_squeeze %dma_start3A_66 : memref<1x2x100xi32, #tpu.memory_space<vmem>> -> memref<2x100xi32, #tpu.memory_space<vmem>>
    %dma_start3A_68 = arith.constant 0 : i32
    %dma_start3A_69 = tpu.memref_slice %arg2[%mul3A_56, %dma_start3A_68] : memref<8192x100xi32, #tpu.memory_space<hbm>> -> memref<2x100xi32, #tpu.memory_space<hbm>>
    tpu.enqueue_dma source(%dma_start3A_69 : memref<2x100xi32, #tpu.memory_space<hbm>>) target(%dma_start3A_67 : memref<2x100xi32, #tpu.memory_space<vmem>>) target_semaphore(%arg12 : memref<!tpu.dma_semaphore, #tpu.memory_space<semaphore_mem>>)
    %add3A_70 = arith.constant 0 : i32
    %add3A_71 = arith.addi %mul3A_2, %add3A_70 : i32
    %mul3A_72 = arith.constant 2 : i32
    %mul3A_73 = arith.muli %add3A_71, %mul3A_72 : i32
    %dma_wait3A = arith.constant 0 : i32
    %dma_wait3A_74 = arith.constant 0 : i32
    %dma_wait3A_75 = arith.constant 0 : i32
    %dma_wait3A_76 = tpu.memref_slice %arg7[%dma_wait3A, %dma_wait3A_74, %dma_wait3A_75] : memref<4x2x100xi32, #tpu.memory_space<vmem>> -> memref<1x2x100xi32, #tpu.memory_space<vmem>>
    %dma_wait3A_77 = tpu.memref_squeeze %dma_wait3A_76 : memref<1x2x100xi32, #tpu.memory_space<vmem>> -> memref<2x100xi32, #tpu.memory_space<vmem>>
    %dma_wait3A_78 = arith.constant 0 : i32
    %dma_wait3A_79 = tpu.memref_slice %arg2[%mul3A_73, %dma_wait3A_78] : memref<8192x100xi32, #tpu.memory_space<hbm>> -> memref<2x100xi32, #tpu.memory_space<hbm>>
    %dma_wait3A_80 = arith.constant 0 : i32
    %dma_wait3A_81 = arith.constant 0 : i32
    %dma_wait3A_82 = tpu.memref_slice %arg7[%dma_wait3A, %dma_wait3A_80, %dma_wait3A_81] : memref<4x2x100xi32, #tpu.memory_space<vmem>> -> memref<1x2x100xi32, #tpu.memory_space<vmem>>
    %dma_wait3A_83 = tpu.memref_squeeze %dma_wait3A_82 : memref<1x2x100xi32, #tpu.memory_space<vmem>> -> memref<2x100xi32, #tpu.memory_space<vmem>>
    %dma_wait3A_84 = arith.constant 0 : i32
    %dma_wait3A_85 = tpu.memref_slice %arg2[%mul3A_73, %dma_wait3A_84] : memref<8192x100xi32, #tpu.memory_space<hbm>> -> memref<2x100xi32, #tpu.memory_space<hbm>>
    tpu.wait_dma2 semaphore(%arg9 : memref<!tpu.dma_semaphore, #tpu.memory_space<semaphore_mem>>) src(%dma_wait3A_85 : memref<2x100xi32, #tpu.memory_space<hbm>>) dst(%dma_wait3A_83 : memref<2x100xi32, #tpu.memory_space<vmem>>)
    %dma_start3A_86 = arith.constant 0 : i32
    %dma_start3A_87 = arith.constant 0 : i32
    %dma_start3A_88 = arith.constant 0 : i32
    %dma_start3A_89 = arith.constant 0 : i32
    %dma_start3A_90 = arith.constant 0 : i32
    %dma_start3A_91 = tpu.memref_slice %arg8[%dma_start3A_88, %dma_start3A_89, %dma_start3A_90] : memref<4x200x128xf32, #tpu.memory_space<vmem>> -> memref<1x100x128xf32, #tpu.memory_space<vmem>>
    %dma_start3A_92 = tpu.memref_squeeze %dma_start3A_91 : memref<1x100x128xf32, #tpu.memory_space<vmem>> -> memref<100x128xf32, #tpu.memory_space<vmem>>
    %dma_start3A_93 = arith.constant 0 : i32
    %dma_start3A_94 = tpu.memref_slice %arg7[%dma_start3A_86, %dma_start3A_87, %dma_start3A_93] : memref<4x2x100xi32, #tpu.memory_space<vmem>> -> memref<1x1x100xi32, #tpu.memory_space<vmem>>
    %dma_start3A_95 = tpu.memref_squeeze %dma_start3A_94 : memref<1x1x100xi32, #tpu.memory_space<vmem>> -> memref<100xi32, #tpu.memory_space<vmem>>
    %dma_start3A_96 = arith.constant 0 : i32
    %dma_start3A_97 = arith.constant 0 : i32
    %dma_start3A_98 = tpu.memref_slice %arg3[%dma_start3A_96, %dma_start3A_97] : memref<100000x128xf32, #tpu.memory_space<hbm>> -> memref<100000x128xf32, #tpu.memory_space<hbm>>
    tpu.enqueue_indirect_dma source(%dma_start3A_98 : memref<100000x128xf32, #tpu.memory_space<hbm>>) target(%dma_start3A_92 : memref<100x128xf32, #tpu.memory_space<vmem>>) offsets(%dma_start3A_95 : memref<100xi32, #tpu.memory_space<vmem>>) semaphore(%arg13 : memref<!tpu.dma_semaphore, #tpu.memory_space<semaphore_mem>>)
    %dma_start3A_99 = arith.constant 0 : i32
    %dma_start3A_100 = arith.constant 1 : i32
    %dma_start3A_101 = arith.constant 0 : i32
    %dma_start3A_102 = arith.constant 100 : i32
    %dma_start3A_103 = arith.constant 0 : i32
    %dma_start3A_104 = tpu.memref_slice %arg8[%dma_start3A_101, %dma_start3A_102, %dma_start3A_103] : memref<4x200x128xf32, #tpu.memory_space<vmem>> -> memref<1x100x128xf32, #tpu.memory_space<vmem>>
    %dma_start3A_105 = tpu.memref_squeeze %dma_start3A_104 : memref<1x100x128xf32, #tpu.memory_space<vmem>> -> memref<100x128xf32, #tpu.memory_space<vmem>>
    %dma_start3A_106 = arith.constant 0 : i32
    %dma_start3A_107 = tpu.memref_slice %arg7[%dma_start3A_99, %dma_start3A_100, %dma_start3A_106] : memref<4x2x100xi32, #tpu.memory_space<vmem>> -> memref<1x1x100xi32, #tpu.memory_space<vmem>>
    %dma_start3A_108 = tpu.memref_squeeze %dma_start3A_107 : memref<1x1x100xi32, #tpu.memory_space<vmem>> -> memref<100xi32, #tpu.memory_space<vmem>>
    %dma_start3A_109 = arith.constant 0 : i32
    %dma_start3A_110 = arith.constant 0 : i32
    %dma_start3A_111 = tpu.memref_slice %arg3[%dma_start3A_109, %dma_start3A_110] : memref<100000x128xf32, #tpu.memory_space<hbm>> -> memref<100000x128xf32, #tpu.memory_space<hbm>>
    tpu.enqueue_indirect_dma source(%dma_start3A_111 : memref<100000x128xf32, #tpu.memory_space<hbm>>) target(%dma_start3A_105 : memref<100x128xf32, #tpu.memory_space<vmem>>) offsets(%dma_start3A_108 : memref<100xi32, #tpu.memory_space<vmem>>) semaphore(%arg13 : memref<!tpu.dma_semaphore, #tpu.memory_space<semaphore_mem>>)
    %add3A_112 = arith.constant 1 : i32
    %add3A_113 = arith.addi %mul3A_2, %add3A_112 : i32
    %mul3A_114 = arith.constant 2 : i32
    %mul3A_115 = arith.muli %add3A_113, %mul3A_114 : i32
    %dma_wait3A_116 = arith.constant 1 : i32
    %dma_wait3A_117 = arith.constant 0 : i32
    %dma_wait3A_118 = arith.constant 0 : i32
    %dma_wait3A_119 = tpu.memref_slice %arg7[%dma_wait3A_116, %dma_wait3A_117, %dma_wait3A_118] : memref<4x2x100xi32, #tpu.memory_space<vmem>> -> memref<1x2x100xi32, #tpu.memory_space<vmem>>
    %dma_wait3A_120 = tpu.memref_squeeze %dma_wait3A_119 : memref<1x2x100xi32, #tpu.memory_space<vmem>> -> memref<2x100xi32, #tpu.memory_space<vmem>>
    %dma_wait3A_121 = arith.constant 0 : i32
    %dma_wait3A_122 = tpu.memref_slice %arg2[%mul3A_115, %dma_wait3A_121] : memref<8192x100xi32, #tpu.memory_space<hbm>> -> memref<2x100xi32, #tpu.memory_space<hbm>>
    %dma_wait3A_123 = arith.constant 0 : i32
    %dma_wait3A_124 = arith.constant 0 : i32
    %dma_wait3A_125 = tpu.memref_slice %arg7[%dma_wait3A_116, %dma_wait3A_123, %dma_wait3A_124] : memref<4x2x100xi32, #tpu.memory_space<vmem>> -> memref<1x2x100xi32, #tpu.memory_space<vmem>>
    %dma_wait3A_126 = tpu.memref_squeeze %dma_wait3A_125 : memref<1x2x100xi32, #tpu.memory_space<vmem>> -> memref<2x100xi32, #tpu.memory_space<vmem>>
    %dma_wait3A_127 = arith.constant 0 : i32
    %dma_wait3A_128 = tpu.memref_slice %arg2[%mul3A_115, %dma_wait3A_127] : memref<8192x100xi32, #tpu.memory_space<hbm>> -> memref<2x100xi32, #tpu.memory_space<hbm>>
    tpu.wait_dma2 semaphore(%arg10 : memref<!tpu.dma_semaphore, #tpu.memory_space<semaphore_mem>>) src(%dma_wait3A_128 : memref<2x100xi32, #tpu.memory_space<hbm>>) dst(%dma_wait3A_126 : memref<2x100xi32, #tpu.memory_space<vmem>>)
    %dma_start3A_129 = arith.constant 1 : i32
    %dma_start3A_130 = arith.constant 0 : i32
    %dma_start3A_131 = arith.constant 1 : i32
    %dma_start3A_132 = arith.constant 0 : i32
    %dma_start3A_133 = arith.constant 0 : i32
    %dma_start3A_134 = tpu.memref_slice %arg8[%dma_start3A_131, %dma_start3A_132, %dma_start3A_133] : memref<4x200x128xf32, #tpu.memory_space<vmem>> -> memref<1x100x128xf32, #tpu.memory_space<vmem>>
    %dma_start3A_135 = tpu.memref_squeeze %dma_start3A_134 : memref<1x100x128xf32, #tpu.memory_space<vmem>> -> memref<100x128xf32, #tpu.memory_space<vmem>>
    %dma_start3A_136 = arith.constant 0 : i32
    %dma_start3A_137 = tpu.memref_slice %arg7[%dma_start3A_129, %dma_start3A_130, %dma_start3A_136] : memref<4x2x100xi32, #tpu.memory_space<vmem>> -> memref<1x1x100xi32, #tpu.memory_space<vmem>>
    %dma_start3A_138 = tpu.memref_squeeze %dma_start3A_137 : memref<1x1x100xi32, #tpu.memory_space<vmem>> -> memref<100xi32, #tpu.memory_space<vmem>>
    %dma_start3A_139 = arith.constant 0 : i32
    %dma_start3A_140 = arith.constant 0 : i32
    %dma_start3A_141 = tpu.memref_slice %arg3[%dma_start3A_139, %dma_start3A_140] : memref<100000x128xf32, #tpu.memory_space<hbm>> -> memref<100000x128xf32, #tpu.memory_space<hbm>>
    tpu.enqueue_indirect_dma source(%dma_start3A_141 : memref<100000x128xf32, #tpu.memory_space<hbm>>) target(%dma_start3A_135 : memref<100x128xf32, #tpu.memory_space<vmem>>) offsets(%dma_start3A_138 : memref<100xi32, #tpu.memory_space<vmem>>) semaphore(%arg14 : memref<!tpu.dma_semaphore, #tpu.memory_space<semaphore_mem>>)
    %dma_start3A_142 = arith.constant 1 : i32
    %dma_start3A_143 = arith.constant 1 : i32
    %dma_start3A_144 = arith.constant 1 : i32
    %dma_start3A_145 = arith.constant 100 : i32
    %dma_start3A_146 = arith.constant 0 : i32
    %dma_start3A_147 = tpu.memref_slice %arg8[%dma_start3A_144, %dma_start3A_145, %dma_start3A_146] : memref<4x200x128xf32, #tpu.memory_space<vmem>> -> memref<1x100x128xf32, #tpu.memory_space<vmem>>
    %dma_start3A_148 = tpu.memref_squeeze %dma_start3A_147 : memref<1x100x128xf32, #tpu.memory_space<vmem>> -> memref<100x128xf32, #tpu.memory_space<vmem>>
    %dma_start3A_149 = arith.constant 0 : i32
    %dma_start3A_150 = tpu.memref_slice %arg7[%dma_start3A_142, %dma_start3A_143, %dma_start3A_149] : memref<4x2x100xi32, #tpu.memory_space<vmem>> -> memref<1x1x100xi32, #tpu.memory_space<vmem>>
    %dma_start3A_151 = tpu.memref_squeeze %dma_start3A_150 : memref<1x1x100xi32, #tpu.memory_space<vmem>> -> memref<100xi32, #tpu.memory_space<vmem>>
    %dma_start3A_152 = arith.constant 0 : i32
    %dma_start3A_153 = arith.constant 0 : i32
    %dma_start3A_154 = tpu.memref_slice %arg3[%dma_start3A_152, %dma_start3A_153] : memref<100000x128xf32, #tpu.memory_space<hbm>> -> memref<100000x128xf32, #tpu.memory_space<hbm>>
    tpu.enqueue_indirect_dma source(%dma_start3A_154 : memref<100000x128xf32, #tpu.memory_space<hbm>>) target(%dma_start3A_148 : memref<100x128xf32, #tpu.memory_space<vmem>>) offsets(%dma_start3A_151 : memref<100xi32, #tpu.memory_space<vmem>>) semaphore(%arg14 : memref<!tpu.dma_semaphore, #tpu.memory_space<semaphore_mem>>)
    tpu.wait_dma2 semaphore(%arg21 : memref<!tpu.dma_semaphore, #tpu.memory_space<semaphore_mem>>) src(%arg4 : memref<200x128xf32, #tpu.memory_space<hbm>>) dst(%arg6 : memref<200x128xf32, #tpu.memory_space<vmem>>)
    %scan3A = arith.constant 0 : i32
    %scan3A_155 = arith.constant 32 : i32
    %scan3A_156 = arith.addi %scan3A, %scan3A_155 : i32
    %scan3A_157 = arith.constant 1 : i32
    scf.for %scan3A_311 = %scan3A to %scan3A_156 step %scan3A_157  : i32 {
      %mul3A_312 = arith.constant 4 : i32
      %mul3A_313 = arith.muli %scan3A_311, %mul3A_312 : i32
      %add3A_314 = arith.constant 0 : i32
      %add3A_315 = arith.addi %add3A_314, %mul3A_313 : i32
      %add3A_316 = arith.constant 0 : i32
      %add3A_317 = arith.addi %add3A_315, %add3A_316 : i32
      %add3A_318 = arith.constant 2 : i32
      %add3A_319 = arith.addi %add3A_317, %add3A_318 : i32
      %lt3A = arith.constant 128 : i32
      %lt3A_320 = arith.cmpi slt, %add3A_319, %lt3A : i32
      %convert_element_type3A = arith.extui %lt3A_320 : i1 to i32
      %cond3A = arith.constant 0 : i32
      %cond3A_321 = arith.cmpi ne, %convert_element_type3A, %cond3A : i32
      scf.if %cond3A_321 {
        %add3A_673 = arith.constant 2 : i32
        %add3A_674 = arith.addi %add3A_317, %add3A_673 : i32
        %add3A_675 = arith.addi %mul3A_2, %add3A_674 : i32
        %mul3A_676 = arith.constant 2 : i32
        %mul3A_677 = arith.muli %add3A_675, %mul3A_676 : i32
        %dma_wait3A_678 = arith.constant 2 : i32
        %dma_wait3A_679 = arith.constant 0 : i32
        %dma_wait3A_680 = arith.constant 0 : i32
        %dma_wait3A_681 = tpu.memref_slice %arg7[%dma_wait3A_678, %dma_wait3A_679, %dma_wait3A_680] : memref<4x2x100xi32, #tpu.memory_space<vmem>> -> memref<1x2x100xi32, #tpu.memory_space<vmem>>
        %dma_wait3A_682 = tpu.memref_squeeze %dma_wait3A_681 : memref<1x2x100xi32, #tpu.memory_space<vmem>> -> memref<2x100xi32, #tpu.memory_space<vmem>>
        %dma_wait3A_683 = arith.constant 0 : i32
        %dma_wait3A_684 = tpu.memref_slice %arg2[%mul3A_677, %dma_wait3A_683] : memref<8192x100xi32, #tpu.memory_space<hbm>> -> memref<2x100xi32, #tpu.memory_space<hbm>>
        %dma_wait3A_685 = arith.constant 0 : i32
        %dma_wait3A_686 = arith.constant 0 : i32
        %dma_wait3A_687 = tpu.memref_slice %arg7[%dma_wait3A_678, %dma_wait3A_685, %dma_wait3A_686] : memref<4x2x100xi32, #tpu.memory_space<vmem>> -> memref<1x2x100xi32, #tpu.memory_space<vmem>>
        %dma_wait3A_688 = tpu.memref_squeeze %dma_wait3A_687 : memref<1x2x100xi32, #tpu.memory_space<vmem>> -> memref<2x100xi32, #tpu.memory_space<vmem>>
        %dma_wait3A_689 = arith.constant 0 : i32
        %dma_wait3A_690 = tpu.memref_slice %arg2[%mul3A_677, %dma_wait3A_689] : memref<8192x100xi32, #tpu.memory_space<hbm>> -> memref<2x100xi32, #tpu.memory_space<hbm>>
        tpu.wait_dma2 semaphore(%arg11 : memref<!tpu.dma_semaphore, #tpu.memory_space<semaphore_mem>>) src(%dma_wait3A_690 : memref<2x100xi32, #tpu.memory_space<hbm>>) dst(%dma_wait3A_688 : memref<2x100xi32, #tpu.memory_space<vmem>>)
        %ge3A = arith.constant 2 : i32
        %ge3A_691 = arith.cmpi sge, %add3A_317, %ge3A : i32
        %convert_element_type3A_692 = arith.extui %ge3A_691 : i1 to i32
        %cond3A_693 = arith.constant 0 : i32
        %cond3A_694 = arith.cmpi ne, %convert_element_type3A_692, %cond3A_693 : i32
        scf.if %cond3A_694 {
          %sub3A = arith.constant 2 : i32
          %sub3A_723 = arith.subi %add3A_317, %sub3A : i32
          %add3A_724 = arith.addi %mul3A_2, %sub3A_723 : i32
          %mul3A_725 = arith.constant 200 : i32
          %mul3A_726 = arith.muli %add3A_724, %mul3A_725 : i32
          %add3A_727 = arith.constant 0 : i32
          %add3A_728 = arith.addi %mul3A_726, %add3A_727 : i32
          %dma_wait3A_729 = arith.constant 2 : i32
          %dma_wait3A_730 = arith.constant 0 : i32
          %dma_wait3A_731 = arith.constant 0 : i32
          %dma_wait3A_732 = tpu.memref_slice %arg8[%dma_wait3A_729, %dma_wait3A_730, %dma_wait3A_731] : memref<4x200x128xf32, #tpu.memory_space<vmem>> -> memref<1x104x128xf32, #tpu.memory_space<vmem>>
          %dma_wait3A_733 = tpu.memref_squeeze %dma_wait3A_732 : memref<1x104x128xf32, #tpu.memory_space<vmem>> -> memref<104x128xf32, #tpu.memory_space<vmem>>
          %dma_wait3A_734 = arith.constant 0 : i32
          %dma_wait3A_735 = tpu.memref_slice %arg5[%add3A_728, %dma_wait3A_734] : memref<819200x128xf32, #tpu.memory_space<hbm>> -> memref<104x128xf32, #tpu.memory_space<hbm>>
          %dma_wait3A_736 = arith.constant 0 : i32
          %dma_wait3A_737 = tpu.memref_slice %arg5[%add3A_728, %dma_wait3A_736] : memref<819200x128xf32, #tpu.memory_space<hbm>> -> memref<104x128xf32, #tpu.memory_space<hbm>>
          %dma_wait3A_738 = arith.constant 0 : i32
          %dma_wait3A_739 = arith.constant 0 : i32
          %dma_wait3A_740 = tpu.memref_slice %arg8[%dma_wait3A_729, %dma_wait3A_738, %dma_wait3A_739] : memref<4x200x128xf32, #tpu.memory_space<vmem>> -> memref<1x104x128xf32, #tpu.memory_space<vmem>>
          %dma_wait3A_741 = tpu.memref_squeeze %dma_wait3A_740 : memref<1x104x128xf32, #tpu.memory_space<vmem>> -> memref<104x128xf32, #tpu.memory_space<vmem>>
          tpu.wait_dma2 semaphore(%arg19 : memref<!tpu.dma_semaphore, #tpu.memory_space<semaphore_mem>>) src(%dma_wait3A_741 : memref<104x128xf32, #tpu.memory_space<vmem>>) dst(%dma_wait3A_737 : memref<104x128xf32, #tpu.memory_space<hbm>>)
          %add3A_742 = arith.addi %mul3A_2, %sub3A_723 : i32
          %mul3A_743 = arith.constant 200 : i32
          %mul3A_744 = arith.muli %add3A_742, %mul3A_743 : i32
          %add3A_745 = arith.constant 104 : i32
          %add3A_746 = arith.addi %mul3A_744, %add3A_745 : i32
          %dma_wait3A_747 = arith.constant 2 : i32
          %dma_wait3A_748 = arith.constant 104 : i32
          %dma_wait3A_749 = arith.constant 0 : i32
          %dma_wait3A_750 = tpu.memref_slice %arg8[%dma_wait3A_747, %dma_wait3A_748, %dma_wait3A_749] : memref<4x200x128xf32, #tpu.memory_space<vmem>> -> memref<1x96x128xf32, #tpu.memory_space<vmem>>
          %dma_wait3A_751 = tpu.memref_squeeze %dma_wait3A_750 : memref<1x96x128xf32, #tpu.memory_space<vmem>> -> memref<96x128xf32, #tpu.memory_space<vmem>>
          %dma_wait3A_752 = arith.constant 0 : i32
          %dma_wait3A_753 = tpu.memref_slice %arg5[%add3A_746, %dma_wait3A_752] : memref<819200x128xf32, #tpu.memory_space<hbm>> -> memref<96x128xf32, #tpu.memory_space<hbm>>
          %dma_wait3A_754 = arith.constant 0 : i32
          %dma_wait3A_755 = tpu.memref_slice %arg5[%add3A_746, %dma_wait3A_754] : memref<819200x128xf32, #tpu.memory_space<hbm>> -> memref<96x128xf32, #tpu.memory_space<hbm>>
          %dma_wait3A_756 = arith.constant 104 : i32
          %dma_wait3A_757 = arith.constant 0 : i32
          %dma_wait3A_758 = tpu.memref_slice %arg8[%dma_wait3A_747, %dma_wait3A_756, %dma_wait3A_757] : memref<4x200x128xf32, #tpu.memory_space<vmem>> -> memref<1x96x128xf32, #tpu.memory_space<vmem>>
          %dma_wait3A_759 = tpu.memref_squeeze %dma_wait3A_758 : memref<1x96x128xf32, #tpu.memory_space<vmem>> -> memref<96x128xf32, #tpu.memory_space<vmem>>
          tpu.wait_dma2 semaphore(%arg19 : memref<!tpu.dma_semaphore, #tpu.memory_space<semaphore_mem>>) src(%dma_wait3A_759 : memref<96x128xf32, #tpu.memory_space<vmem>>) dst(%dma_wait3A_755 : memref<96x128xf32, #tpu.memory_space<hbm>>)
        } else {
        }
        %add3A_695 = arith.constant 2 : i32
        %add3A_696 = arith.addi %add3A_317, %add3A_695 : i32
        %dma_start3A_697 = arith.constant 2 : i32
        %dma_start3A_698 = arith.constant 0 : i32
        %dma_start3A_699 = arith.constant 2 : i32
        %dma_start3A_700 = arith.constant 0 : i32
        %dma_start3A_701 = arith.constant 0 : i32
        %dma_start3A_702 = tpu.memref_slice %arg8[%dma_start3A_699, %dma_start3A_700, %dma_start3A_701] : memref<4x200x128xf32, #tpu.memory_space<vmem>> -> memref<1x100x128xf32, #tpu.memory_space<vmem>>
        %dma_start3A_703 = tpu.memref_squeeze %dma_start3A_702 : memref<1x100x128xf32, #tpu.memory_space<vmem>> -> memref<100x128xf32, #tpu.memory_space<vmem>>
        %dma_start3A_704 = arith.constant 0 : i32
        %dma_start3A_705 = tpu.memref_slice %arg7[%dma_start3A_697, %dma_start3A_698, %dma_start3A_704] : memref<4x2x100xi32, #tpu.memory_space<vmem>> -> memref<1x1x100xi32, #tpu.memory_space<vmem>>
        %dma_start3A_706 = tpu.memref_squeeze %dma_start3A_705 : memref<1x1x100xi32, #tpu.memory_space<vmem>> -> memref<100xi32, #tpu.memory_space<vmem>>
        %dma_start3A_707 = arith.constant 0 : i32
        %dma_start3A_708 = arith.constant 0 : i32
        %dma_start3A_709 = tpu.memref_slice %arg3[%dma_start3A_707, %dma_start3A_708] : memref<100000x128xf32, #tpu.memory_space<hbm>> -> memref<100000x128xf32, #tpu.memory_space<hbm>>
        tpu.enqueue_indirect_dma source(%dma_start3A_709 : memref<100000x128xf32, #tpu.memory_space<hbm>>) target(%dma_start3A_703 : memref<100x128xf32, #tpu.memory_space<vmem>>) offsets(%dma_start3A_706 : memref<100xi32, #tpu.memory_space<vmem>>) semaphore(%arg15 : memref<!tpu.dma_semaphore, #tpu.memory_space<semaphore_mem>>)
        %dma_start3A_710 = arith.constant 2 : i32
        %dma_start3A_711 = arith.constant 1 : i32
        %dma_start3A_712 = arith.constant 2 : i32
        %dma_start3A_713 = arith.constant 100 : i32
        %dma_start3A_714 = arith.constant 0 : i32
        %dma_start3A_715 = tpu.memref_slice %arg8[%dma_start3A_712, %dma_start3A_713, %dma_start3A_714] : memref<4x200x128xf32, #tpu.memory_space<vmem>> -> memref<1x100x128xf32, #tpu.memory_space<vmem>>
        %dma_start3A_716 = tpu.memref_squeeze %dma_start3A_715 : memref<1x100x128xf32, #tpu.memory_space<vmem>> -> memref<100x128xf32, #tpu.memory_space<vmem>>
        %dma_start3A_717 = arith.constant 0 : i32
        %dma_start3A_718 = tpu.memref_slice %arg7[%dma_start3A_710, %dma_start3A_711, %dma_start3A_717] : memref<4x2x100xi32, #tpu.memory_space<vmem>> -> memref<1x1x100xi32, #tpu.memory_space<vmem>>
        %dma_start3A_719 = tpu.memref_squeeze %dma_start3A_718 : memref<1x1x100xi32, #tpu.memory_space<vmem>> -> memref<100xi32, #tpu.memory_space<vmem>>
        %dma_start3A_720 = arith.constant 0 : i32
        %dma_start3A_721 = arith.constant 0 : i32
        %dma_start3A_722 = tpu.memref_slice %arg3[%dma_start3A_720, %dma_start3A_721] : memref<100000x128xf32, #tpu.memory_space<hbm>> -> memref<100000x128xf32, #tpu.memory_space<hbm>>
        tpu.enqueue_indirect_dma source(%dma_start3A_722 : memref<100000x128xf32, #tpu.memory_space<hbm>>) target(%dma_start3A_716 : memref<100x128xf32, #tpu.memory_space<vmem>>) offsets(%dma_start3A_719 : memref<100xi32, #tpu.memory_space<vmem>>) semaphore(%arg15 : memref<!tpu.dma_semaphore, #tpu.memory_space<semaphore_mem>>)
      } else {
      }
      %dma_wait3A_322 = arith.constant 0 : i32
      %dma_wait3A_323 = arith.constant 0 : i32
      %dma_wait3A_324 = arith.constant 0 : i32
      %dma_wait3A_325 = arith.constant 0 : i32
      %dma_wait3A_326 = arith.constant 0 : i32
      %dma_wait3A_327 = tpu.memref_slice %arg8[%dma_wait3A_324, %dma_wait3A_325, %dma_wait3A_326] : memref<4x200x128xf32, #tpu.memory_space<vmem>> -> memref<1x100x128xf32, #tpu.memory_space<vmem>>
      %dma_wait3A_328 = tpu.memref_squeeze %dma_wait3A_327 : memref<1x100x128xf32, #tpu.memory_space<vmem>> -> memref<100x128xf32, #tpu.memory_space<vmem>>
      %dma_wait3A_329 = arith.constant 0 : i32
      %dma_wait3A_330 = tpu.memref_slice %arg7[%dma_wait3A_322, %dma_wait3A_323, %dma_wait3A_329] : memref<4x2x100xi32, #tpu.memory_space<vmem>> -> memref<1x1x100xi32, #tpu.memory_space<vmem>>
      %dma_wait3A_331 = tpu.memref_squeeze %dma_wait3A_330 : memref<1x1x100xi32, #tpu.memory_space<vmem>> -> memref<100xi32, #tpu.memory_space<vmem>>
      %dma_wait3A_332 = arith.constant 0 : i32
      %dma_wait3A_333 = arith.constant 0 : i32
      %dma_wait3A_334 = tpu.memref_slice %arg3[%dma_wait3A_332, %dma_wait3A_333] : memref<100000x128xf32, #tpu.memory_space<hbm>> -> memref<100000x128xf32, #tpu.memory_space<hbm>>
      tpu.wait_indirect_dma semaphore(%arg13 : memref<!tpu.dma_semaphore, #tpu.memory_space<semaphore_mem>>) src(%dma_wait3A_334 : memref<100000x128xf32, #tpu.memory_space<hbm>>) dst(%dma_wait3A_328 : memref<100x128xf32, #tpu.memory_space<vmem>>)
      %dma_wait3A_335 = arith.constant 0 : i32
      %dma_wait3A_336 = arith.constant 1 : i32
      %dma_wait3A_337 = arith.constant 0 : i32
      %dma_wait3A_338 = arith.constant 100 : i32
      %dma_wait3A_339 = arith.constant 0 : i32
      %dma_wait3A_340 = tpu.memref_slice %arg8[%dma_wait3A_337, %dma_wait3A_338, %dma_wait3A_339] : memref<4x200x128xf32, #tpu.memory_space<vmem>> -> memref<1x100x128xf32, #tpu.memory_space<vmem>>
      %dma_wait3A_341 = tpu.memref_squeeze %dma_wait3A_340 : memref<1x100x128xf32, #tpu.memory_space<vmem>> -> memref<100x128xf32, #tpu.memory_space<vmem>>
      %dma_wait3A_342 = arith.constant 0 : i32
      %dma_wait3A_343 = tpu.memref_slice %arg7[%dma_wait3A_335, %dma_wait3A_336, %dma_wait3A_342] : memref<4x2x100xi32, #tpu.memory_space<vmem>> -> memref<1x1x100xi32, #tpu.memory_space<vmem>>
      %dma_wait3A_344 = tpu.memref_squeeze %dma_wait3A_343 : memref<1x1x100xi32, #tpu.memory_space<vmem>> -> memref<100xi32, #tpu.memory_space<vmem>>
      %dma_wait3A_345 = arith.constant 0 : i32
      %dma_wait3A_346 = arith.constant 0 : i32
      %dma_wait3A_347 = tpu.memref_slice %arg3[%dma_wait3A_345, %dma_wait3A_346] : memref<100000x128xf32, #tpu.memory_space<hbm>> -> memref<100000x128xf32, #tpu.memory_space<hbm>>
      tpu.wait_indirect_dma semaphore(%arg13 : memref<!tpu.dma_semaphore, #tpu.memory_space<semaphore_mem>>) src(%dma_wait3A_347 : memref<100000x128xf32, #tpu.memory_space<hbm>>) dst(%dma_wait3A_341 : memref<100x128xf32, #tpu.memory_space<vmem>>)
      %add3A_348 = arith.constant 4 : i32
      %add3A_349 = arith.addi %add3A_317, %add3A_348 : i32
      %lt3A_350 = arith.constant 128 : i32
      %lt3A_351 = arith.cmpi slt, %add3A_349, %lt3A_350 : i32
      %convert_element_type3A_352 = arith.extui %lt3A_351 : i1 to i32
      %cond3A_353 = arith.constant 0 : i32
      %cond3A_354 = arith.cmpi ne, %convert_element_type3A_352, %cond3A_353 : i32
      scf.if %cond3A_354 {
        %add3A_673 = arith.constant 4 : i32
        %add3A_674 = arith.addi %add3A_317, %add3A_673 : i32
        %add3A_675 = arith.addi %mul3A_2, %add3A_674 : i32
        %mul3A_676 = arith.constant 2 : i32
        %mul3A_677 = arith.muli %add3A_675, %mul3A_676 : i32
        %dma_start3A_678 = arith.constant 0 : i32
        %dma_start3A_679 = arith.constant 0 : i32
        %dma_start3A_680 = arith.constant 0 : i32
        %dma_start3A_681 = tpu.memref_slice %arg7[%dma_start3A_678, %dma_start3A_679, %dma_start3A_680] : memref<4x2x100xi32, #tpu.memory_space<vmem>> -> memref<1x2x100xi32, #tpu.memory_space<vmem>>
        %dma_start3A_682 = tpu.memref_squeeze %dma_start3A_681 : memref<1x2x100xi32, #tpu.memory_space<vmem>> -> memref<2x100xi32, #tpu.memory_space<vmem>>
        %dma_start3A_683 = arith.constant 0 : i32
        %dma_start3A_684 = tpu.memref_slice %arg2[%mul3A_677, %dma_start3A_683] : memref<8192x100xi32, #tpu.memory_space<hbm>> -> memref<2x100xi32, #tpu.memory_space<hbm>>
        %dma_start3A_685 = arith.constant 0 : i32
        %dma_start3A_686 = arith.constant 0 : i32
        %dma_start3A_687 = tpu.memref_slice %arg7[%dma_start3A_678, %dma_start3A_685, %dma_start3A_686] : memref<4x2x100xi32, #tpu.memory_space<vmem>> -> memref<1x2x100xi32, #tpu.memory_space<vmem>>
        %dma_start3A_688 = tpu.memref_squeeze %dma_start3A_687 : memref<1x2x100xi32, #tpu.memory_space<vmem>> -> memref<2x100xi32, #tpu.memory_space<vmem>>
        %dma_start3A_689 = arith.constant 0 : i32
        %dma_start3A_690 = tpu.memref_slice %arg2[%mul3A_677, %dma_start3A_689] : memref<8192x100xi32, #tpu.memory_space<hbm>> -> memref<2x100xi32, #tpu.memory_space<hbm>>
        tpu.enqueue_dma source(%dma_start3A_690 : memref<2x100xi32, #tpu.memory_space<hbm>>) target(%dma_start3A_688 : memref<2x100xi32, #tpu.memory_space<vmem>>) target_semaphore(%arg9 : memref<!tpu.dma_semaphore, #tpu.memory_space<semaphore_mem>>)
      } else {
      }
      %scan3A_355 = arith.constant 0 : i32
      %scan3A_356 = arith.constant 0 : i32
      %scan3A_357 = arith.constant 104 : i32
      %scan3A_358 = arith.addi %scan3A_356, %scan3A_357 : i32
      %scan3A_359 = arith.constant 1 : i32
      scf.for %scan3A_673 = %scan3A_356 to %scan3A_358 step %scan3A_359  : i32 {
        %get3A = arith.constant 0 : i32
        %get3A_674 = arith.index_cast %get3A : i32 to index
        %get3A_675 = arith.index_cast %scan3A_673 : i32 to index
        %get3A_676 = arith.constant 0 : index
        %get3A_677 = tpu.vector_load %arg8[%get3A_674, %get3A_675, %get3A_676] {strides = array<i32>} : memref<4x200x128xf32, #tpu.memory_space<vmem>>, vector<1x1x16xf32>,
        %get3A_678 = vector.shape_cast %get3A_677 : vector<1x1x16xf32> to vector<16xf32>
        %get3A_679 = arith.index_cast %scan3A_673 : i32 to index
        %get3A_680 = arith.constant 0 : index
        %get3A_681 = tpu.vector_load %arg6[%get3A_679, %get3A_680] {strides = array<i32>} : memref<200x128xf32, #tpu.memory_space<vmem>>, vector<1x16xf32>,
        %get3A_682 = vector.shape_cast %get3A_681 : vector<1x16xf32> to vector<16xf32>
        %add3A_683 = arith.addf %get3A_678, %get3A_682 : vector<16xf32>
        %swap3A = arith.constant 0 : i32
        %swap3A_684 = arith.index_cast %swap3A : i32 to index
        %swap3A_685 = arith.index_cast %scan3A_673 : i32 to index
        %swap3A_686 = arith.constant 0 : index
        %swap3A_687 = tpu.vector_load %arg8[%swap3A_684, %swap3A_685, %swap3A_686] {strides = array<i32>} : memref<4x200x128xf32, #tpu.memory_space<vmem>>, vector<1x1x16xf32>,
        %swap3A_688 = vector.shape_cast %swap3A_687 : vector<1x1x16xf32> to vector<16xf32>
        %swap3A_689 = vector.shape_cast %add3A_683 : vector<16xf32> to vector<1x1x16xf32>
        tpu.vector_store %arg8[%swap3A_684, %swap3A_685, %swap3A_686], %swap3A_689 {strides = array<i32>} : memref<4x200x128xf32, #tpu.memory_space<vmem>>, vector<1x1x16xf32>,
        %get3A_690 = arith.constant 0 : i32
        %get3A_691 = arith.index_cast %get3A_690 : i32 to index
        %get3A_692 = arith.index_cast %scan3A_673 : i32 to index
        %get3A_693 = arith.constant 16 : index
        %get3A_694 = tpu.vector_load %arg8[%get3A_691, %get3A_692, %get3A_693] {strides = array<i32>} : memref<4x200x128xf32, #tpu.memory_space<vmem>>, vector<1x1x16xf32>,
        %get3A_695 = vector.shape_cast %get3A_694 : vector<1x1x16xf32> to vector<16xf32>
        %get3A_696 = arith.index_cast %scan3A_673 : i32 to index
        %get3A_697 = arith.constant 16 : index
        %get3A_698 = tpu.vector_load %arg6[%get3A_696, %get3A_697] {strides = array<i32>} : memref<200x128xf32, #tpu.memory_space<vmem>>, vector<1x16xf32>,
        %get3A_699 = vector.shape_cast %get3A_698 : vector<1x16xf32> to vector<16xf32>
        %add3A_700 = arith.addf %get3A_695, %get3A_699 : vector<16xf32>
        %swap3A_701 = arith.constant 0 : i32
        %swap3A_702 = arith.index_cast %swap3A_701 : i32 to index
        %swap3A_703 = arith.index_cast %scan3A_673 : i32 to index
        %swap3A_704 = arith.constant 16 : index
        %swap3A_705 = tpu.vector_load %arg8[%swap3A_702, %swap3A_703, %swap3A_704] {strides = array<i32>} : memref<4x200x128xf32, #tpu.memory_space<vmem>>, vector<1x1x16xf32>,
        %swap3A_706 = vector.shape_cast %swap3A_705 : vector<1x1x16xf32> to vector<16xf32>
        %swap3A_707 = vector.shape_cast %add3A_700 : vector<16xf32> to vector<1x1x16xf32>
        tpu.vector_store %arg8[%swap3A_702, %swap3A_703, %swap3A_704], %swap3A_707 {strides = array<i32>} : memref<4x200x128xf32, #tpu.memory_space<vmem>>, vector<1x1x16xf32>,
        %get3A_708 = arith.constant 0 : i32
        %get3A_709 = arith.index_cast %get3A_708 : i32 to index
        %get3A_710 = arith.index_cast %scan3A_673 : i32 to index
        %get3A_711 = arith.constant 32 : index
        %get3A_712 = tpu.vector_load %arg8[%get3A_709, %get3A_710, %get3A_711] {strides = array<i32>} : memref<4x200x128xf32, #tpu.memory_space<vmem>>, vector<1x1x16xf32>,
        %get3A_713 = vector.shape_cast %get3A_712 : vector<1x1x16xf32> to vector<16xf32>
        %get3A_714 = arith.index_cast %scan3A_673 : i32 to index
        %get3A_715 = arith.constant 32 : index
        %get3A_716 = tpu.vector_load %arg6[%get3A_714, %get3A_715] {strides = array<i32>} : memref<200x128xf32, #tpu.memory_space<vmem>>, vector<1x16xf32>,
        %get3A_717 = vector.shape_cast %get3A_716 : vector<1x16xf32> to vector<16xf32>
        %add3A_718 = arith.addf %get3A_713, %get3A_717 : vector<16xf32>
        %swap3A_719 = arith.constant 0 : i32
        %swap3A_720 = arith.index_cast %swap3A_719 : i32 to index
        %swap3A_721 = arith.index_cast %scan3A_673 : i32 to index
        %swap3A_722 = arith.constant 32 : index
        %swap3A_723 = tpu.vector_load %arg8[%swap3A_720, %swap3A_721, %swap3A_722] {strides = array<i32>} : memref<4x200x128xf32, #tpu.memory_space<vmem>>, vector<1x1x16xf32>,
        %swap3A_724 = vector.shape_cast %swap3A_723 : vector<1x1x16xf32> to vector<16xf32>
        %swap3A_725 = vector.shape_cast %add3A_718 : vector<16xf32> to vector<1x1x16xf32>
        tpu.vector_store %arg8[%swap3A_720, %swap3A_721, %swap3A_722], %swap3A_725 {strides = array<i32>} : memref<4x200x128xf32, #tpu.memory_space<vmem>>, vector<1x1x16xf32>,
        %get3A_726 = arith.constant 0 : i32
        %get3A_727 = arith.index_cast %get3A_726 : i32 to index
        %get3A_728 = arith.index_cast %scan3A_673 : i32 to index
        %get3A_729 = arith.constant 48 : index
        %get3A_730 = tpu.vector_load %arg8[%get3A_727, %get3A_728, %get3A_729] {strides = array<i32>} : memref<4x200x128xf32, #tpu.memory_space<vmem>>, vector<1x1x16xf32>,
        %get3A_731 = vector.shape_cast %get3A_730 : vector<1x1x16xf32> to vector<16xf32>
        %get3A_732 = arith.index_cast %scan3A_673 : i32 to index
        %get3A_733 = arith.constant 48 : index
        %get3A_734 = tpu.vector_load %arg6[%get3A_732, %get3A_733] {strides = array<i32>} : memref<200x128xf32, #tpu.memory_space<vmem>>, vector<1x16xf32>,
        %get3A_735 = vector.shape_cast %get3A_734 : vector<1x16xf32> to vector<16xf32>
        %add3A_736 = arith.addf %get3A_731, %get3A_735 : vector<16xf32>
        %swap3A_737 = arith.constant 0 : i32
        %swap3A_738 = arith.index_cast %swap3A_737 : i32 to index
        %swap3A_739 = arith.index_cast %scan3A_673 : i32 to index
        %swap3A_740 = arith.constant 48 : index
        %swap3A_741 = tpu.vector_load %arg8[%swap3A_738, %swap3A_739, %swap3A_740] {strides = array<i32>} : memref<4x200x128xf32, #tpu.memory_space<vmem>>, vector<1x1x16xf32>,
        %swap3A_742 = vector.shape_cast %swap3A_741 : vector<1x1x16xf32> to vector<16xf32>
        %swap3A_743 = vector.shape_cast %add3A_736 : vector<16xf32> to vector<1x1x16xf32>
        tpu.vector_store %arg8[%swap3A_738, %swap3A_739, %swap3A_740], %swap3A_743 {strides = array<i32>} : memref<4x200x128xf32, #tpu.memory_space<vmem>>, vector<1x1x16xf32>,
        %get3A_744 = arith.constant 0 : i32
        %get3A_745 = arith.index_cast %get3A_744 : i32 to index
        %get3A_746 = arith.index_cast %scan3A_673 : i32 to index
        %get3A_747 = arith.constant 64 : index
        %get3A_748 = tpu.vector_load %arg8[%get3A_745, %get3A_746, %get3A_747] {strides = array<i32>} : memref<4x200x128xf32, #tpu.memory_space<vmem>>, vector<1x1x16xf32>,
        %get3A_749 = vector.shape_cast %get3A_748 : vector<1x1x16xf32> to vector<16xf32>
        %get3A_750 = arith.index_cast %scan3A_673 : i32 to index
        %get3A_751 = arith.constant 64 : index
        %get3A_752 = tpu.vector_load %arg6[%get3A_750, %get3A_751] {strides = array<i32>} : memref<200x128xf32, #tpu.memory_space<vmem>>, vector<1x16xf32>,
        %get3A_753 = vector.shape_cast %get3A_752 : vector<1x16xf32> to vector<16xf32>
        %add3A_754 = arith.addf %get3A_749, %get3A_753 : vector<16xf32>
        %swap3A_755 = arith.constant 0 : i32
        %swap3A_756 = arith.index_cast %swap3A_755 : i32 to index
        %swap3A_757 = arith.index_cast %scan3A_673 : i32 to index
        %swap3A_758 = arith.constant 64 : index
        %swap3A_759 = tpu.vector_load %arg8[%swap3A_756, %swap3A_757, %swap3A_758] {strides = array<i32>} : memref<4x200x128xf32, #tpu.memory_space<vmem>>, vector<1x1x16xf32>,
        %swap3A_760 = vector.shape_cast %swap3A_759 : vector<1x1x16xf32> to vector<16xf32>
        %swap3A_761 = vector.shape_cast %add3A_754 : vector<16xf32> to vector<1x1x16xf32>
        tpu.vector_store %arg8[%swap3A_756, %swap3A_757, %swap3A_758], %swap3A_761 {strides = array<i32>} : memref<4x200x128xf32, #tpu.memory_space<vmem>>, vector<1x1x16xf32>,
        %get3A_762 = arith.constant 0 : i32
        %get3A_763 = arith.index_cast %get3A_762 : i32 to index
        %get3A_764 = arith.index_cast %scan3A_673 : i32 to index
        %get3A_765 = arith.constant 80 : index
        %get3A_766 = tpu.vector_load %arg8[%get3A_763, %get3A_764, %get3A_765] {strides = array<i32>} : memref<4x200x128xf32, #tpu.memory_space<vmem>>, vector<1x1x16xf32>,
        %get3A_767 = vector.shape_cast %get3A_766 : vector<1x1x16xf32> to vector<16xf32>
        %get3A_768 = arith.index_cast %scan3A_673 : i32 to index
        %get3A_769 = arith.constant 80 : index
        %get3A_770 = tpu.vector_load %arg6[%get3A_768, %get3A_769] {strides = array<i32>} : memref<200x128xf32, #tpu.memory_space<vmem>>, vector<1x16xf32>,
        %get3A_771 = vector.shape_cast %get3A_770 : vector<1x16xf32> to vector<16xf32>
        %add3A_772 = arith.addf %get3A_767, %get3A_771 : vector<16xf32>
        %swap3A_773 = arith.constant 0 : i32
        %swap3A_774 = arith.index_cast %swap3A_773 : i32 to index
        %swap3A_775 = arith.index_cast %scan3A_673 : i32 to index
        %swap3A_776 = arith.constant 80 : index
        %swap3A_777 = tpu.vector_load %arg8[%swap3A_774, %swap3A_775, %swap3A_776] {strides = array<i32>} : memref<4x200x128xf32, #tpu.memory_space<vmem>>, vector<1x1x16xf32>,
        %swap3A_778 = vector.shape_cast %swap3A_777 : vector<1x1x16xf32> to vector<16xf32>
        %swap3A_779 = vector.shape_cast %add3A_772 : vector<16xf32> to vector<1x1x16xf32>
        tpu.vector_store %arg8[%swap3A_774, %swap3A_775, %swap3A_776], %swap3A_779 {strides = array<i32>} : memref<4x200x128xf32, #tpu.memory_space<vmem>>, vector<1x1x16xf32>,
        %get3A_780 = arith.constant 0 : i32
        %get3A_781 = arith.index_cast %get3A_780 : i32 to index
        %get3A_782 = arith.index_cast %scan3A_673 : i32 to index
        %get3A_783 = arith.constant 96 : index
        %get3A_784 = tpu.vector_load %arg8[%get3A_781, %get3A_782, %get3A_783] {strides = array<i32>} : memref<4x200x128xf32, #tpu.memory_space<vmem>>, vector<1x1x16xf32>,
        %get3A_785 = vector.shape_cast %get3A_784 : vector<1x1x16xf32> to vector<16xf32>
        %get3A_786 = arith.index_cast %scan3A_673 : i32 to index
        %get3A_787 = arith.constant 96 : index
        %get3A_788 = tpu.vector_load %arg6[%get3A_786, %get3A_787] {strides = array<i32>} : memref<200x128xf32, #tpu.memory_space<vmem>>, vector<1x16xf32>,
        %get3A_789 = vector.shape_cast %get3A_788 : vector<1x16xf32> to vector<16xf32>
        %add3A_790 = arith.addf %get3A_785, %get3A_789 : vector<16xf32>
        %swap3A_791 = arith.constant 0 : i32
        %swap3A_792 = arith.index_cast %swap3A_791 : i32 to index
        %swap3A_793 = arith.index_cast %scan3A_673 : i32 to index
        %swap3A_794 = arith.constant 96 : index
        %swap3A_795 = tpu.vector_load %arg8[%swap3A_792, %swap3A_793, %swap3A_794] {strides = array<i32>} : memref<4x200x128xf32, #tpu.memory_space<vmem>>, vector<1x1x16xf32>,
        %swap3A_796 = vector.shape_cast %swap3A_795 : vector<1x1x16xf32> to vector<16xf32>
        %swap3A_797 = vector.shape_cast %add3A_790 : vector<16xf32> to vector<1x1x16xf32>
        tpu.vector_store %arg8[%swap3A_792, %swap3A_793, %swap3A_794], %swap3A_797 {strides = array<i32>} : memref<4x200x128xf32, #tpu.memory_space<vmem>>, vector<1x1x16xf32>,
        %get3A_798 = arith.constant 0 : i32
        %get3A_799 = arith.index_cast %get3A_798 : i32 to index
        %get3A_800 = arith.index_cast %scan3A_673 : i32 to index
        %get3A_801 = arith.constant 112 : index
        %get3A_802 = tpu.vector_load %arg8[%get3A_799, %get3A_800, %get3A_801] {strides = array<i32>} : memref<4x200x128xf32, #tpu.memory_space<vmem>>, vector<1x1x16xf32>,
        %get3A_803 = vector.shape_cast %get3A_802 : vector<1x1x16xf32> to vector<16xf32>
        %get3A_804 = arith.index_cast %scan3A_673 : i32 to index
        %get3A_805 = arith.constant 112 : index
        %get3A_806 = tpu.vector_load %arg6[%get3A_804, %get3A_805] {strides = array<i32>} : memref<200x128xf32, #tpu.memory_space<vmem>>, vector<1x16xf32>,
        %get3A_807 = vector.shape_cast %get3A_806 : vector<1x16xf32> to vector<16xf32>
        %add3A_808 = arith.addf %get3A_803, %get3A_807 : vector<16xf32>
        %swap3A_809 = arith.constant 0 : i32
        %swap3A_810 = arith.index_cast %swap3A_809 : i32 to index
        %swap3A_811 = arith.index_cast %scan3A_673 : i32 to index
        %swap3A_812 = arith.constant 112 : index
        %swap3A_813 = tpu.vector_load %arg8[%swap3A_810, %swap3A_811, %swap3A_812] {strides = array<i32>} : memref<4x200x128xf32, #tpu.memory_space<vmem>>, vector<1x1x16xf32>,
        %swap3A_814 = vector.shape_cast %swap3A_813 : vector<1x1x16xf32> to vector<16xf32>
        %swap3A_815 = vector.shape_cast %add3A_808 : vector<16xf32> to vector<1x1x16xf32>
        tpu.vector_store %arg8[%swap3A_810, %swap3A_811, %swap3A_812], %swap3A_815 {strides = array<i32>} : memref<4x200x128xf32, #tpu.memory_space<vmem>>, vector<1x1x16xf32>,
      }
      %scan3A_360 = arith.constant 104 : i32
      %add3A_361 = arith.addi %mul3A_2, %add3A_317 : i32
      %mul3A_362 = arith.constant 200 : i32
      %mul3A_363 = arith.muli %add3A_361, %mul3A_362 : i32
      %add3A_364 = arith.constant 0 : i32
      %add3A_365 = arith.addi %mul3A_363, %add3A_364 : i32
      %dma_start3A_366 = arith.constant 0 : i32
      %dma_start3A_367 = arith.constant 0 : i32
      %dma_start3A_368 = arith.constant 0 : i32
      %dma_start3A_369 = tpu.memref_slice %arg8[%dma_start3A_366, %dma_start3A_367, %dma_start3A_368] : memref<4x200x128xf32, #tpu.memory_space<vmem>> -> memref<1x104x128xf32, #tpu.memory_space<vmem>>
      %dma_start3A_370 = tpu.memref_squeeze %dma_start3A_369 : memref<1x104x128xf32, #tpu.memory_space<vmem>> -> memref<104x128xf32, #tpu.memory_space<vmem>>
      %dma_start3A_371 = arith.constant 0 : i32
      %dma_start3A_372 = tpu.memref_slice %arg5[%add3A_365, %dma_start3A_371] : memref<819200x128xf32, #tpu.memory_space<hbm>> -> memref<104x128xf32, #tpu.memory_space<hbm>>
      %dma_start3A_373 = arith.constant 0 : i32
      %dma_start3A_374 = tpu.memref_slice %arg5[%add3A_365, %dma_start3A_373] : memref<819200x128xf32, #tpu.memory_space<hbm>> -> memref<104x128xf32, #tpu.memory_space<hbm>>
      %dma_start3A_375 = arith.constant 0 : i32
      %dma_start3A_376 = arith.constant 0 : i32
      %dma_start3A_377 = tpu.memref_slice %arg8[%dma_start3A_366, %dma_start3A_375, %dma_start3A_376] : memref<4x200x128xf32, #tpu.memory_space<vmem>> -> memref<1x104x128xf32, #tpu.memory_space<vmem>>
      %dma_start3A_378 = tpu.memref_squeeze %dma_start3A_377 : memref<1x104x128xf32, #tpu.memory_space<vmem>> -> memref<104x128xf32, #tpu.memory_space<vmem>>
      tpu.enqueue_dma source(%dma_start3A_378 : memref<104x128xf32, #tpu.memory_space<vmem>>) target(%dma_start3A_374 : memref<104x128xf32, #tpu.memory_space<hbm>>) target_semaphore(%arg17 : memref<!tpu.dma_semaphore, #tpu.memory_space<semaphore_mem>>)
      %scan3A_379 = arith.constant 0 : i32
      %scan3A_380 = arith.constant 104 : i32
      %scan3A_381 = arith.constant 96 : i32
      %scan3A_382 = arith.addi %scan3A_380, %scan3A_381 : i32
      %scan3A_383 = arith.constant 1 : i32
      scf.for %scan3A_673 = %scan3A_380 to %scan3A_382 step %scan3A_383  : i32 {
        %get3A = arith.constant 0 : i32
        %get3A_674 = arith.index_cast %get3A : i32 to index
        %get3A_675 = arith.index_cast %scan3A_673 : i32 to index
        %get3A_676 = arith.constant 0 : index
        %get3A_677 = tpu.vector_load %arg8[%get3A_674, %get3A_675, %get3A_676] {strides = array<i32>} : memref<4x200x128xf32, #tpu.memory_space<vmem>>, vector<1x1x16xf32>,
        %get3A_678 = vector.shape_cast %get3A_677 : vector<1x1x16xf32> to vector<16xf32>
        %get3A_679 = arith.index_cast %scan3A_673 : i32 to index
        %get3A_680 = arith.constant 0 : index
        %get3A_681 = tpu.vector_load %arg6[%get3A_679, %get3A_680] {strides = array<i32>} : memref<200x128xf32, #tpu.memory_space<vmem>>, vector<1x16xf32>,
        %get3A_682 = vector.shape_cast %get3A_681 : vector<1x16xf32> to vector<16xf32>
        %add3A_683 = arith.addf %get3A_678, %get3A_682 : vector<16xf32>
        %swap3A = arith.constant 0 : i32
        %swap3A_684 = arith.index_cast %swap3A : i32 to index
        %swap3A_685 = arith.index_cast %scan3A_673 : i32 to index
        %swap3A_686 = arith.constant 0 : index
        %swap3A_687 = tpu.vector_load %arg8[%swap3A_684, %swap3A_685, %swap3A_686] {strides = array<i32>} : memref<4x200x128xf32, #tpu.memory_space<vmem>>, vector<1x1x16xf32>,
        %swap3A_688 = vector.shape_cast %swap3A_687 : vector<1x1x16xf32> to vector<16xf32>
        %swap3A_689 = vector.shape_cast %add3A_683 : vector<16xf32> to vector<1x1x16xf32>
        tpu.vector_store %arg8[%swap3A_684, %swap3A_685, %swap3A_686], %swap3A_689 {strides = array<i32>} : memref<4x200x128xf32, #tpu.memory_space<vmem>>, vector<1x1x16xf32>,
        %get3A_690 = arith.constant 0 : i32
        %get3A_691 = arith.index_cast %get3A_690 : i32 to index
        %get3A_692 = arith.index_cast %scan3A_673 : i32 to index
        %get3A_693 = arith.constant 16 : index
        %get3A_694 = tpu.vector_load %arg8[%get3A_691, %get3A_692, %get3A_693] {strides = array<i32>} : memref<4x200x128xf32, #tpu.memory_space<vmem>>, vector<1x1x16xf32>,
        %get3A_695 = vector.shape_cast %get3A_694 : vector<1x1x16xf32> to vector<16xf32>
        %get3A_696 = arith.index_cast %scan3A_673 : i32 to index
        %get3A_697 = arith.constant 16 : index
        %get3A_698 = tpu.vector_load %arg6[%get3A_696, %get3A_697] {strides = array<i32>} : memref<200x128xf32, #tpu.memory_space<vmem>>, vector<1x16xf32>,
        %get3A_699 = vector.shape_cast %get3A_698 : vector<1x16xf32> to vector<16xf32>
        %add3A_700 = arith.addf %get3A_695, %get3A_699 : vector<16xf32>
        %swap3A_701 = arith.constant 0 : i32
        %swap3A_702 = arith.index_cast %swap3A_701 : i32 to index
        %swap3A_703 = arith.index_cast %scan3A_673 : i32 to index
        %swap3A_704 = arith.constant 16 : index
        %swap3A_705 = tpu.vector_load %arg8[%swap3A_702, %swap3A_703, %swap3A_704] {strides = array<i32>} : memref<4x200x128xf32, #tpu.memory_space<vmem>>, vector<1x1x16xf32>,
        %swap3A_706 = vector.shape_cast %swap3A_705 : vector<1x1x16xf32> to vector<16xf32>
        %swap3A_707 = vector.shape_cast %add3A_700 : vector<16xf32> to vector<1x1x16xf32>
        tpu.vector_store %arg8[%swap3A_702, %swap3A_703, %swap3A_704], %swap3A_707 {strides = array<i32>} : memref<4x200x128xf32, #tpu.memory_space<vmem>>, vector<1x1x16xf32>,
        %get3A_708 = arith.constant 0 : i32
        %get3A_709 = arith.index_cast %get3A_708 : i32 to index
        %get3A_710 = arith.index_cast %scan3A_673 : i32 to index
        %get3A_711 = arith.constant 32 : index
        %get3A_712 = tpu.vector_load %arg8[%get3A_709, %get3A_710, %get3A_711] {strides = array<i32>} : memref<4x200x128xf32, #tpu.memory_space<vmem>>, vector<1x1x16xf32>,
        %get3A_713 = vector.shape_cast %get3A_712 : vector<1x1x16xf32> to vector<16xf32>
        %get3A_714 = arith.index_cast %scan3A_673 : i32 to index
        %get3A_715 = arith.constant 32 : index
        %get3A_716 = tpu.vector_load %arg6[%get3A_714, %get3A_715] {strides = array<i32>} : memref<200x128xf32, #tpu.memory_space<vmem>>, vector<1x16xf32>,
        %get3A_717 = vector.shape_cast %get3A_716 : vector<1x16xf32> to vector<16xf32>
        %add3A_718 = arith.addf %get3A_713, %get3A_717 : vector<16xf32>
        %swap3A_719 = arith.constant 0 : i32
        %swap3A_720 = arith.index_cast %swap3A_719 : i32 to index
        %swap3A_721 = arith.index_cast %scan3A_673 : i32 to index
        %swap3A_722 = arith.constant 32 : index
        %swap3A_723 = tpu.vector_load %arg8[%swap3A_720, %swap3A_721, %swap3A_722] {strides = array<i32>} : memref<4x200x128xf32, #tpu.memory_space<vmem>>, vector<1x1x16xf32>,
        %swap3A_724 = vector.shape_cast %swap3A_723 : vector<1x1x16xf32> to vector<16xf32>
        %swap3A_725 = vector.shape_cast %add3A_718 : vector<16xf32> to vector<1x1x16xf32>
        tpu.vector_store %arg8[%swap3A_720, %swap3A_721, %swap3A_722], %swap3A_725 {strides = array<i32>} : memref<4x200x128xf32, #tpu.memory_space<vmem>>, vector<1x1x16xf32>,
        %get3A_726 = arith.constant 0 : i32
        %get3A_727 = arith.index_cast %get3A_726 : i32 to index
        %get3A_728 = arith.index_cast %scan3A_673 : i32 to index
        %get3A_729 = arith.constant 48 : index
        %get3A_730 = tpu.vector_load %arg8[%get3A_727, %get3A_728, %get3A_729] {strides = array<i32>} : memref<4x200x128xf32, #tpu.memory_space<vmem>>, vector<1x1x16xf32>,
        %get3A_731 = vector.shape_cast %get3A_730 : vector<1x1x16xf32> to vector<16xf32>
        %get3A_732 = arith.index_cast %scan3A_673 : i32 to index
        %get3A_733 = arith.constant 48 : index
        %get3A_734 = tpu.vector_load %arg6[%get3A_732, %get3A_733] {strides = array<i32>} : memref<200x128xf32, #tpu.memory_space<vmem>>, vector<1x16xf32>,
        %get3A_735 = vector.shape_cast %get3A_734 : vector<1x16xf32> to vector<16xf32>
        %add3A_736 = arith.addf %get3A_731, %get3A_735 : vector<16xf32>
        %swap3A_737 = arith.constant 0 : i32
        %swap3A_738 = arith.index_cast %swap3A_737 : i32 to index
        %swap3A_739 = arith.index_cast %scan3A_673 : i32 to index
        %swap3A_740 = arith.constant 48 : index
        %swap3A_741 = tpu.vector_load %arg8[%swap3A_738, %swap3A_739, %swap3A_740] {strides = array<i32>} : memref<4x200x128xf32, #tpu.memory_space<vmem>>, vector<1x1x16xf32>,
        %swap3A_742 = vector.shape_cast %swap3A_741 : vector<1x1x16xf32> to vector<16xf32>
        %swap3A_743 = vector.shape_cast %add3A_736 : vector<16xf32> to vector<1x1x16xf32>
        tpu.vector_store %arg8[%swap3A_738, %swap3A_739, %swap3A_740], %swap3A_743 {strides = array<i32>} : memref<4x200x128xf32, #tpu.memory_space<vmem>>, vector<1x1x16xf32>,
        %get3A_744 = arith.constant 0 : i32
        %get3A_745 = arith.index_cast %get3A_744 : i32 to index
        %get3A_746 = arith.index_cast %scan3A_673 : i32 to index
        %get3A_747 = arith.constant 64 : index
        %get3A_748 = tpu.vector_load %arg8[%get3A_745, %get3A_746, %get3A_747] {strides = array<i32>} : memref<4x200x128xf32, #tpu.memory_space<vmem>>, vector<1x1x16xf32>,
        %get3A_749 = vector.shape_cast %get3A_748 : vector<1x1x16xf32> to vector<16xf32>
        %get3A_750 = arith.index_cast %scan3A_673 : i32 to index
        %get3A_751 = arith.constant 64 : index
        %get3A_752 = tpu.vector_load %arg6[%get3A_750, %get3A_751] {strides = array<i32>} : memref<200x128xf32, #tpu.memory_space<vmem>>, vector<1x16xf32>,
        %get3A_753 = vector.shape_cast %get3A_752 : vector<1x16xf32> to vector<16xf32>
        %add3A_754 = arith.addf %get3A_749, %get3A_753 : vector<16xf32>
        %swap3A_755 = arith.constant 0 : i32
        %swap3A_756 = arith.index_cast %swap3A_755 : i32 to index
        %swap3A_757 = arith.index_cast %scan3A_673 : i32 to index
        %swap3A_758 = arith.constant 64 : index
        %swap3A_759 = tpu.vector_load %arg8[%swap3A_756, %swap3A_757, %swap3A_758] {strides = array<i32>} : memref<4x200x128xf32, #tpu.memory_space<vmem>>, vector<1x1x16xf32>,
        %swap3A_760 = vector.shape_cast %swap3A_759 : vector<1x1x16xf32> to vector<16xf32>
        %swap3A_761 = vector.shape_cast %add3A_754 : vector<16xf32> to vector<1x1x16xf32>
        tpu.vector_store %arg8[%swap3A_756, %swap3A_757, %swap3A_758], %swap3A_761 {strides = array<i32>} : memref<4x200x128xf32, #tpu.memory_space<vmem>>, vector<1x1x16xf32>,
        %get3A_762 = arith.constant 0 : i32
        %get3A_763 = arith.index_cast %get3A_762 : i32 to index
        %get3A_764 = arith.index_cast %scan3A_673 : i32 to index
        %get3A_765 = arith.constant 80 : index
        %get3A_766 = tpu.vector_load %arg8[%get3A_763, %get3A_764, %get3A_765] {strides = array<i32>} : memref<4x200x128xf32, #tpu.memory_space<vmem>>, vector<1x1x16xf32>,
        %get3A_767 = vector.shape_cast %get3A_766 : vector<1x1x16xf32> to vector<16xf32>
        %get3A_768 = arith.index_cast %scan3A_673 : i32 to index
        %get3A_769 = arith.constant 80 : index
        %get3A_770 = tpu.vector_load %arg6[%get3A_768, %get3A_769] {strides = array<i32>} : memref<200x128xf32, #tpu.memory_space<vmem>>, vector<1x16xf32>,
        %get3A_771 = vector.shape_cast %get3A_770 : vector<1x16xf32> to vector<16xf32>
        %add3A_772 = arith.addf %get3A_767, %get3A_771 : vector<16xf32>
        %swap3A_773 = arith.constant 0 : i32
        %swap3A_774 = arith.index_cast %swap3A_773 : i32 to index
        %swap3A_775 = arith.index_cast %scan3A_673 : i32 to index
        %swap3A_776 = arith.constant 80 : index
        %swap3A_777 = tpu.vector_load %arg8[%swap3A_774, %swap3A_775, %swap3A_776] {strides = array<i32>} : memref<4x200x128xf32, #tpu.memory_space<vmem>>, vector<1x1x16xf32>,
        %swap3A_778 = vector.shape_cast %swap3A_777 : vector<1x1x16xf32> to vector<16xf32>
        %swap3A_779 = vector.shape_cast %add3A_772 : vector<16xf32> to vector<1x1x16xf32>
        tpu.vector_store %arg8[%swap3A_774, %swap3A_775, %swap3A_776], %swap3A_779 {strides = array<i32>} : memref<4x200x128xf32, #tpu.memory_space<vmem>>, vector<1x1x16xf32>,
        %get3A_780 = arith.constant 0 : i32
        %get3A_781 = arith.index_cast %get3A_780 : i32 to index
        %get3A_782 = arith.index_cast %scan3A_673 : i32 to index
        %get3A_783 = arith.constant 96 : index
        %get3A_784 = tpu.vector_load %arg8[%get3A_781, %get3A_782, %get3A_783] {strides = array<i32>} : memref<4x200x128xf32, #tpu.memory_space<vmem>>, vector<1x1x16xf32>,
        %get3A_785 = vector.shape_cast %get3A_784 : vector<1x1x16xf32> to vector<16xf32>
        %get3A_786 = arith.index_cast %scan3A_673 : i32 to index
        %get3A_787 = arith.constant 96 : index
        %get3A_788 = tpu.vector_load %arg6[%get3A_786, %get3A_787] {strides = array<i32>} : memref<200x128xf32, #tpu.memory_space<vmem>>, vector<1x16xf32>,
        %get3A_789 = vector.shape_cast %get3A_788 : vector<1x16xf32> to vector<16xf32>
        %add3A_790 = arith.addf %get3A_785, %get3A_789 : vector<16xf32>
        %swap3A_791 = arith.constant 0 : i32
        %swap3A_792 = arith.index_cast %swap3A_791 : i32 to index
        %swap3A_793 = arith.index_cast %scan3A_673 : i32 to index
        %swap3A_794 = arith.constant 96 : index
        %swap3A_795 = tpu.vector_load %arg8[%swap3A_792, %swap3A_793, %swap3A_794] {strides = array<i32>} : memref<4x200x128xf32, #tpu.memory_space<vmem>>, vector<1x1x16xf32>,
        %swap3A_796 = vector.shape_cast %swap3A_795 : vector<1x1x16xf32> to vector<16xf32>
        %swap3A_797 = vector.shape_cast %add3A_790 : vector<16xf32> to vector<1x1x16xf32>
        tpu.vector_store %arg8[%swap3A_792, %swap3A_793, %swap3A_794], %swap3A_797 {strides = array<i32>} : memref<4x200x128xf32, #tpu.memory_space<vmem>>, vector<1x1x16xf32>,
        %get3A_798 = arith.constant 0 : i32
        %get3A_799 = arith.index_cast %get3A_798 : i32 to index
        %get3A_800 = arith.index_cast %scan3A_673 : i32 to index
        %get3A_801 = arith.constant 112 : index
        %get3A_802 = tpu.vector_load %arg8[%get3A_799, %get3A_800, %get3A_801] {strides = array<i32>} : memref<4x200x128xf32, #tpu.memory_space<vmem>>, vector<1x1x16xf32>,
        %get3A_803 = vector.shape_cast %get3A_802 : vector<1x1x16xf32> to vector<16xf32>
        %get3A_804 = arith.index_cast %scan3A_673 : i32 to index
        %get3A_805 = arith.constant 112 : index
        %get3A_806 = tpu.vector_load %arg6[%get3A_804, %get3A_805] {strides = array<i32>} : memref<200x128xf32, #tpu.memory_space<vmem>>, vector<1x16xf32>,
        %get3A_807 = vector.shape_cast %get3A_806 : vector<1x16xf32> to vector<16xf32>
        %add3A_808 = arith.addf %get3A_803, %get3A_807 : vector<16xf32>
        %swap3A_809 = arith.constant 0 : i32
        %swap3A_810 = arith.index_cast %swap3A_809 : i32 to index
        %swap3A_811 = arith.index_cast %scan3A_673 : i32 to index
        %swap3A_812 = arith.constant 112 : index
        %swap3A_813 = tpu.vector_load %arg8[%swap3A_810, %swap3A_811, %swap3A_812] {strides = array<i32>} : memref<4x200x128xf32, #tpu.memory_space<vmem>>, vector<1x1x16xf32>,
        %swap3A_814 = vector.shape_cast %swap3A_813 : vector<1x1x16xf32> to vector<16xf32>
        %swap3A_815 = vector.shape_cast %add3A_808 : vector<16xf32> to vector<1x1x16xf32>
        tpu.vector_store %arg8[%swap3A_810, %swap3A_811, %swap3A_812], %swap3A_815 {strides = array<i32>} : memref<4x200x128xf32, #tpu.memory_space<vmem>>, vector<1x1x16xf32>,
      }
      %scan3A_384 = arith.constant 96 : i32
      %add3A_385 = arith.addi %mul3A_2, %add3A_317 : i32
      %mul3A_386 = arith.constant 200 : i32
      %mul3A_387 = arith.muli %add3A_385, %mul3A_386 : i32
      %add3A_388 = arith.constant 104 : i32
      %add3A_389 = arith.addi %mul3A_387, %add3A_388 : i32
      %dma_start3A_390 = arith.constant 0 : i32
      %dma_start3A_391 = arith.constant 104 : i32
      %dma_start3A_392 = arith.constant 0 : i32
      %dma_start3A_393 = tpu.memref_slice %arg8[%dma_start3A_390, %dma_start3A_391, %dma_start3A_392] : memref<4x200x128xf32, #tpu.memory_space<vmem>> -> memref<1x96x128xf32, #tpu.memory_space<vmem>>
      %dma_start3A_394 = tpu.memref_squeeze %dma_start3A_393 : memref<1x96x128xf32, #tpu.memory_space<vmem>> -> memref<96x128xf32, #tpu.memory_space<vmem>>
      %dma_start3A_395 = arith.constant 0 : i32
      %dma_start3A_396 = tpu.memref_slice %arg5[%add3A_389, %dma_start3A_395] : memref<819200x128xf32, #tpu.memory_space<hbm>> -> memref<96x128xf32, #tpu.memory_space<hbm>>
      %dma_start3A_397 = arith.constant 0 : i32
      %dma_start3A_398 = tpu.memref_slice %arg5[%add3A_389, %dma_start3A_397] : memref<819200x128xf32, #tpu.memory_space<hbm>> -> memref<96x128xf32, #tpu.memory_space<hbm>>
      %dma_start3A_399 = arith.constant 104 : i32
      %dma_start3A_400 = arith.constant 0 : i32
      %dma_start3A_401 = tpu.memref_slice %arg8[%dma_start3A_390, %dma_start3A_399, %dma_start3A_400] : memref<4x200x128xf32, #tpu.memory_space<vmem>> -> memref<1x96x128xf32, #tpu.memory_space<vmem>>
      %dma_start3A_402 = tpu.memref_squeeze %dma_start3A_401 : memref<1x96x128xf32, #tpu.memory_space<vmem>> -> memref<96x128xf32, #tpu.memory_space<vmem>>
      tpu.enqueue_dma source(%dma_start3A_402 : memref<96x128xf32, #tpu.memory_space<vmem>>) target(%dma_start3A_398 : memref<96x128xf32, #tpu.memory_space<hbm>>) target_semaphore(%arg17 : memref<!tpu.dma_semaphore, #tpu.memory_space<semaphore_mem>>)
      %add3A_403 = arith.constant 1 : i32
      %add3A_404 = arith.addi %add3A_315, %add3A_403 : i32
      %add3A_405 = arith.constant 2 : i32
      %add3A_406 = arith.addi %add3A_404, %add3A_405 : i32
      %lt3A_407 = arith.constant 128 : i32
      %lt3A_408 = arith.cmpi slt, %add3A_406, %lt3A_407 : i32
      %convert_element_type3A_409 = arith.extui %lt3A_408 : i1 to i32
      %cond3A_410 = arith.constant 0 : i32
      %cond3A_411 = arith.cmpi ne, %convert_element_type3A_409, %cond3A_410 : i32
      scf.if %cond3A_411 {
        %add3A_673 = arith.constant 2 : i32
        %add3A_674 = arith.addi %add3A_404, %add3A_673 : i32
        %add3A_675 = arith.addi %mul3A_2, %add3A_674 : i32
        %mul3A_676 = arith.constant 2 : i32
        %mul3A_677 = arith.muli %add3A_675, %mul3A_676 : i32
        %dma_wait3A_678 = arith.constant 3 : i32
        %dma_wait3A_679 = arith.constant 0 : i32
        %dma_wait3A_680 = arith.constant 0 : i32
        %dma_wait3A_681 = tpu.memref_slice %arg7[%dma_wait3A_678, %dma_wait3A_679, %dma_wait3A_680] : memref<4x2x100xi32, #tpu.memory_space<vmem>> -> memref<1x2x100xi32, #tpu.memory_space<vmem>>
        %dma_wait3A_682 = tpu.memref_squeeze %dma_wait3A_681 : memref<1x2x100xi32, #tpu.memory_space<vmem>> -> memref<2x100xi32, #tpu.memory_space<vmem>>
        %dma_wait3A_683 = arith.constant 0 : i32
        %dma_wait3A_684 = tpu.memref_slice %arg2[%mul3A_677, %dma_wait3A_683] : memref<8192x100xi32, #tpu.memory_space<hbm>> -> memref<2x100xi32, #tpu.memory_space<hbm>>
        %dma_wait3A_685 = arith.constant 0 : i32
        %dma_wait3A_686 = arith.constant 0 : i32
        %dma_wait3A_687 = tpu.memref_slice %arg7[%dma_wait3A_678, %dma_wait3A_685, %dma_wait3A_686] : memref<4x2x100xi32, #tpu.memory_space<vmem>> -> memref<1x2x100xi32, #tpu.memory_space<vmem>>
        %dma_wait3A_688 = tpu.memref_squeeze %dma_wait3A_687 : memref<1x2x100xi32, #tpu.memory_space<vmem>> -> memref<2x100xi32, #tpu.memory_space<vmem>>
        %dma_wait3A_689 = arith.constant 0 : i32
        %dma_wait3A_690 = tpu.memref_slice %arg2[%mul3A_677, %dma_wait3A_689] : memref<8192x100xi32, #tpu.memory_space<hbm>> -> memref<2x100xi32, #tpu.memory_space<hbm>>
        tpu.wait_dma2 semaphore(%arg12 : memref<!tpu.dma_semaphore, #tpu.memory_space<semaphore_mem>>) src(%dma_wait3A_690 : memref<2x100xi32, #tpu.memory_space<hbm>>) dst(%dma_wait3A_688 : memref<2x100xi32, #tpu.memory_space<vmem>>)
        %ge3A = arith.constant 2 : i32
        %ge3A_691 = arith.cmpi sge, %add3A_404, %ge3A : i32
        %convert_element_type3A_692 = arith.extui %ge3A_691 : i1 to i32
        %cond3A_693 = arith.constant 0 : i32
        %cond3A_694 = arith.cmpi ne, %convert_element_type3A_692, %cond3A_693 : i32
        scf.if %cond3A_694 {
          %sub3A = arith.constant 2 : i32
          %sub3A_723 = arith.subi %add3A_404, %sub3A : i32
          %add3A_724 = arith.addi %mul3A_2, %sub3A_723 : i32
          %mul3A_725 = arith.constant 200 : i32
          %mul3A_726 = arith.muli %add3A_724, %mul3A_725 : i32
          %add3A_727 = arith.constant 0 : i32
          %add3A_728 = arith.addi %mul3A_726, %add3A_727 : i32
          %dma_wait3A_729 = arith.constant 3 : i32
          %dma_wait3A_730 = arith.constant 0 : i32
          %dma_wait3A_731 = arith.constant 0 : i32
          %dma_wait3A_732 = tpu.memref_slice %arg8[%dma_wait3A_729, %dma_wait3A_730, %dma_wait3A_731] : memref<4x200x128xf32, #tpu.memory_space<vmem>> -> memref<1x104x128xf32, #tpu.memory_space<vmem>>
          %dma_wait3A_733 = tpu.memref_squeeze %dma_wait3A_732 : memref<1x104x128xf32, #tpu.memory_space<vmem>> -> memref<104x128xf32, #tpu.memory_space<vmem>>
          %dma_wait3A_734 = arith.constant 0 : i32
          %dma_wait3A_735 = tpu.memref_slice %arg5[%add3A_728, %dma_wait3A_734] : memref<819200x128xf32, #tpu.memory_space<hbm>> -> memref<104x128xf32, #tpu.memory_space<hbm>>
          %dma_wait3A_736 = arith.constant 0 : i32
          %dma_wait3A_737 = tpu.memref_slice %arg5[%add3A_728, %dma_wait3A_736] : memref<819200x128xf32, #tpu.memory_space<hbm>> -> memref<104x128xf32, #tpu.memory_space<hbm>>
          %dma_wait3A_738 = arith.constant 0 : i32
          %dma_wait3A_739 = arith.constant 0 : i32
          %dma_wait3A_740 = tpu.memref_slice %arg8[%dma_wait3A_729, %dma_wait3A_738, %dma_wait3A_739] : memref<4x200x128xf32, #tpu.memory_space<vmem>> -> memref<1x104x128xf32, #tpu.memory_space<vmem>>
          %dma_wait3A_741 = tpu.memref_squeeze %dma_wait3A_740 : memref<1x104x128xf32, #tpu.memory_space<vmem>> -> memref<104x128xf32, #tpu.memory_space<vmem>>
          tpu.wait_dma2 semaphore(%arg20 : memref<!tpu.dma_semaphore, #tpu.memory_space<semaphore_mem>>) src(%dma_wait3A_741 : memref<104x128xf32, #tpu.memory_space<vmem>>) dst(%dma_wait3A_737 : memref<104x128xf32, #tpu.memory_space<hbm>>)
          %add3A_742 = arith.addi %mul3A_2, %sub3A_723 : i32
          %mul3A_743 = arith.constant 200 : i32
          %mul3A_744 = arith.muli %add3A_742, %mul3A_743 : i32
          %add3A_745 = arith.constant 104 : i32
          %add3A_746 = arith.addi %mul3A_744, %add3A_745 : i32
          %dma_wait3A_747 = arith.constant 3 : i32
          %dma_wait3A_748 = arith.constant 104 : i32
          %dma_wait3A_749 = arith.constant 0 : i32
          %dma_wait3A_750 = tpu.memref_slice %arg8[%dma_wait3A_747, %dma_wait3A_748, %dma_wait3A_749] : memref<4x200x128xf32, #tpu.memory_space<vmem>> -> memref<1x96x128xf32, #tpu.memory_space<vmem>>
          %dma_wait3A_751 = tpu.memref_squeeze %dma_wait3A_750 : memref<1x96x128xf32, #tpu.memory_space<vmem>> -> memref<96x128xf32, #tpu.memory_space<vmem>>
          %dma_wait3A_752 = arith.constant 0 : i32
          %dma_wait3A_753 = tpu.memref_slice %arg5[%add3A_746, %dma_wait3A_752] : memref<819200x128xf32, #tpu.memory_space<hbm>> -> memref<96x128xf32, #tpu.memory_space<hbm>>
          %dma_wait3A_754 = arith.constant 0 : i32
          %dma_wait3A_755 = tpu.memref_slice %arg5[%add3A_746, %dma_wait3A_754] : memref<819200x128xf32, #tpu.memory_space<hbm>> -> memref<96x128xf32, #tpu.memory_space<hbm>>
          %dma_wait3A_756 = arith.constant 104 : i32
          %dma_wait3A_757 = arith.constant 0 : i32
          %dma_wait3A_758 = tpu.memref_slice %arg8[%dma_wait3A_747, %dma_wait3A_756, %dma_wait3A_757] : memref<4x200x128xf32, #tpu.memory_space<vmem>> -> memref<1x96x128xf32, #tpu.memory_space<vmem>>
          %dma_wait3A_759 = tpu.memref_squeeze %dma_wait3A_758 : memref<1x96x128xf32, #tpu.memory_space<vmem>> -> memref<96x128xf32, #tpu.memory_space<vmem>>
          tpu.wait_dma2 semaphore(%arg20 : memref<!tpu.dma_semaphore, #tpu.memory_space<semaphore_mem>>) src(%dma_wait3A_759 : memref<96x128xf32, #tpu.memory_space<vmem>>) dst(%dma_wait3A_755 : memref<96x128xf32, #tpu.memory_space<hbm>>)
        } else {
        }
        %add3A_695 = arith.constant 2 : i32
        %add3A_696 = arith.addi %add3A_404, %add3A_695 : i32
        %dma_start3A_697 = arith.constant 3 : i32
        %dma_start3A_698 = arith.constant 0 : i32
        %dma_start3A_699 = arith.constant 3 : i32
        %dma_start3A_700 = arith.constant 0 : i32
        %dma_start3A_701 = arith.constant 0 : i32
        %dma_start3A_702 = tpu.memref_slice %arg8[%dma_start3A_699, %dma_start3A_700, %dma_start3A_701] : memref<4x200x128xf32, #tpu.memory_space<vmem>> -> memref<1x100x128xf32, #tpu.memory_space<vmem>>
        %dma_start3A_703 = tpu.memref_squeeze %dma_start3A_702 : memref<1x100x128xf32, #tpu.memory_space<vmem>> -> memref<100x128xf32, #tpu.memory_space<vmem>>
        %dma_start3A_704 = arith.constant 0 : i32
        %dma_start3A_705 = tpu.memref_slice %arg7[%dma_start3A_697, %dma_start3A_698, %dma_start3A_704] : memref<4x2x100xi32, #tpu.memory_space<vmem>> -> memref<1x1x100xi32, #tpu.memory_space<vmem>>
        %dma_start3A_706 = tpu.memref_squeeze %dma_start3A_705 : memref<1x1x100xi32, #tpu.memory_space<vmem>> -> memref<100xi32, #tpu.memory_space<vmem>>
        %dma_start3A_707 = arith.constant 0 : i32
        %dma_start3A_708 = arith.constant 0 : i32
        %dma_start3A_709 = tpu.memref_slice %arg3[%dma_start3A_707, %dma_start3A_708] : memref<100000x128xf32, #tpu.memory_space<hbm>> -> memref<100000x128xf32, #tpu.memory_space<hbm>>
        tpu.enqueue_indirect_dma source(%dma_start3A_709 : memref<100000x128xf32, #tpu.memory_space<hbm>>) target(%dma_start3A_703 : memref<100x128xf32, #tpu.memory_space<vmem>>) offsets(%dma_start3A_706 : memref<100xi32, #tpu.memory_space<vmem>>) semaphore(%arg16 : memref<!tpu.dma_semaphore, #tpu.memory_space<semaphore_mem>>)
        %dma_start3A_710 = arith.constant 3 : i32
        %dma_start3A_711 = arith.constant 1 : i32
        %dma_start3A_712 = arith.constant 3 : i32
        %dma_start3A_713 = arith.constant 100 : i32
        %dma_start3A_714 = arith.constant 0 : i32
        %dma_start3A_715 = tpu.memref_slice %arg8[%dma_start3A_712, %dma_start3A_713, %dma_start3A_714] : memref<4x200x128xf32, #tpu.memory_space<vmem>> -> memref<1x100x128xf32, #tpu.memory_space<vmem>>
        %dma_start3A_716 = tpu.memref_squeeze %dma_start3A_715 : memref<1x100x128xf32, #tpu.memory_space<vmem>> -> memref<100x128xf32, #tpu.memory_space<vmem>>
        %dma_start3A_717 = arith.constant 0 : i32
        %dma_start3A_718 = tpu.memref_slice %arg7[%dma_start3A_710, %dma_start3A_711, %dma_start3A_717] : memref<4x2x100xi32, #tpu.memory_space<vmem>> -> memref<1x1x100xi32, #tpu.memory_space<vmem>>
        %dma_start3A_719 = tpu.memref_squeeze %dma_start3A_718 : memref<1x1x100xi32, #tpu.memory_space<vmem>> -> memref<100xi32, #tpu.memory_space<vmem>>
        %dma_start3A_720 = arith.constant 0 : i32
        %dma_start3A_721 = arith.constant 0 : i32
        %dma_start3A_722 = tpu.memref_slice %arg3[%dma_start3A_720, %dma_start3A_721] : memref<100000x128xf32, #tpu.memory_space<hbm>> -> memref<100000x128xf32, #tpu.memory_space<hbm>>
        tpu.enqueue_indirect_dma source(%dma_start3A_722 : memref<100000x128xf32, #tpu.memory_space<hbm>>) target(%dma_start3A_716 : memref<100x128xf32, #tpu.memory_space<vmem>>) offsets(%dma_start3A_719 : memref<100xi32, #tpu.memory_space<vmem>>) semaphore(%arg16 : memref<!tpu.dma_semaphore, #tpu.memory_space<semaphore_mem>>)
      } else {
      }
      %dma_wait3A_412 = arith.constant 1 : i32
      %dma_wait3A_413 = arith.constant 0 : i32
      %dma_wait3A_414 = arith.constant 1 : i32
      %dma_wait3A_415 = arith.constant 0 : i32
      %dma_wait3A_416 = arith.constant 0 : i32
      %dma_wait3A_417 = tpu.memref_slice %arg8[%dma_wait3A_414, %dma_wait3A_415, %dma_wait3A_416] : memref<4x200x128xf32, #tpu.memory_space<vmem>> -> memref<1x100x128xf32, #tpu.memory_space<vmem>>
      %dma_wait3A_418 = tpu.memref_squeeze %dma_wait3A_417 : memref<1x100x128xf32, #tpu.memory_space<vmem>> -> memref<100x128xf32, #tpu.memory_space<vmem>>
      %dma_wait3A_419 = arith.constant 0 : i32
      %dma_wait3A_420 = tpu.memref_slice %arg7[%dma_wait3A_412, %dma_wait3A_413, %dma_wait3A_419] : memref<4x2x100xi32, #tpu.memory_space<vmem>> -> memref<1x1x100xi32, #tpu.memory_space<vmem>>
      %dma_wait3A_421 = tpu.memref_squeeze %dma_wait3A_420 : memref<1x1x100xi32, #tpu.memory_space<vmem>> -> memref<100xi32, #tpu.memory_space<vmem>>
      %dma_wait3A_422 = arith.constant 0 : i32
      %dma_wait3A_423 = arith.constant 0 : i32
      %dma_wait3A_424 = tpu.memref_slice %arg3[%dma_wait3A_422, %dma_wait3A_423] : memref<100000x128xf32, #tpu.memory_space<hbm>> -> memref<100000x128xf32, #tpu.memory_space<hbm>>
      tpu.wait_indirect_dma semaphore(%arg14 : memref<!tpu.dma_semaphore, #tpu.memory_space<semaphore_mem>>) src(%dma_wait3A_424 : memref<100000x128xf32, #tpu.memory_space<hbm>>) dst(%dma_wait3A_418 : memref<100x128xf32, #tpu.memory_space<vmem>>)
      %dma_wait3A_425 = arith.constant 1 : i32
      %dma_wait3A_426 = arith.constant 1 : i32
      %dma_wait3A_427 = arith.constant 1 : i32
      %dma_wait3A_428 = arith.constant 100 : i32
      %dma_wait3A_429 = arith.constant 0 : i32
      %dma_wait3A_430 = tpu.memref_slice %arg8[%dma_wait3A_427, %dma_wait3A_428, %dma_wait3A_429] : memref<4x200x128xf32, #tpu.memory_space<vmem>> -> memref<1x100x128xf32, #tpu.memory_space<vmem>>
      %dma_wait3A_431 = tpu.memref_squeeze %dma_wait3A_430 : memref<1x100x128xf32, #tpu.memory_space<vmem>> -> memref<100x128xf32, #tpu.memory_space<vmem>>
      %dma_wait3A_432 = arith.constant 0 : i32
      %dma_wait3A_433 = tpu.memref_slice %arg7[%dma_wait3A_425, %dma_wait3A_426, %dma_wait3A_432] : memref<4x2x100xi32, #tpu.memory_space<vmem>> -> memref<1x1x100xi32, #tpu.memory_space<vmem>>
      %dma_wait3A_434 = tpu.memref_squeeze %dma_wait3A_433 : memref<1x1x100xi32, #tpu.memory_space<vmem>> -> memref<100xi32, #tpu.memory_space<vmem>>
      %dma_wait3A_435 = arith.constant 0 : i32
      %dma_wait3A_436 = arith.constant 0 : i32
      %dma_wait3A_437 = tpu.memref_slice %arg3[%dma_wait3A_435, %dma_wait3A_436] : memref<100000x128xf32, #tpu.memory_space<hbm>> -> memref<100000x128xf32, #tpu.memory_space<hbm>>
      tpu.wait_indirect_dma semaphore(%arg14 : memref<!tpu.dma_semaphore, #tpu.memory_space<semaphore_mem>>) src(%dma_wait3A_437 : memref<100000x128xf32, #tpu.memory_space<hbm>>) dst(%dma_wait3A_431 : memref<100x128xf32, #tpu.memory_space<vmem>>)
      %add3A_438 = arith.constant 4 : i32
      %add3A_439 = arith.addi %add3A_404, %add3A_438 : i32
      %lt3A_440 = arith.constant 128 : i32
      %lt3A_441 = arith.cmpi slt, %add3A_439, %lt3A_440 : i32
      %convert_element_type3A_442 = arith.extui %lt3A_441 : i1 to i32
      %cond3A_443 = arith.constant 0 : i32
      %cond3A_444 = arith.cmpi ne, %convert_element_type3A_442, %cond3A_443 : i32
      scf.if %cond3A_444 {
        %add3A_673 = arith.constant 4 : i32
        %add3A_674 = arith.addi %add3A_404, %add3A_673 : i32
        %add3A_675 = arith.addi %mul3A_2, %add3A_674 : i32
        %mul3A_676 = arith.constant 2 : i32
        %mul3A_677 = arith.muli %add3A_675, %mul3A_676 : i32
        %dma_start3A_678 = arith.constant 1 : i32
        %dma_start3A_679 = arith.constant 0 : i32
        %dma_start3A_680 = arith.constant 0 : i32
        %dma_start3A_681 = tpu.memref_slice %arg7[%dma_start3A_678, %dma_start3A_679, %dma_start3A_680] : memref<4x2x100xi32, #tpu.memory_space<vmem>> -> memref<1x2x100xi32, #tpu.memory_space<vmem>>
        %dma_start3A_682 = tpu.memref_squeeze %dma_start3A_681 : memref<1x2x100xi32, #tpu.memory_space<vmem>> -> memref<2x100xi32, #tpu.memory_space<vmem>>
        %dma_start3A_683 = arith.constant 0 : i32
        %dma_start3A_684 = tpu.memref_slice %arg2[%mul3A_677, %dma_start3A_683] : memref<8192x100xi32, #tpu.memory_space<hbm>> -> memref<2x100xi32, #tpu.memory_space<hbm>>
        %dma_start3A_685 = arith.constant 0 : i32
        %dma_start3A_686 = arith.constant 0 : i32
        %dma_start3A_687 = tpu.memref_slice %arg7[%dma_start3A_678, %dma_start3A_685, %dma_start3A_686] : memref<4x2x100xi32, #tpu.memory_space<vmem>> -> memref<1x2x100xi32, #tpu.memory_space<vmem>>
        %dma_start3A_688 = tpu.memref_squeeze %dma_start3A_687 : memref<1x2x100xi32, #tpu.memory_space<vmem>> -> memref<2x100xi32, #tpu.memory_space<vmem>>
        %dma_start3A_689 = arith.constant 0 : i32
        %dma_start3A_690 = tpu.memref_slice %arg2[%mul3A_677, %dma_start3A_689] : memref<8192x100xi32, #tpu.memory_space<hbm>> -> memref<2x100xi32, #tpu.memory_space<hbm>>
        tpu.enqueue_dma source(%dma_start3A_690 : memref<2x100xi32, #tpu.memory_space<hbm>>) target(%dma_start3A_688 : memref<2x100xi32, #tpu.memory_space<vmem>>) target_semaphore(%arg10 : memref<!tpu.dma_semaphore, #tpu.memory_space<semaphore_mem>>)
      } else {
      }
      %scan3A_445 = arith.constant 0 : i32
      %scan3A_446 = arith.constant 0 : i32
      %scan3A_447 = arith.constant 104 : i32
      %scan3A_448 = arith.addi %scan3A_446, %scan3A_447 : i32
      %scan3A_449 = arith.constant 1 : i32
      scf.for %scan3A_673 = %scan3A_446 to %scan3A_448 step %scan3A_449  : i32 {
        %get3A = arith.constant 1 : i32
        %get3A_674 = arith.index_cast %get3A : i32 to index
        %get3A_675 = arith.index_cast %scan3A_673 : i32 to index
        %get3A_676 = arith.constant 0 : index
        %get3A_677 = tpu.vector_load %arg8[%get3A_674, %get3A_675, %get3A_676] {strides = array<i32>} : memref<4x200x128xf32, #tpu.memory_space<vmem>>, vector<1x1x16xf32>,
        %get3A_678 = vector.shape_cast %get3A_677 : vector<1x1x16xf32> to vector<16xf32>
        %get3A_679 = arith.index_cast %scan3A_673 : i32 to index
        %get3A_680 = arith.constant 0 : index
        %get3A_681 = tpu.vector_load %arg6[%get3A_679, %get3A_680] {strides = array<i32>} : memref<200x128xf32, #tpu.memory_space<vmem>>, vector<1x16xf32>,
        %get3A_682 = vector.shape_cast %get3A_681 : vector<1x16xf32> to vector<16xf32>
        %add3A_683 = arith.addf %get3A_678, %get3A_682 : vector<16xf32>
        %swap3A = arith.constant 1 : i32
        %swap3A_684 = arith.index_cast %swap3A : i32 to index
        %swap3A_685 = arith.index_cast %scan3A_673 : i32 to index
        %swap3A_686 = arith.constant 0 : index
        %swap3A_687 = tpu.vector_load %arg8[%swap3A_684, %swap3A_685, %swap3A_686] {strides = array<i32>} : memref<4x200x128xf32, #tpu.memory_space<vmem>>, vector<1x1x16xf32>,
        %swap3A_688 = vector.shape_cast %swap3A_687 : vector<1x1x16xf32> to vector<16xf32>
        %swap3A_689 = vector.shape_cast %add3A_683 : vector<16xf32> to vector<1x1x16xf32>
        tpu.vector_store %arg8[%swap3A_684, %swap3A_685, %swap3A_686], %swap3A_689 {strides = array<i32>} : memref<4x200x128xf32, #tpu.memory_space<vmem>>, vector<1x1x16xf32>,
        %get3A_690 = arith.constant 1 : i32
        %get3A_691 = arith.index_cast %get3A_690 : i32 to index
        %get3A_692 = arith.index_cast %scan3A_673 : i32 to index
        %get3A_693 = arith.constant 16 : index
        %get3A_694 = tpu.vector_load %arg8[%get3A_691, %get3A_692, %get3A_693] {strides = array<i32>} : memref<4x200x128xf32, #tpu.memory_space<vmem>>, vector<1x1x16xf32>,
        %get3A_695 = vector.shape_cast %get3A_694 : vector<1x1x16xf32> to vector<16xf32>
        %get3A_696 = arith.index_cast %scan3A_673 : i32 to index
        %get3A_697 = arith.constant 16 : index
        %get3A_698 = tpu.vector_load %arg6[%get3A_696, %get3A_697] {strides = array<i32>} : memref<200x128xf32, #tpu.memory_space<vmem>>, vector<1x16xf32>,
        %get3A_699 = vector.shape_cast %get3A_698 : vector<1x16xf32> to vector<16xf32>
        %add3A_700 = arith.addf %get3A_695, %get3A_699 : vector<16xf32>
        %swap3A_701 = arith.constant 1 : i32
        %swap3A_702 = arith.index_cast %swap3A_701 : i32 to index
        %swap3A_703 = arith.index_cast %scan3A_673 : i32 to index
        %swap3A_704 = arith.constant 16 : index
        %swap3A_705 = tpu.vector_load %arg8[%swap3A_702, %swap3A_703, %swap3A_704] {strides = array<i32>} : memref<4x200x128xf32, #tpu.memory_space<vmem>>, vector<1x1x16xf32>,
        %swap3A_706 = vector.shape_cast %swap3A_705 : vector<1x1x16xf32> to vector<16xf32>
        %swap3A_707 = vector.shape_cast %add3A_700 : vector<16xf32> to vector<1x1x16xf32>
        tpu.vector_store %arg8[%swap3A_702, %swap3A_703, %swap3A_704], %swap3A_707 {strides = array<i32>} : memref<4x200x128xf32, #tpu.memory_space<vmem>>, vector<1x1x16xf32>,
        %get3A_708 = arith.constant 1 : i32
        %get3A_709 = arith.index_cast %get3A_708 : i32 to index
        %get3A_710 = arith.index_cast %scan3A_673 : i32 to index
        %get3A_711 = arith.constant 32 : index
        %get3A_712 = tpu.vector_load %arg8[%get3A_709, %get3A_710, %get3A_711] {strides = array<i32>} : memref<4x200x128xf32, #tpu.memory_space<vmem>>, vector<1x1x16xf32>,
        %get3A_713 = vector.shape_cast %get3A_712 : vector<1x1x16xf32> to vector<16xf32>
        %get3A_714 = arith.index_cast %scan3A_673 : i32 to index
        %get3A_715 = arith.constant 32 : index
        %get3A_716 = tpu.vector_load %arg6[%get3A_714, %get3A_715] {strides = array<i32>} : memref<200x128xf32, #tpu.memory_space<vmem>>, vector<1x16xf32>,
        %get3A_717 = vector.shape_cast %get3A_716 : vector<1x16xf32> to vector<16xf32>
        %add3A_718 = arith.addf %get3A_713, %get3A_717 : vector<16xf32>
        %swap3A_719 = arith.constant 1 : i32
        %swap3A_720 = arith.index_cast %swap3A_719 : i32 to index
        %swap3A_721 = arith.index_cast %scan3A_673 : i32 to index
        %swap3A_722 = arith.constant 32 : index
        %swap3A_723 = tpu.vector_load %arg8[%swap3A_720, %swap3A_721, %swap3A_722] {strides = array<i32>} : memref<4x200x128xf32, #tpu.memory_space<vmem>>, vector<1x1x16xf32>,
        %swap3A_724 = vector.shape_cast %swap3A_723 : vector<1x1x16xf32> to vector<16xf32>
        %swap3A_725 = vector.shape_cast %add3A_718 : vector<16xf32> to vector<1x1x16xf32>
        tpu.vector_store %arg8[%swap3A_720, %swap3A_721, %swap3A_722], %swap3A_725 {strides = array<i32>} : memref<4x200x128xf32, #tpu.memory_space<vmem>>, vector<1x1x16xf32>,
        %get3A_726 = arith.constant 1 : i32
        %get3A_727 = arith.index_cast %get3A_726 : i32 to index
        %get3A_728 = arith.index_cast %scan3A_673 : i32 to index
        %get3A_729 = arith.constant 48 : index
        %get3A_730 = tpu.vector_load %arg8[%get3A_727, %get3A_728, %get3A_729] {strides = array<i32>} : memref<4x200x128xf32, #tpu.memory_space<vmem>>, vector<1x1x16xf32>,
        %get3A_731 = vector.shape_cast %get3A_730 : vector<1x1x16xf32> to vector<16xf32>
        %get3A_732 = arith.index_cast %scan3A_673 : i32 to index
        %get3A_733 = arith.constant 48 : index
        %get3A_734 = tpu.vector_load %arg6[%get3A_732, %get3A_733] {strides = array<i32>} : memref<200x128xf32, #tpu.memory_space<vmem>>, vector<1x16xf32>,
        %get3A_735 = vector.shape_cast %get3A_734 : vector<1x16xf32> to vector<16xf32>
        %add3A_736 = arith.addf %get3A_731, %get3A_735 : vector<16xf32>
        %swap3A_737 = arith.constant 1 : i32
        %swap3A_738 = arith.index_cast %swap3A_737 : i32 to index
        %swap3A_739 = arith.index_cast %scan3A_673 : i32 to index
        %swap3A_740 = arith.constant 48 : index
        %swap3A_741 = tpu.vector_load %arg8[%swap3A_738, %swap3A_739, %swap3A_740] {strides = array<i32>} : memref<4x200x128xf32, #tpu.memory_space<vmem>>, vector<1x1x16xf32>,
        %swap3A_742 = vector.shape_cast %swap3A_741 : vector<1x1x16xf32> to vector<16xf32>
        %swap3A_743 = vector.shape_cast %add3A_736 : vector<16xf32> to vector<1x1x16xf32>
        tpu.vector_store %arg8[%swap3A_738, %swap3A_739, %swap3A_740], %swap3A_743 {strides = array<i32>} : memref<4x200x128xf32, #tpu.memory_space<vmem>>, vector<1x1x16xf32>,
        %get3A_744 = arith.constant 1 : i32
        %get3A_745 = arith.index_cast %get3A_744 : i32 to index
        %get3A_746 = arith.index_cast %scan3A_673 : i32 to index
        %get3A_747 = arith.constant 64 : index
        %get3A_748 = tpu.vector_load %arg8[%get3A_745, %get3A_746, %get3A_747] {strides = array<i32>} : memref<4x200x128xf32, #tpu.memory_space<vmem>>, vector<1x1x16xf32>,
        %get3A_749 = vector.shape_cast %get3A_748 : vector<1x1x16xf32> to vector<16xf32>
        %get3A_750 = arith.index_cast %scan3A_673 : i32 to index
        %get3A_751 = arith.constant 64 : index
        %get3A_752 = tpu.vector_load %arg6[%get3A_750, %get3A_751] {strides = array<i32>} : memref<200x128xf32, #tpu.memory_space<vmem>>, vector<1x16xf32>,
        %get3A_753 = vector.shape_cast %get3A_752 : vector<1x16xf32> to vector<16xf32>
        %add3A_754 = arith.addf %get3A_749, %get3A_753 : vector<16xf32>
        %swap3A_755 = arith.constant 1 : i32
        %swap3A_756 = arith.index_cast %swap3A_755 : i32 to index
        %swap3A_757 = arith.index_cast %scan3A_673 : i32 to index
        %swap3A_758 = arith.constant 64 : index
        %swap3A_759 = tpu.vector_load %arg8[%swap3A_756, %swap3A_757, %swap3A_758] {strides = array<i32>} : memref<4x200x128xf32, #tpu.memory_space<vmem>>, vector<1x1x16xf32>,
        %swap3A_760 = vector.shape_cast %swap3A_759 : vector<1x1x16xf32> to vector<16xf32>
        %swap3A_761 = vector.shape_cast %add3A_754 : vector<16xf32> to vector<1x1x16xf32>
        tpu.vector_store %arg8[%swap3A_756, %swap3A_757, %swap3A_758], %swap3A_761 {strides = array<i32>} : memref<4x200x128xf32, #tpu.memory_space<vmem>>, vector<1x1x16xf32>,
        %get3A_762 = arith.constant 1 : i32
        %get3A_763 = arith.index_cast %get3A_762 : i32 to index
        %get3A_764 = arith.index_cast %scan3A_673 : i32 to index
        %get3A_765 = arith.constant 80 : index
        %get3A_766 = tpu.vector_load %arg8[%get3A_763, %get3A_764, %get3A_765] {strides = array<i32>} : memref<4x200x128xf32, #tpu.memory_space<vmem>>, vector<1x1x16xf32>,
        %get3A_767 = vector.shape_cast %get3A_766 : vector<1x1x16xf32> to vector<16xf32>
        %get3A_768 = arith.index_cast %scan3A_673 : i32 to index
        %get3A_769 = arith.constant 80 : index
        %get3A_770 = tpu.vector_load %arg6[%get3A_768, %get3A_769] {strides = array<i32>} : memref<200x128xf32, #tpu.memory_space<vmem>>, vector<1x16xf32>,
        %get3A_771 = vector.shape_cast %get3A_770 : vector<1x16xf32> to vector<16xf32>
        %add3A_772 = arith.addf %get3A_767, %get3A_771 : vector<16xf32>
        %swap3A_773 = arith.constant 1 : i32
        %swap3A_774 = arith.index_cast %swap3A_773 : i32 to index
        %swap3A_775 = arith.index_cast %scan3A_673 : i32 to index
        %swap3A_776 = arith.constant 80 : index
        %swap3A_777 = tpu.vector_load %arg8[%swap3A_774, %swap3A_775, %swap3A_776] {strides = array<i32>} : memref<4x200x128xf32, #tpu.memory_space<vmem>>, vector<1x1x16xf32>,
        %swap3A_778 = vector.shape_cast %swap3A_777 : vector<1x1x16xf32> to vector<16xf32>
        %swap3A_779 = vector.shape_cast %add3A_772 : vector<16xf32> to vector<1x1x16xf32>
        tpu.vector_store %arg8[%swap3A_774, %swap3A_775, %swap3A_776], %swap3A_779 {strides = array<i32>} : memref<4x200x128xf32, #tpu.memory_space<vmem>>, vector<1x1x16xf32>,
        %get3A_780 = arith.constant 1 : i32
        %get3A_781 = arith.index_cast %get3A_780 : i32 to index
        %get3A_782 = arith.index_cast %scan3A_673 : i32 to index
        %get3A_783 = arith.constant 96 : index
        %get3A_784 = tpu.vector_load %arg8[%get3A_781, %get3A_782, %get3A_783] {strides = array<i32>} : memref<4x200x128xf32, #tpu.memory_space<vmem>>, vector<1x1x16xf32>,
        %get3A_785 = vector.shape_cast %get3A_784 : vector<1x1x16xf32> to vector<16xf32>
        %get3A_786 = arith.index_cast %scan3A_673 : i32 to index
        %get3A_787 = arith.constant 96 : index
        %get3A_788 = tpu.vector_load %arg6[%get3A_786, %get3A_787] {strides = array<i32>} : memref<200x128xf32, #tpu.memory_space<vmem>>, vector<1x16xf32>,
        %get3A_789 = vector.shape_cast %get3A_788 : vector<1x16xf32> to vector<16xf32>
        %add3A_790 = arith.addf %get3A_785, %get3A_789 : vector<16xf32>
        %swap3A_791 = arith.constant 1 : i32
        %swap3A_792 = arith.index_cast %swap3A_791 : i32 to index
        %swap3A_793 = arith.index_cast %scan3A_673 : i32 to index
        %swap3A_794 = arith.constant 96 : index
        %swap3A_795 = tpu.vector_load %arg8[%swap3A_792, %swap3A_793, %swap3A_794] {strides = array<i32>} : memref<4x200x128xf32, #tpu.memory_space<vmem>>, vector<1x1x16xf32>,
        %swap3A_796 = vector.shape_cast %swap3A_795 : vector<1x1x16xf32> to vector<16xf32>
        %swap3A_797 = vector.shape_cast %add3A_790 : vector<16xf32> to vector<1x1x16xf32>
        tpu.vector_store %arg8[%swap3A_792, %swap3A_793, %swap3A_794], %swap3A_797 {strides = array<i32>} : memref<4x200x128xf32, #tpu.memory_space<vmem>>, vector<1x1x16xf32>,
        %get3A_798 = arith.constant 1 : i32
        %get3A_799 = arith.index_cast %get3A_798 : i32 to index
        %get3A_800 = arith.index_cast %scan3A_673 : i32 to index
        %get3A_801 = arith.constant 112 : index
        %get3A_802 = tpu.vector_load %arg8[%get3A_799, %get3A_800, %get3A_801] {strides = array<i32>} : memref<4x200x128xf32, #tpu.memory_space<vmem>>, vector<1x1x16xf32>,
        %get3A_803 = vector.shape_cast %get3A_802 : vector<1x1x16xf32> to vector<16xf32>
        %get3A_804 = arith.index_cast %scan3A_673 : i32 to index
        %get3A_805 = arith.constant 112 : index
        %get3A_806 = tpu.vector_load %arg6[%get3A_804, %get3A_805] {strides = array<i32>} : memref<200x128xf32, #tpu.memory_space<vmem>>, vector<1x16xf32>,
        %get3A_807 = vector.shape_cast %get3A_806 : vector<1x16xf32> to vector<16xf32>
        %add3A_808 = arith.addf %get3A_803, %get3A_807 : vector<16xf32>
        %swap3A_809 = arith.constant 1 : i32
        %swap3A_810 = arith.index_cast %swap3A_809 : i32 to index
        %swap3A_811 = arith.index_cast %scan3A_673 : i32 to index
        %swap3A_812 = arith.constant 112 : index
        %swap3A_813 = tpu.vector_load %arg8[%swap3A_810, %swap3A_811, %swap3A_812] {strides = array<i32>} : memref<4x200x128xf32, #tpu.memory_space<vmem>>, vector<1x1x16xf32>,
        %swap3A_814 = vector.shape_cast %swap3A_813 : vector<1x1x16xf32> to vector<16xf32>
        %swap3A_815 = vector.shape_cast %add3A_808 : vector<16xf32> to vector<1x1x16xf32>
        tpu.vector_store %arg8[%swap3A_810, %swap3A_811, %swap3A_812], %swap3A_815 {strides = array<i32>} : memref<4x200x128xf32, #tpu.memory_space<vmem>>, vector<1x1x16xf32>,
      }
      %scan3A_450 = arith.constant 104 : i32
      %add3A_451 = arith.addi %mul3A_2, %add3A_404 : i32
      %mul3A_452 = arith.constant 200 : i32
      %mul3A_453 = arith.muli %add3A_451, %mul3A_452 : i32
      %add3A_454 = arith.constant 0 : i32
      %add3A_455 = arith.addi %mul3A_453, %add3A_454 : i32
      %dma_start3A_456 = arith.constant 1 : i32
      %dma_start3A_457 = arith.constant 0 : i32
      %dma_start3A_458 = arith.constant 0 : i32
      %dma_start3A_459 = tpu.memref_slice %arg8[%dma_start3A_456, %dma_start3A_457, %dma_start3A_458] : memref<4x200x128xf32, #tpu.memory_space<vmem>> -> memref<1x104x128xf32, #tpu.memory_space<vmem>>
      %dma_start3A_460 = tpu.memref_squeeze %dma_start3A_459 : memref<1x104x128xf32, #tpu.memory_space<vmem>> -> memref<104x128xf32, #tpu.memory_space<vmem>>
      %dma_start3A_461 = arith.constant 0 : i32
      %dma_start3A_462 = tpu.memref_slice %arg5[%add3A_455, %dma_start3A_461] : memref<819200x128xf32, #tpu.memory_space<hbm>> -> memref<104x128xf32, #tpu.memory_space<hbm>>
      %dma_start3A_463 = arith.constant 0 : i32
      %dma_start3A_464 = tpu.memref_slice %arg5[%add3A_455, %dma_start3A_463] : memref<819200x128xf32, #tpu.memory_space<hbm>> -> memref<104x128xf32, #tpu.memory_space<hbm>>
      %dma_start3A_465 = arith.constant 0 : i32
      %dma_start3A_466 = arith.constant 0 : i32
      %dma_start3A_467 = tpu.memref_slice %arg8[%dma_start3A_456, %dma_start3A_465, %dma_start3A_466] : memref<4x200x128xf32, #tpu.memory_space<vmem>> -> memref<1x104x128xf32, #tpu.memory_space<vmem>>
      %dma_start3A_468 = tpu.memref_squeeze %dma_start3A_467 : memref<1x104x128xf32, #tpu.memory_space<vmem>> -> memref<104x128xf32, #tpu.memory_space<vmem>>
      tpu.enqueue_dma source(%dma_start3A_468 : memref<104x128xf32, #tpu.memory_space<vmem>>) target(%dma_start3A_464 : memref<104x128xf32, #tpu.memory_space<hbm>>) target_semaphore(%arg18 : memref<!tpu.dma_semaphore, #tpu.memory_space<semaphore_mem>>)
      %scan3A_469 = arith.constant 0 : i32
      %scan3A_470 = arith.constant 104 : i32
      %scan3A_471 = arith.constant 96 : i32
      %scan3A_472 = arith.addi %scan3A_470, %scan3A_471 : i32
      %scan3A_473 = arith.constant 1 : i32
      scf.for %scan3A_673 = %scan3A_470 to %scan3A_472 step %scan3A_473  : i32 {
        %get3A = arith.constant 1 : i32
        %get3A_674 = arith.index_cast %get3A : i32 to index
        %get3A_675 = arith.index_cast %scan3A_673 : i32 to index
        %get3A_676 = arith.constant 0 : index
        %get3A_677 = tpu.vector_load %arg8[%get3A_674, %get3A_675, %get3A_676] {strides = array<i32>} : memref<4x200x128xf32, #tpu.memory_space<vmem>>, vector<1x1x16xf32>,
        %get3A_678 = vector.shape_cast %get3A_677 : vector<1x1x16xf32> to vector<16xf32>
        %get3A_679 = arith.index_cast %scan3A_673 : i32 to index
        %get3A_680 = arith.constant 0 : index
        %get3A_681 = tpu.vector_load %arg6[%get3A_679, %get3A_680] {strides = array<i32>} : memref<200x128xf32, #tpu.memory_space<vmem>>, vector<1x16xf32>,
        %get3A_682 = vector.shape_cast %get3A_681 : vector<1x16xf32> to vector<16xf32>
        %add3A_683 = arith.addf %get3A_678, %get3A_682 : vector<16xf32>
        %swap3A = arith.constant 1 : i32
        %swap3A_684 = arith.index_cast %swap3A : i32 to index
        %swap3A_685 = arith.index_cast %scan3A_673 : i32 to index
        %swap3A_686 = arith.constant 0 : index
        %swap3A_687 = tpu.vector_load %arg8[%swap3A_684, %swap3A_685, %swap3A_686] {strides = array<i32>} : memref<4x200x128xf32, #tpu.memory_space<vmem>>, vector<1x1x16xf32>,
        %swap3A_688 = vector.shape_cast %swap3A_687 : vector<1x1x16xf32> to vector<16xf32>
        %swap3A_689 = vector.shape_cast %add3A_683 : vector<16xf32> to vector<1x1x16xf32>
        tpu.vector_store %arg8[%swap3A_684, %swap3A_685, %swap3A_686], %swap3A_689 {strides = array<i32>} : memref<4x200x128xf32, #tpu.memory_space<vmem>>, vector<1x1x16xf32>,
        %get3A_690 = arith.constant 1 : i32
        %get3A_691 = arith.index_cast %get3A_690 : i32 to index
        %get3A_692 = arith.index_cast %scan3A_673 : i32 to index
        %get3A_693 = arith.constant 16 : index
        %get3A_694 = tpu.vector_load %arg8[%get3A_691, %get3A_692, %get3A_693] {strides = array<i32>} : memref<4x200x128xf32, #tpu.memory_space<vmem>>, vector<1x1x16xf32>,
        %get3A_695 = vector.shape_cast %get3A_694 : vector<1x1x16xf32> to vector<16xf32>
        %get3A_696 = arith.index_cast %scan3A_673 : i32 to index
        %get3A_697 = arith.constant 16 : index
        %get3A_698 = tpu.vector_load %arg6[%get3A_696, %get3A_697] {strides = array<i32>} : memref<200x128xf32, #tpu.memory_space<vmem>>, vector<1x16xf32>,
        %get3A_699 = vector.shape_cast %get3A_698 : vector<1x16xf32> to vector<16xf32>
        %add3A_700 = arith.addf %get3A_695, %get3A_699 : vector<16xf32>
        %swap3A_701 = arith.constant 1 : i32
        %swap3A_702 = arith.index_cast %swap3A_701 : i32 to index
        %swap3A_703 = arith.index_cast %scan3A_673 : i32 to index
        %swap3A_704 = arith.constant 16 : index
        %swap3A_705 = tpu.vector_load %arg8[%swap3A_702, %swap3A_703, %swap3A_704] {strides = array<i32>} : memref<4x200x128xf32, #tpu.memory_space<vmem>>, vector<1x1x16xf32>,
        %swap3A_706 = vector.shape_cast %swap3A_705 : vector<1x1x16xf32> to vector<16xf32>
        %swap3A_707 = vector.shape_cast %add3A_700 : vector<16xf32> to vector<1x1x16xf32>
        tpu.vector_store %arg8[%swap3A_702, %swap3A_703, %swap3A_704], %swap3A_707 {strides = array<i32>} : memref<4x200x128xf32, #tpu.memory_space<vmem>>, vector<1x1x16xf32>,
        %get3A_708 = arith.constant 1 : i32
        %get3A_709 = arith.index_cast %get3A_708 : i32 to index
        %get3A_710 = arith.index_cast %scan3A_673 : i32 to index
        %get3A_711 = arith.constant 32 : index
        %get3A_712 = tpu.vector_load %arg8[%get3A_709, %get3A_710, %get3A_711] {strides = array<i32>} : memref<4x200x128xf32, #tpu.memory_space<vmem>>, vector<1x1x16xf32>,
        %get3A_713 = vector.shape_cast %get3A_712 : vector<1x1x16xf32> to vector<16xf32>
        %get3A_714 = arith.index_cast %scan3A_673 : i32 to index
        %get3A_715 = arith.constant 32 : index
        %get3A_716 = tpu.vector_load %arg6[%get3A_714, %get3A_715] {strides = array<i32>} : memref<200x128xf32, #tpu.memory_space<vmem>>, vector<1x16xf32>,
        %get3A_717 = vector.shape_cast %get3A_716 : vector<1x16xf32> to vector<16xf32>
        %add3A_718 = arith.addf %get3A_713, %get3A_717 : vector<16xf32>
        %swap3A_719 = arith.constant 1 : i32
        %swap3A_720 = arith.index_cast %swap3A_719 : i32 to index
        %swap3A_721 = arith.index_cast %scan3A_673 : i32 to index
        %swap3A_722 = arith.constant 32 : index
        %swap3A_723 = tpu.vector_load %arg8[%swap3A_720, %swap3A_721, %swap3A_722] {strides = array<i32>} : memref<4x200x128xf32, #tpu.memory_space<vmem>>, vector<1x1x16xf32>,
        %swap3A_724 = vector.shape_cast %swap3A_723 : vector<1x1x16xf32> to vector<16xf32>
        %swap3A_725 = vector.shape_cast %add3A_718 : vector<16xf32> to vector<1x1x16xf32>
        tpu.vector_store %arg8[%swap3A_720, %swap3A_721, %swap3A_722], %swap3A_725 {strides = array<i32>} : memref<4x200x128xf32, #tpu.memory_space<vmem>>, vector<1x1x16xf32>,
        %get3A_726 = arith.constant 1 : i32
        %get3A_727 = arith.index_cast %get3A_726 : i32 to index
        %get3A_728 = arith.index_cast %scan3A_673 : i32 to index
        %get3A_729 = arith.constant 48 : index
        %get3A_730 = tpu.vector_load %arg8[%get3A_727, %get3A_728, %get3A_729] {strides = array<i32>} : memref<4x200x128xf32, #tpu.memory_space<vmem>>, vector<1x1x16xf32>,
        %get3A_731 = vector.shape_cast %get3A_730 : vector<1x1x16xf32> to vector<16xf32>
        %get3A_732 = arith.index_cast %scan3A_673 : i32 to index
        %get3A_733 = arith.constant 48 : index
        %get3A_734 = tpu.vector_load %arg6[%get3A_732, %get3A_733] {strides = array<i32>} : memref<200x128xf32, #tpu.memory_space<vmem>>, vector<1x16xf32>,
        %get3A_735 = vector.shape_cast %get3A_734 : vector<1x16xf32> to vector<16xf32>
        %add3A_736 = arith.addf %get3A_731, %get3A_735 : vector<16xf32>
        %swap3A_737 = arith.constant 1 : i32
        %swap3A_738 = arith.index_cast %swap3A_737 : i32 to index
        %swap3A_739 = arith.index_cast %scan3A_673 : i32 to index
        %swap3A_740 = arith.constant 48 : index
        %swap3A_741 = tpu.vector_load %arg8[%swap3A_738, %swap3A_739, %swap3A_740] {strides = array<i32>} : memref<4x200x128xf32, #tpu.memory_space<vmem>>, vector<1x1x16xf32>,
        %swap3A_742 = vector.shape_cast %swap3A_741 : vector<1x1x16xf32> to vector<16xf32>
        %swap3A_743 = vector.shape_cast %add3A_736 : vector<16xf32> to vector<1x1x16xf32>
        tpu.vector_store %arg8[%swap3A_738, %swap3A_739, %swap3A_740], %swap3A_743 {strides = array<i32>} : memref<4x200x128xf32, #tpu.memory_space<vmem>>, vector<1x1x16xf32>,
        %get3A_744 = arith.constant 1 : i32
        %get3A_745 = arith.index_cast %get3A_744 : i32 to index
        %get3A_746 = arith.index_cast %scan3A_673 : i32 to index
        %get3A_747 = arith.constant 64 : index
        %get3A_748 = tpu.vector_load %arg8[%get3A_745, %get3A_746, %get3A_747] {strides = array<i32>} : memref<4x200x128xf32, #tpu.memory_space<vmem>>, vector<1x1x16xf32>,
        %get3A_749 = vector.shape_cast %get3A_748 : vector<1x1x16xf32> to vector<16xf32>
        %get3A_750 = arith.index_cast %scan3A_673 : i32 to index
        %get3A_751 = arith.constant 64 : index
        %get3A_752 = tpu.vector_load %arg6[%get3A_750, %get3A_751] {strides = array<i32>} : memref<200x128xf32, #tpu.memory_space<vmem>>, vector<1x16xf32>,
        %get3A_753 = vector.shape_cast %get3A_752 : vector<1x16xf32> to vector<16xf32>
        %add3A_754 = arith.addf %get3A_749, %get3A_753 : vector<16xf32>
        %swap3A_755 = arith.constant 1 : i32
        %swap3A_756 = arith.index_cast %swap3A_755 : i32 to index
        %swap3A_757 = arith.index_cast %scan3A_673 : i32 to index
        %swap3A_758 = arith.constant 64 : index
        %swap3A_759 = tpu.vector_load %arg8[%swap3A_756, %swap3A_757, %swap3A_758] {strides = array<i32>} : memref<4x200x128xf32, #tpu.memory_space<vmem>>, vector<1x1x16xf32>,
        %swap3A_760 = vector.shape_cast %swap3A_759 : vector<1x1x16xf32> to vector<16xf32>
        %swap3A_761 = vector.shape_cast %add3A_754 : vector<16xf32> to vector<1x1x16xf32>
        tpu.vector_store %arg8[%swap3A_756, %swap3A_757, %swap3A_758], %swap3A_761 {strides = array<i32>} : memref<4x200x128xf32, #tpu.memory_space<vmem>>, vector<1x1x16xf32>,
        %get3A_762 = arith.constant 1 : i32
        %get3A_763 = arith.index_cast %get3A_762 : i32 to index
        %get3A_764 = arith.index_cast %scan3A_673 : i32 to index
        %get3A_765 = arith.constant 80 : index
        %get3A_766 = tpu.vector_load %arg8[%get3A_763, %get3A_764, %get3A_765] {strides = array<i32>} : memref<4x200x128xf32, #tpu.memory_space<vmem>>, vector<1x1x16xf32>,
        %get3A_767 = vector.shape_cast %get3A_766 : vector<1x1x16xf32> to vector<16xf32>
        %get3A_768 = arith.index_cast %scan3A_673 : i32 to index
        %get3A_769 = arith.constant 80 : index
        %get3A_770 = tpu.vector_load %arg6[%get3A_768, %get3A_769] {strides = array<i32>} : memref<200x128xf32, #tpu.memory_space<vmem>>, vector<1x16xf32>,
        %get3A_771 = vector.shape_cast %get3A_770 : vector<1x16xf32> to vector<16xf32>
        %add3A_772 = arith.addf %get3A_767, %get3A_771 : vector<16xf32>
        %swap3A_773 = arith.constant 1 : i32
        %swap3A_774 = arith.index_cast %swap3A_773 : i32 to index
        %swap3A_775 = arith.index_cast %scan3A_673 : i32 to index
        %swap3A_776 = arith.constant 80 : index
        %swap3A_777 = tpu.vector_load %arg8[%swap3A_774, %swap3A_775, %swap3A_776] {strides = array<i32>} : memref<4x200x128xf32, #tpu.memory_space<vmem>>, vector<1x1x16xf32>,
        %swap3A_778 = vector.shape_cast %swap3A_777 : vector<1x1x16xf32> to vector<16xf32>
        %swap3A_779 = vector.shape_cast %add3A_772 : vector<16xf32> to vector<1x1x16xf32>
        tpu.vector_store %arg8[%swap3A_774, %swap3A_775, %swap3A_776], %swap3A_779 {strides = array<i32>} : memref<4x200x128xf32, #tpu.memory_space<vmem>>, vector<1x1x16xf32>,
        %get3A_780 = arith.constant 1 : i32
        %get3A_781 = arith.index_cast %get3A_780 : i32 to index
        %get3A_782 = arith.index_cast %scan3A_673 : i32 to index
        %get3A_783 = arith.constant 96 : index
        %get3A_784 = tpu.vector_load %arg8[%get3A_781, %get3A_782, %get3A_783] {strides = array<i32>} : memref<4x200x128xf32, #tpu.memory_space<vmem>>, vector<1x1x16xf32>,
        %get3A_785 = vector.shape_cast %get3A_784 : vector<1x1x16xf32> to vector<16xf32>
        %get3A_786 = arith.index_cast %scan3A_673 : i32 to index
        %get3A_787 = arith.constant 96 : index
        %get3A_788 = tpu.vector_load %arg6[%get3A_786, %get3A_787] {strides = array<i32>} : memref<200x128xf32, #tpu.memory_space<vmem>>, vector<1x16xf32>,
        %get3A_789 = vector.shape_cast %get3A_788 : vector<1x16xf32> to vector<16xf32>
        %add3A_790 = arith.addf %get3A_785, %get3A_789 : vector<16xf32>
        %swap3A_791 = arith.constant 1 : i32
        %swap3A_792 = arith.index_cast %swap3A_791 : i32 to index
        %swap3A_793 = arith.index_cast %scan3A_673 : i32 to index
        %swap3A_794 = arith.constant 96 : index
        %swap3A_795 = tpu.vector_load %arg8[%swap3A_792, %swap3A_793, %swap3A_794] {strides = array<i32>} : memref<4x200x128xf32, #tpu.memory_space<vmem>>, vector<1x1x16xf32>,
        %swap3A_796 = vector.shape_cast %swap3A_795 : vector<1x1x16xf32> to vector<16xf32>
        %swap3A_797 = vector.shape_cast %add3A_790 : vector<16xf32> to vector<1x1x16xf32>
        tpu.vector_store %arg8[%swap3A_792, %swap3A_793, %swap3A_794], %swap3A_797 {strides = array<i32>} : memref<4x200x128xf32, #tpu.memory_space<vmem>>, vector<1x1x16xf32>,
        %get3A_798 = arith.constant 1 : i32
        %get3A_799 = arith.index_cast %get3A_798 : i32 to index
        %get3A_800 = arith.index_cast %scan3A_673 : i32 to index
        %get3A_801 = arith.constant 112 : index
        %get3A_802 = tpu.vector_load %arg8[%get3A_799, %get3A_800, %get3A_801] {strides = array<i32>} : memref<4x200x128xf32, #tpu.memory_space<vmem>>, vector<1x1x16xf32>,
        %get3A_803 = vector.shape_cast %get3A_802 : vector<1x1x16xf32> to vector<16xf32>
        %get3A_804 = arith.index_cast %scan3A_673 : i32 to index
        %get3A_805 = arith.constant 112 : index
        %get3A_806 = tpu.vector_load %arg6[%get3A_804, %get3A_805] {strides = array<i32>} : memref<200x128xf32, #tpu.memory_space<vmem>>, vector<1x16xf32>,
        %get3A_807 = vector.shape_cast %get3A_806 : vector<1x16xf32> to vector<16xf32>
        %add3A_808 = arith.addf %get3A_803, %get3A_807 : vector<16xf32>
        %swap3A_809 = arith.constant 1 : i32
        %swap3A_810 = arith.index_cast %swap3A_809 : i32 to index
        %swap3A_811 = arith.index_cast %scan3A_673 : i32 to index
        %swap3A_812 = arith.constant 112 : index
        %swap3A_813 = tpu.vector_load %arg8[%swap3A_810, %swap3A_811, %swap3A_812] {strides = array<i32>} : memref<4x200x128xf32, #tpu.memory_space<vmem>>, vector<1x1x16xf32>,
        %swap3A_814 = vector.shape_cast %swap3A_813 : vector<1x1x16xf32> to vector<16xf32>
        %swap3A_815 = vector.shape_cast %add3A_808 : vector<16xf32> to vector<1x1x16xf32>
        tpu.vector_store %arg8[%swap3A_810, %swap3A_811, %swap3A_812], %swap3A_815 {strides = array<i32>} : memref<4x200x128xf32, #tpu.memory_space<vmem>>, vector<1x1x16xf32>,
      }
      %scan3A_474 = arith.constant 96 : i32
      %add3A_475 = arith.addi %mul3A_2, %add3A_404 : i32
      %mul3A_476 = arith.constant 200 : i32
      %mul3A_477 = arith.muli %add3A_475, %mul3A_476 : i32
      %add3A_478 = arith.constant 104 : i32
      %add3A_479 = arith.addi %mul3A_477, %add3A_478 : i32
      %dma_start3A_480 = arith.constant 1 : i32
      %dma_start3A_481 = arith.constant 104 : i32
      %dma_start3A_482 = arith.constant 0 : i32
      %dma_start3A_483 = tpu.memref_slice %arg8[%dma_start3A_480, %dma_start3A_481, %dma_start3A_482] : memref<4x200x128xf32, #tpu.memory_space<vmem>> -> memref<1x96x128xf32, #tpu.memory_space<vmem>>
      %dma_start3A_484 = tpu.memref_squeeze %dma_start3A_483 : memref<1x96x128xf32, #tpu.memory_space<vmem>> -> memref<96x128xf32, #tpu.memory_space<vmem>>
      %dma_start3A_485 = arith.constant 0 : i32
      %dma_start3A_486 = tpu.memref_slice %arg5[%add3A_479, %dma_start3A_485] : memref<819200x128xf32, #tpu.memory_space<hbm>> -> memref<96x128xf32, #tpu.memory_space<hbm>>
      %dma_start3A_487 = arith.constant 0 : i32
      %dma_start3A_488 = tpu.memref_slice %arg5[%add3A_479, %dma_start3A_487] : memref<819200x128xf32, #tpu.memory_space<hbm>> -> memref<96x128xf32, #tpu.memory_space<hbm>>
      %dma_start3A_489 = arith.constant 104 : i32
      %dma_start3A_490 = arith.constant 0 : i32
      %dma_start3A_491 = tpu.memref_slice %arg8[%dma_start3A_480, %dma_start3A_489, %dma_start3A_490] : memref<4x200x128xf32, #tpu.memory_space<vmem>> -> memref<1x96x128xf32, #tpu.memory_space<vmem>>
      %dma_start3A_492 = tpu.memref_squeeze %dma_start3A_491 : memref<1x96x128xf32, #tpu.memory_space<vmem>> -> memref<96x128xf32, #tpu.memory_space<vmem>>
      tpu.enqueue_dma source(%dma_start3A_492 : memref<96x128xf32, #tpu.memory_space<vmem>>) target(%dma_start3A_488 : memref<96x128xf32, #tpu.memory_space<hbm>>) target_semaphore(%arg18 : memref<!tpu.dma_semaphore, #tpu.memory_space<semaphore_mem>>)
      %add3A_493 = arith.constant 2 : i32
      %add3A_494 = arith.addi %add3A_315, %add3A_493 : i32
      %add3A_495 = arith.constant 2 : i32
      %add3A_496 = arith.addi %add3A_494, %add3A_495 : i32
      %lt3A_497 = arith.constant 128 : i32
      %lt3A_498 = arith.cmpi slt, %add3A_496, %lt3A_497 : i32
      %convert_element_type3A_499 = arith.extui %lt3A_498 : i1 to i32
      %cond3A_500 = arith.constant 0 : i32
      %cond3A_501 = arith.cmpi ne, %convert_element_type3A_499, %cond3A_500 : i32
      scf.if %cond3A_501 {
        %add3A_673 = arith.constant 2 : i32
        %add3A_674 = arith.addi %add3A_494, %add3A_673 : i32
        %add3A_675 = arith.addi %mul3A_2, %add3A_674 : i32
        %mul3A_676 = arith.constant 2 : i32
        %mul3A_677 = arith.muli %add3A_675, %mul3A_676 : i32
        %dma_wait3A_678 = arith.constant 0 : i32
        %dma_wait3A_679 = arith.constant 0 : i32
        %dma_wait3A_680 = arith.constant 0 : i32
        %dma_wait3A_681 = tpu.memref_slice %arg7[%dma_wait3A_678, %dma_wait3A_679, %dma_wait3A_680] : memref<4x2x100xi32, #tpu.memory_space<vmem>> -> memref<1x2x100xi32, #tpu.memory_space<vmem>>
        %dma_wait3A_682 = tpu.memref_squeeze %dma_wait3A_681 : memref<1x2x100xi32, #tpu.memory_space<vmem>> -> memref<2x100xi32, #tpu.memory_space<vmem>>
        %dma_wait3A_683 = arith.constant 0 : i32
        %dma_wait3A_684 = tpu.memref_slice %arg2[%mul3A_677, %dma_wait3A_683] : memref<8192x100xi32, #tpu.memory_space<hbm>> -> memref<2x100xi32, #tpu.memory_space<hbm>>
        %dma_wait3A_685 = arith.constant 0 : i32
        %dma_wait3A_686 = arith.constant 0 : i32
        %dma_wait3A_687 = tpu.memref_slice %arg7[%dma_wait3A_678, %dma_wait3A_685, %dma_wait3A_686] : memref<4x2x100xi32, #tpu.memory_space<vmem>> -> memref<1x2x100xi32, #tpu.memory_space<vmem>>
        %dma_wait3A_688 = tpu.memref_squeeze %dma_wait3A_687 : memref<1x2x100xi32, #tpu.memory_space<vmem>> -> memref<2x100xi32, #tpu.memory_space<vmem>>
        %dma_wait3A_689 = arith.constant 0 : i32
        %dma_wait3A_690 = tpu.memref_slice %arg2[%mul3A_677, %dma_wait3A_689] : memref<8192x100xi32, #tpu.memory_space<hbm>> -> memref<2x100xi32, #tpu.memory_space<hbm>>
        tpu.wait_dma2 semaphore(%arg9 : memref<!tpu.dma_semaphore, #tpu.memory_space<semaphore_mem>>) src(%dma_wait3A_690 : memref<2x100xi32, #tpu.memory_space<hbm>>) dst(%dma_wait3A_688 : memref<2x100xi32, #tpu.memory_space<vmem>>)
        %ge3A = arith.constant 2 : i32
        %ge3A_691 = arith.cmpi sge, %add3A_494, %ge3A : i32
        %convert_element_type3A_692 = arith.extui %ge3A_691 : i1 to i32
        %cond3A_693 = arith.constant 0 : i32
        %cond3A_694 = arith.cmpi ne, %convert_element_type3A_692, %cond3A_693 : i32
        scf.if %cond3A_694 {
          %sub3A = arith.constant 2 : i32
          %sub3A_723 = arith.subi %add3A_494, %sub3A : i32
          %add3A_724 = arith.addi %mul3A_2, %sub3A_723 : i32
          %mul3A_725 = arith.constant 200 : i32
          %mul3A_726 = arith.muli %add3A_724, %mul3A_725 : i32
          %add3A_727 = arith.constant 0 : i32
          %add3A_728 = arith.addi %mul3A_726, %add3A_727 : i32
          %dma_wait3A_729 = arith.constant 0 : i32
          %dma_wait3A_730 = arith.constant 0 : i32
          %dma_wait3A_731 = arith.constant 0 : i32
          %dma_wait3A_732 = tpu.memref_slice %arg8[%dma_wait3A_729, %dma_wait3A_730, %dma_wait3A_731] : memref<4x200x128xf32, #tpu.memory_space<vmem>> -> memref<1x104x128xf32, #tpu.memory_space<vmem>>
          %dma_wait3A_733 = tpu.memref_squeeze %dma_wait3A_732 : memref<1x104x128xf32, #tpu.memory_space<vmem>> -> memref<104x128xf32, #tpu.memory_space<vmem>>
          %dma_wait3A_734 = arith.constant 0 : i32
          %dma_wait3A_735 = tpu.memref_slice %arg5[%add3A_728, %dma_wait3A_734] : memref<819200x128xf32, #tpu.memory_space<hbm>> -> memref<104x128xf32, #tpu.memory_space<hbm>>
          %dma_wait3A_736 = arith.constant 0 : i32
          %dma_wait3A_737 = tpu.memref_slice %arg5[%add3A_728, %dma_wait3A_736] : memref<819200x128xf32, #tpu.memory_space<hbm>> -> memref<104x128xf32, #tpu.memory_space<hbm>>
          %dma_wait3A_738 = arith.constant 0 : i32
          %dma_wait3A_739 = arith.constant 0 : i32
          %dma_wait3A_740 = tpu.memref_slice %arg8[%dma_wait3A_729, %dma_wait3A_738, %dma_wait3A_739] : memref<4x200x128xf32, #tpu.memory_space<vmem>> -> memref<1x104x128xf32, #tpu.memory_space<vmem>>
          %dma_wait3A_741 = tpu.memref_squeeze %dma_wait3A_740 : memref<1x104x128xf32, #tpu.memory_space<vmem>> -> memref<104x128xf32, #tpu.memory_space<vmem>>
          tpu.wait_dma2 semaphore(%arg17 : memref<!tpu.dma_semaphore, #tpu.memory_space<semaphore_mem>>) src(%dma_wait3A_741 : memref<104x128xf32, #tpu.memory_space<vmem>>) dst(%dma_wait3A_737 : memref<104x128xf32, #tpu.memory_space<hbm>>)
          %add3A_742 = arith.addi %mul3A_2, %sub3A_723 : i32
          %mul3A_743 = arith.constant 200 : i32
          %mul3A_744 = arith.muli %add3A_742, %mul3A_743 : i32
          %add3A_745 = arith.constant 104 : i32
          %add3A_746 = arith.addi %mul3A_744, %add3A_745 : i32
          %dma_wait3A_747 = arith.constant 0 : i32
          %dma_wait3A_748 = arith.constant 104 : i32
          %dma_wait3A_749 = arith.constant 0 : i32
          %dma_wait3A_750 = tpu.memref_slice %arg8[%dma_wait3A_747, %dma_wait3A_748, %dma_wait3A_749] : memref<4x200x128xf32, #tpu.memory_space<vmem>> -> memref<1x96x128xf32, #tpu.memory_space<vmem>>
          %dma_wait3A_751 = tpu.memref_squeeze %dma_wait3A_750 : memref<1x96x128xf32, #tpu.memory_space<vmem>> -> memref<96x128xf32, #tpu.memory_space<vmem>>
          %dma_wait3A_752 = arith.constant 0 : i32
          %dma_wait3A_753 = tpu.memref_slice %arg5[%add3A_746, %dma_wait3A_752] : memref<819200x128xf32, #tpu.memory_space<hbm>> -> memref<96x128xf32, #tpu.memory_space<hbm>>
          %dma_wait3A_754 = arith.constant 0 : i32
          %dma_wait3A_755 = tpu.memref_slice %arg5[%add3A_746, %dma_wait3A_754] : memref<819200x128xf32, #tpu.memory_space<hbm>> -> memref<96x128xf32, #tpu.memory_space<hbm>>
          %dma_wait3A_756 = arith.constant 104 : i32
          %dma_wait3A_757 = arith.constant 0 : i32
          %dma_wait3A_758 = tpu.memref_slice %arg8[%dma_wait3A_747, %dma_wait3A_756, %dma_wait3A_757] : memref<4x200x128xf32, #tpu.memory_space<vmem>> -> memref<1x96x128xf32, #tpu.memory_space<vmem>>
          %dma_wait3A_759 = tpu.memref_squeeze %dma_wait3A_758 : memref<1x96x128xf32, #tpu.memory_space<vmem>> -> memref<96x128xf32, #tpu.memory_space<vmem>>
          tpu.wait_dma2 semaphore(%arg17 : memref<!tpu.dma_semaphore, #tpu.memory_space<semaphore_mem>>) src(%dma_wait3A_759 : memref<96x128xf32, #tpu.memory_space<vmem>>) dst(%dma_wait3A_755 : memref<96x128xf32, #tpu.memory_space<hbm>>)
        } else {
        }
        %add3A_695 = arith.constant 2 : i32
        %add3A_696 = arith.addi %add3A_494, %add3A_695 : i32
        %dma_start3A_697 = arith.constant 0 : i32
        %dma_start3A_698 = arith.constant 0 : i32
        %dma_start3A_699 = arith.constant 0 : i32
        %dma_start3A_700 = arith.constant 0 : i32
        %dma_start3A_701 = arith.constant 0 : i32
        %dma_start3A_702 = tpu.memref_slice %arg8[%dma_start3A_699, %dma_start3A_700, %dma_start3A_701] : memref<4x200x128xf32, #tpu.memory_space<vmem>> -> memref<1x100x128xf32, #tpu.memory_space<vmem>>
        %dma_start3A_703 = tpu.memref_squeeze %dma_start3A_702 : memref<1x100x128xf32, #tpu.memory_space<vmem>> -> memref<100x128xf32, #tpu.memory_space<vmem>>
        %dma_start3A_704 = arith.constant 0 : i32
        %dma_start3A_705 = tpu.memref_slice %arg7[%dma_start3A_697, %dma_start3A_698, %dma_start3A_704] : memref<4x2x100xi32, #tpu.memory_space<vmem>> -> memref<1x1x100xi32, #tpu.memory_space<vmem>>
        %dma_start3A_706 = tpu.memref_squeeze %dma_start3A_705 : memref<1x1x100xi32, #tpu.memory_space<vmem>> -> memref<100xi32, #tpu.memory_space<vmem>>
        %dma_start3A_707 = arith.constant 0 : i32
        %dma_start3A_708 = arith.constant 0 : i32
        %dma_start3A_709 = tpu.memref_slice %arg3[%dma_start3A_707, %dma_start3A_708] : memref<100000x128xf32, #tpu.memory_space<hbm>> -> memref<100000x128xf32, #tpu.memory_space<hbm>>
        tpu.enqueue_indirect_dma source(%dma_start3A_709 : memref<100000x128xf32, #tpu.memory_space<hbm>>) target(%dma_start3A_703 : memref<100x128xf32, #tpu.memory_space<vmem>>) offsets(%dma_start3A_706 : memref<100xi32, #tpu.memory_space<vmem>>) semaphore(%arg13 : memref<!tpu.dma_semaphore, #tpu.memory_space<semaphore_mem>>)
        %dma_start3A_710 = arith.constant 0 : i32
        %dma_start3A_711 = arith.constant 1 : i32
        %dma_start3A_712 = arith.constant 0 : i32
        %dma_start3A_713 = arith.constant 100 : i32
        %dma_start3A_714 = arith.constant 0 : i32
        %dma_start3A_715 = tpu.memref_slice %arg8[%dma_start3A_712, %dma_start3A_713, %dma_start3A_714] : memref<4x200x128xf32, #tpu.memory_space<vmem>> -> memref<1x100x128xf32, #tpu.memory_space<vmem>>
        %dma_start3A_716 = tpu.memref_squeeze %dma_start3A_715 : memref<1x100x128xf32, #tpu.memory_space<vmem>> -> memref<100x128xf32, #tpu.memory_space<vmem>>
        %dma_start3A_717 = arith.constant 0 : i32
        %dma_start3A_718 = tpu.memref_slice %arg7[%dma_start3A_710, %dma_start3A_711, %dma_start3A_717] : memref<4x2x100xi32, #tpu.memory_space<vmem>> -> memref<1x1x100xi32, #tpu.memory_space<vmem>>
        %dma_start3A_719 = tpu.memref_squeeze %dma_start3A_718 : memref<1x1x100xi32, #tpu.memory_space<vmem>> -> memref<100xi32, #tpu.memory_space<vmem>>
        %dma_start3A_720 = arith.constant 0 : i32
        %dma_start3A_721 = arith.constant 0 : i32
        %dma_start3A_722 = tpu.memref_slice %arg3[%dma_start3A_720, %dma_start3A_721] : memref<100000x128xf32, #tpu.memory_space<hbm>> -> memref<100000x128xf32, #tpu.memory_space<hbm>>
        tpu.enqueue_indirect_dma source(%dma_start3A_722 : memref<100000x128xf32, #tpu.memory_space<hbm>>) target(%dma_start3A_716 : memref<100x128xf32, #tpu.memory_space<vmem>>) offsets(%dma_start3A_719 : memref<100xi32, #tpu.memory_space<vmem>>) semaphore(%arg13 : memref<!tpu.dma_semaphore, #tpu.memory_space<semaphore_mem>>)
      } else {
      }
      %dma_wait3A_502 = arith.constant 2 : i32
      %dma_wait3A_503 = arith.constant 0 : i32
      %dma_wait3A_504 = arith.constant 2 : i32
      %dma_wait3A_505 = arith.constant 0 : i32
      %dma_wait3A_506 = arith.constant 0 : i32
      %dma_wait3A_507 = tpu.memref_slice %arg8[%dma_wait3A_504, %dma_wait3A_505, %dma_wait3A_506] : memref<4x200x128xf32, #tpu.memory_space<vmem>> -> memref<1x100x128xf32, #tpu.memory_space<vmem>>
      %dma_wait3A_508 = tpu.memref_squeeze %dma_wait3A_507 : memref<1x100x128xf32, #tpu.memory_space<vmem>> -> memref<100x128xf32, #tpu.memory_space<vmem>>
      %dma_wait3A_509 = arith.constant 0 : i32
      %dma_wait3A_510 = tpu.memref_slice %arg7[%dma_wait3A_502, %dma_wait3A_503, %dma_wait3A_509] : memref<4x2x100xi32, #tpu.memory_space<vmem>> -> memref<1x1x100xi32, #tpu.memory_space<vmem>>
      %dma_wait3A_511 = tpu.memref_squeeze %dma_wait3A_510 : memref<1x1x100xi32, #tpu.memory_space<vmem>> -> memref<100xi32, #tpu.memory_space<vmem>>
      %dma_wait3A_512 = arith.constant 0 : i32
      %dma_wait3A_513 = arith.constant 0 : i32
      %dma_wait3A_514 = tpu.memref_slice %arg3[%dma_wait3A_512, %dma_wait3A_513] : memref<100000x128xf32, #tpu.memory_space<hbm>> -> memref<100000x128xf32, #tpu.memory_space<hbm>>
      tpu.wait_indirect_dma semaphore(%arg15 : memref<!tpu.dma_semaphore, #tpu.memory_space<semaphore_mem>>) src(%dma_wait3A_514 : memref<100000x128xf32, #tpu.memory_space<hbm>>) dst(%dma_wait3A_508 : memref<100x128xf32, #tpu.memory_space<vmem>>)
      %dma_wait3A_515 = arith.constant 2 : i32
      %dma_wait3A_516 = arith.constant 1 : i32
      %dma_wait3A_517 = arith.constant 2 : i32
      %dma_wait3A_518 = arith.constant 100 : i32
      %dma_wait3A_519 = arith.constant 0 : i32
      %dma_wait3A_520 = tpu.memref_slice %arg8[%dma_wait3A_517, %dma_wait3A_518, %dma_wait3A_519] : memref<4x200x128xf32, #tpu.memory_space<vmem>> -> memref<1x100x128xf32, #tpu.memory_space<vmem>>
      %dma_wait3A_521 = tpu.memref_squeeze %dma_wait3A_520 : memref<1x100x128xf32, #tpu.memory_space<vmem>> -> memref<100x128xf32, #tpu.memory_space<vmem>>
      %dma_wait3A_522 = arith.constant 0 : i32
      %dma_wait3A_523 = tpu.memref_slice %arg7[%dma_wait3A_515, %dma_wait3A_516, %dma_wait3A_522] : memref<4x2x100xi32, #tpu.memory_space<vmem>> -> memref<1x1x100xi32, #tpu.memory_space<vmem>>
      %dma_wait3A_524 = tpu.memref_squeeze %dma_wait3A_523 : memref<1x1x100xi32, #tpu.memory_space<vmem>> -> memref<100xi32, #tpu.memory_space<vmem>>
      %dma_wait3A_525 = arith.constant 0 : i32
      %dma_wait3A_526 = arith.constant 0 : i32
      %dma_wait3A_527 = tpu.memref_slice %arg3[%dma_wait3A_525, %dma_wait3A_526] : memref<100000x128xf32, #tpu.memory_space<hbm>> -> memref<100000x128xf32, #tpu.memory_space<hbm>>
      tpu.wait_indirect_dma semaphore(%arg15 : memref<!tpu.dma_semaphore, #tpu.memory_space<semaphore_mem>>) src(%dma_wait3A_527 : memref<100000x128xf32, #tpu.memory_space<hbm>>) dst(%dma_wait3A_521 : memref<100x128xf32, #tpu.memory_space<vmem>>)
      %add3A_528 = arith.constant 4 : i32
      %add3A_529 = arith.addi %add3A_494, %add3A_528 : i32
      %lt3A_530 = arith.constant 128 : i32
      %lt3A_531 = arith.cmpi slt, %add3A_529, %lt3A_530 : i32
      %convert_element_type3A_532 = arith.extui %lt3A_531 : i1 to i32
      %cond3A_533 = arith.constant 0 : i32
      %cond3A_534 = arith.cmpi ne, %convert_element_type3A_532, %cond3A_533 : i32
      scf.if %cond3A_534 {
        %add3A_673 = arith.constant 4 : i32
        %add3A_674 = arith.addi %add3A_494, %add3A_673 : i32
        %add3A_675 = arith.addi %mul3A_2, %add3A_674 : i32
        %mul3A_676 = arith.constant 2 : i32
        %mul3A_677 = arith.muli %add3A_675, %mul3A_676 : i32
        %dma_start3A_678 = arith.constant 2 : i32
        %dma_start3A_679 = arith.constant 0 : i32
        %dma_start3A_680 = arith.constant 0 : i32
        %dma_start3A_681 = tpu.memref_slice %arg7[%dma_start3A_678, %dma_start3A_679, %dma_start3A_680] : memref<4x2x100xi32, #tpu.memory_space<vmem>> -> memref<1x2x100xi32, #tpu.memory_space<vmem>>
        %dma_start3A_682 = tpu.memref_squeeze %dma_start3A_681 : memref<1x2x100xi32, #tpu.memory_space<vmem>> -> memref<2x100xi32, #tpu.memory_space<vmem>>
        %dma_start3A_683 = arith.constant 0 : i32
        %dma_start3A_684 = tpu.memref_slice %arg2[%mul3A_677, %dma_start3A_683] : memref<8192x100xi32, #tpu.memory_space<hbm>> -> memref<2x100xi32, #tpu.memory_space<hbm>>
        %dma_start3A_685 = arith.constant 0 : i32
        %dma_start3A_686 = arith.constant 0 : i32
        %dma_start3A_687 = tpu.memref_slice %arg7[%dma_start3A_678, %dma_start3A_685, %dma_start3A_686] : memref<4x2x100xi32, #tpu.memory_space<vmem>> -> memref<1x2x100xi32, #tpu.memory_space<vmem>>
        %dma_start3A_688 = tpu.memref_squeeze %dma_start3A_687 : memref<1x2x100xi32, #tpu.memory_space<vmem>> -> memref<2x100xi32, #tpu.memory_space<vmem>>
        %dma_start3A_689 = arith.constant 0 : i32
        %dma_start3A_690 = tpu.memref_slice %arg2[%mul3A_677, %dma_start3A_689] : memref<8192x100xi32, #tpu.memory_space<hbm>> -> memref<2x100xi32, #tpu.memory_space<hbm>>
        tpu.enqueue_dma source(%dma_start3A_690 : memref<2x100xi32, #tpu.memory_space<hbm>>) target(%dma_start3A_688 : memref<2x100xi32, #tpu.memory_space<vmem>>) target_semaphore(%arg11 : memref<!tpu.dma_semaphore, #tpu.memory_space<semaphore_mem>>)
      } else {
      }
      %scan3A_535 = arith.constant 0 : i32
      %scan3A_536 = arith.constant 0 : i32
      %scan3A_537 = arith.constant 104 : i32
      %scan3A_538 = arith.addi %scan3A_536, %scan3A_537 : i32
      %scan3A_539 = arith.constant 1 : i32
      scf.for %scan3A_673 = %scan3A_536 to %scan3A_538 step %scan3A_539  : i32 {
        %get3A = arith.constant 2 : i32
        %get3A_674 = arith.index_cast %get3A : i32 to index
        %get3A_675 = arith.index_cast %scan3A_673 : i32 to index
        %get3A_676 = arith.constant 0 : index
        %get3A_677 = tpu.vector_load %arg8[%get3A_674, %get3A_675, %get3A_676] {strides = array<i32>} : memref<4x200x128xf32, #tpu.memory_space<vmem>>, vector<1x1x16xf32>,
        %get3A_678 = vector.shape_cast %get3A_677 : vector<1x1x16xf32> to vector<16xf32>
        %get3A_679 = arith.index_cast %scan3A_673 : i32 to index
        %get3A_680 = arith.constant 0 : index
        %get3A_681 = tpu.vector_load %arg6[%get3A_679, %get3A_680] {strides = array<i32>} : memref<200x128xf32, #tpu.memory_space<vmem>>, vector<1x16xf32>,
        %get3A_682 = vector.shape_cast %get3A_681 : vector<1x16xf32> to vector<16xf32>
        %add3A_683 = arith.addf %get3A_678, %get3A_682 : vector<16xf32>
        %swap3A = arith.constant 2 : i32
        %swap3A_684 = arith.index_cast %swap3A : i32 to index
        %swap3A_685 = arith.index_cast %scan3A_673 : i32 to index
        %swap3A_686 = arith.constant 0 : index
        %swap3A_687 = tpu.vector_load %arg8[%swap3A_684, %swap3A_685, %swap3A_686] {strides = array<i32>} : memref<4x200x128xf32, #tpu.memory_space<vmem>>, vector<1x1x16xf32>,
        %swap3A_688 = vector.shape_cast %swap3A_687 : vector<1x1x16xf32> to vector<16xf32>
        %swap3A_689 = vector.shape_cast %add3A_683 : vector<16xf32> to vector<1x1x16xf32>
        tpu.vector_store %arg8[%swap3A_684, %swap3A_685, %swap3A_686], %swap3A_689 {strides = array<i32>} : memref<4x200x128xf32, #tpu.memory_space<vmem>>, vector<1x1x16xf32>,
        %get3A_690 = arith.constant 2 : i32
        %get3A_691 = arith.index_cast %get3A_690 : i32 to index
        %get3A_692 = arith.index_cast %scan3A_673 : i32 to index
        %get3A_693 = arith.constant 16 : index
        %get3A_694 = tpu.vector_load %arg8[%get3A_691, %get3A_692, %get3A_693] {strides = array<i32>} : memref<4x200x128xf32, #tpu.memory_space<vmem>>, vector<1x1x16xf32>,
        %get3A_695 = vector.shape_cast %get3A_694 : vector<1x1x16xf32> to vector<16xf32>
        %get3A_696 = arith.index_cast %scan3A_673 : i32 to index
        %get3A_697 = arith.constant 16 : index
        %get3A_698 = tpu.vector_load %arg6[%get3A_696, %get3A_697] {strides = array<i32>} : memref<200x128xf32, #tpu.memory_space<vmem>>, vector<1x16xf32>,
        %get3A_699 = vector.shape_cast %get3A_698 : vector<1x16xf32> to vector<16xf32>
        %add3A_700 = arith.addf %get3A_695, %get3A_699 : vector<16xf32>
        %swap3A_701 = arith.constant 2 : i32
        %swap3A_702 = arith.index_cast %swap3A_701 : i32 to index
        %swap3A_703 = arith.index_cast %scan3A_673 : i32 to index
        %swap3A_704 = arith.constant 16 : index
        %swap3A_705 = tpu.vector_load %arg8[%swap3A_702, %swap3A_703, %swap3A_704] {strides = array<i32>} : memref<4x200x128xf32, #tpu.memory_space<vmem>>, vector<1x1x16xf32>,
        %swap3A_706 = vector.shape_cast %swap3A_705 : vector<1x1x16xf32> to vector<16xf32>
        %swap3A_707 = vector.shape_cast %add3A_700 : vector<16xf32> to vector<1x1x16xf32>
        tpu.vector_store %arg8[%swap3A_702, %swap3A_703, %swap3A_704], %swap3A_707 {strides = array<i32>} : memref<4x200x128xf32, #tpu.memory_space<vmem>>, vector<1x1x16xf32>,
        %get3A_708 = arith.constant 2 : i32
        %get3A_709 = arith.index_cast %get3A_708 : i32 to index
        %get3A_710 = arith.index_cast %scan3A_673 : i32 to index
        %get3A_711 = arith.constant 32 : index
        %get3A_712 = tpu.vector_load %arg8[%get3A_709, %get3A_710, %get3A_711] {strides = array<i32>} : memref<4x200x128xf32, #tpu.memory_space<vmem>>, vector<1x1x16xf32>,
        %get3A_713 = vector.shape_cast %get3A_712 : vector<1x1x16xf32> to vector<16xf32>
        %get3A_714 = arith.index_cast %scan3A_673 : i32 to index
        %get3A_715 = arith.constant 32 : index
        %get3A_716 = tpu.vector_load %arg6[%get3A_714, %get3A_715] {strides = array<i32>} : memref<200x128xf32, #tpu.memory_space<vmem>>, vector<1x16xf32>,
        %get3A_717 = vector.shape_cast %get3A_716 : vector<1x16xf32> to vector<16xf32>
        %add3A_718 = arith.addf %get3A_713, %get3A_717 : vector<16xf32>
        %swap3A_719 = arith.constant 2 : i32
        %swap3A_720 = arith.index_cast %swap3A_719 : i32 to index
        %swap3A_721 = arith.index_cast %scan3A_673 : i32 to index
        %swap3A_722 = arith.constant 32 : index
        %swap3A_723 = tpu.vector_load %arg8[%swap3A_720, %swap3A_721, %swap3A_722] {strides = array<i32>} : memref<4x200x128xf32, #tpu.memory_space<vmem>>, vector<1x1x16xf32>,
        %swap3A_724 = vector.shape_cast %swap3A_723 : vector<1x1x16xf32> to vector<16xf32>
        %swap3A_725 = vector.shape_cast %add3A_718 : vector<16xf32> to vector<1x1x16xf32>
        tpu.vector_store %arg8[%swap3A_720, %swap3A_721, %swap3A_722], %swap3A_725 {strides = array<i32>} : memref<4x200x128xf32, #tpu.memory_space<vmem>>, vector<1x1x16xf32>,
        %get3A_726 = arith.constant 2 : i32
        %get3A_727 = arith.index_cast %get3A_726 : i32 to index
        %get3A_728 = arith.index_cast %scan3A_673 : i32 to index
        %get3A_729 = arith.constant 48 : index
        %get3A_730 = tpu.vector_load %arg8[%get3A_727, %get3A_728, %get3A_729] {strides = array<i32>} : memref<4x200x128xf32, #tpu.memory_space<vmem>>, vector<1x1x16xf32>,
        %get3A_731 = vector.shape_cast %get3A_730 : vector<1x1x16xf32> to vector<16xf32>
        %get3A_732 = arith.index_cast %scan3A_673 : i32 to index
        %get3A_733 = arith.constant 48 : index
        %get3A_734 = tpu.vector_load %arg6[%get3A_732, %get3A_733] {strides = array<i32>} : memref<200x128xf32, #tpu.memory_space<vmem>>, vector<1x16xf32>,
        %get3A_735 = vector.shape_cast %get3A_734 : vector<1x16xf32> to vector<16xf32>
        %add3A_736 = arith.addf %get3A_731, %get3A_735 : vector<16xf32>
        %swap3A_737 = arith.constant 2 : i32
        %swap3A_738 = arith.index_cast %swap3A_737 : i32 to index
        %swap3A_739 = arith.index_cast %scan3A_673 : i32 to index
        %swap3A_740 = arith.constant 48 : index
        %swap3A_741 = tpu.vector_load %arg8[%swap3A_738, %swap3A_739, %swap3A_740] {strides = array<i32>} : memref<4x200x128xf32, #tpu.memory_space<vmem>>, vector<1x1x16xf32>,
        %swap3A_742 = vector.shape_cast %swap3A_741 : vector<1x1x16xf32> to vector<16xf32>
        %swap3A_743 = vector.shape_cast %add3A_736 : vector<16xf32> to vector<1x1x16xf32>
        tpu.vector_store %arg8[%swap3A_738, %swap3A_739, %swap3A_740], %swap3A_743 {strides = array<i32>} : memref<4x200x128xf32, #tpu.memory_space<vmem>>, vector<1x1x16xf32>,
        %get3A_744 = arith.constant 2 : i32
        %get3A_745 = arith.index_cast %get3A_744 : i32 to index
        %get3A_746 = arith.index_cast %scan3A_673 : i32 to index
        %get3A_747 = arith.constant 64 : index
        %get3A_748 = tpu.vector_load %arg8[%get3A_745, %get3A_746, %get3A_747] {strides = array<i32>} : memref<4x200x128xf32, #tpu.memory_space<vmem>>, vector<1x1x16xf32>,
        %get3A_749 = vector.shape_cast %get3A_748 : vector<1x1x16xf32> to vector<16xf32>
        %get3A_750 = arith.index_cast %scan3A_673 : i32 to index
        %get3A_751 = arith.constant 64 : index
        %get3A_752 = tpu.vector_load %arg6[%get3A_750, %get3A_751] {strides = array<i32>} : memref<200x128xf32, #tpu.memory_space<vmem>>, vector<1x16xf32>,
        %get3A_753 = vector.shape_cast %get3A_752 : vector<1x16xf32> to vector<16xf32>
        %add3A_754 = arith.addf %get3A_749, %get3A_753 : vector<16xf32>
        %swap3A_755 = arith.constant 2 : i32
        %swap3A_756 = arith.index_cast %swap3A_755 : i32 to index
        %swap3A_757 = arith.index_cast %scan3A_673 : i32 to index
        %swap3A_758 = arith.constant 64 : index
        %swap3A_759 = tpu.vector_load %arg8[%swap3A_756, %swap3A_757, %swap3A_758] {strides = array<i32>} : memref<4x200x128xf32, #tpu.memory_space<vmem>>, vector<1x1x16xf32>,
        %swap3A_760 = vector.shape_cast %swap3A_759 : vector<1x1x16xf32> to vector<16xf32>
        %swap3A_761 = vector.shape_cast %add3A_754 : vector<16xf32> to vector<1x1x16xf32>
        tpu.vector_store %arg8[%swap3A_756, %swap3A_757, %swap3A_758], %swap3A_761 {strides = array<i32>} : memref<4x200x128xf32, #tpu.memory_space<vmem>>, vector<1x1x16xf32>,
        %get3A_762 = arith.constant 2 : i32
        %get3A_763 = arith.index_cast %get3A_762 : i32 to index
        %get3A_764 = arith.index_cast %scan3A_673 : i32 to index
        %get3A_765 = arith.constant 80 : index
        %get3A_766 = tpu.vector_load %arg8[%get3A_763, %get3A_764, %get3A_765] {strides = array<i32>} : memref<4x200x128xf32, #tpu.memory_space<vmem>>, vector<1x1x16xf32>,
        %get3A_767 = vector.shape_cast %get3A_766 : vector<1x1x16xf32> to vector<16xf32>
        %get3A_768 = arith.index_cast %scan3A_673 : i32 to index
        %get3A_769 = arith.constant 80 : index
        %get3A_770 = tpu.vector_load %arg6[%get3A_768, %get3A_769] {strides = array<i32>} : memref<200x128xf32, #tpu.memory_space<vmem>>, vector<1x16xf32>,
        %get3A_771 = vector.shape_cast %get3A_770 : vector<1x16xf32> to vector<16xf32>
        %add3A_772 = arith.addf %get3A_767, %get3A_771 : vector<16xf32>
        %swap3A_773 = arith.constant 2 : i32
        %swap3A_774 = arith.index_cast %swap3A_773 : i32 to index
        %swap3A_775 = arith.index_cast %scan3A_673 : i32 to index
        %swap3A_776 = arith.constant 80 : index
        %swap3A_777 = tpu.vector_load %arg8[%swap3A_774, %swap3A_775, %swap3A_776] {strides = array<i32>} : memref<4x200x128xf32, #tpu.memory_space<vmem>>, vector<1x1x16xf32>,
        %swap3A_778 = vector.shape_cast %swap3A_777 : vector<1x1x16xf32> to vector<16xf32>
        %swap3A_779 = vector.shape_cast %add3A_772 : vector<16xf32> to vector<1x1x16xf32>
        tpu.vector_store %arg8[%swap3A_774, %swap3A_775, %swap3A_776], %swap3A_779 {strides = array<i32>} : memref<4x200x128xf32, #tpu.memory_space<vmem>>, vector<1x1x16xf32>,
        %get3A_780 = arith.constant 2 : i32
        %get3A_781 = arith.index_cast %get3A_780 : i32 to index
        %get3A_782 = arith.index_cast %scan3A_673 : i32 to index
        %get3A_783 = arith.constant 96 : index
        %get3A_784 = tpu.vector_load %arg8[%get3A_781, %get3A_782, %get3A_783] {strides = array<i32>} : memref<4x200x128xf32, #tpu.memory_space<vmem>>, vector<1x1x16xf32>,
        %get3A_785 = vector.shape_cast %get3A_784 : vector<1x1x16xf32> to vector<16xf32>
        %get3A_786 = arith.index_cast %scan3A_673 : i32 to index
        %get3A_787 = arith.constant 96 : index
        %get3A_788 = tpu.vector_load %arg6[%get3A_786, %get3A_787] {strides = array<i32>} : memref<200x128xf32, #tpu.memory_space<vmem>>, vector<1x16xf32>,
        %get3A_789 = vector.shape_cast %get3A_788 : vector<1x16xf32> to vector<16xf32>
        %add3A_790 = arith.addf %get3A_785, %get3A_789 : vector<16xf32>
        %swap3A_791 = arith.constant 2 : i32
        %swap3A_792 = arith.index_cast %swap3A_791 : i32 to index
        %swap3A_793 = arith.index_cast %scan3A_673 : i32 to index
        %swap3A_794 = arith.constant 96 : index
        %swap3A_795 = tpu.vector_load %arg8[%swap3A_792, %swap3A_793, %swap3A_794] {strides = array<i32>} : memref<4x200x128xf32, #tpu.memory_space<vmem>>, vector<1x1x16xf32>,
        %swap3A_796 = vector.shape_cast %swap3A_795 : vector<1x1x16xf32> to vector<16xf32>
        %swap3A_797 = vector.shape_cast %add3A_790 : vector<16xf32> to vector<1x1x16xf32>
        tpu.vector_store %arg8[%swap3A_792, %swap3A_793, %swap3A_794], %swap3A_797 {strides = array<i32>} : memref<4x200x128xf32, #tpu.memory_space<vmem>>, vector<1x1x16xf32>,
        %get3A_798 = arith.constant 2 : i32
        %get3A_799 = arith.index_cast %get3A_798 : i32 to index
        %get3A_800 = arith.index_cast %scan3A_673 : i32 to index
        %get3A_801 = arith.constant 112 : index
        %get3A_802 = tpu.vector_load %arg8[%get3A_799, %get3A_800, %get3A_801] {strides = array<i32>} : memref<4x200x128xf32, #tpu.memory_space<vmem>>, vector<1x1x16xf32>,
        %get3A_803 = vector.shape_cast %get3A_802 : vector<1x1x16xf32> to vector<16xf32>
        %get3A_804 = arith.index_cast %scan3A_673 : i32 to index
        %get3A_805 = arith.constant 112 : index
        %get3A_806 = tpu.vector_load %arg6[%get3A_804, %get3A_805] {strides = array<i32>} : memref<200x128xf32, #tpu.memory_space<vmem>>, vector<1x16xf32>,
        %get3A_807 = vector.shape_cast %get3A_806 : vector<1x16xf32> to vector<16xf32>
        %add3A_808 = arith.addf %get3A_803, %get3A_807 : vector<16xf32>
        %swap3A_809 = arith.constant 2 : i32
        %swap3A_810 = arith.index_cast %swap3A_809 : i32 to index
        %swap3A_811 = arith.index_cast %scan3A_673 : i32 to index
        %swap3A_812 = arith.constant 112 : index
        %swap3A_813 = tpu.vector_load %arg8[%swap3A_810, %swap3A_811, %swap3A_812] {strides = array<i32>} : memref<4x200x128xf32, #tpu.memory_space<vmem>>, vector<1x1x16xf32>,
        %swap3A_814 = vector.shape_cast %swap3A_813 : vector<1x1x16xf32> to vector<16xf32>
        %swap3A_815 = vector.shape_cast %add3A_808 : vector<16xf32> to vector<1x1x16xf32>
        tpu.vector_store %arg8[%swap3A_810, %swap3A_811, %swap3A_812], %swap3A_815 {strides = array<i32>} : memref<4x200x128xf32, #tpu.memory_space<vmem>>, vector<1x1x16xf32>,
      }
      %scan3A_540 = arith.constant 104 : i32
      %add3A_541 = arith.addi %mul3A_2, %add3A_494 : i32
      %mul3A_542 = arith.constant 200 : i32
      %mul3A_543 = arith.muli %add3A_541, %mul3A_542 : i32
      %add3A_544 = arith.constant 0 : i32
      %add3A_545 = arith.addi %mul3A_543, %add3A_544 : i32
      %dma_start3A_546 = arith.constant 2 : i32
      %dma_start3A_547 = arith.constant 0 : i32
      %dma_start3A_548 = arith.constant 0 : i32
      %dma_start3A_549 = tpu.memref_slice %arg8[%dma_start3A_546, %dma_start3A_547, %dma_start3A_548] : memref<4x200x128xf32, #tpu.memory_space<vmem>> -> memref<1x104x128xf32, #tpu.memory_space<vmem>>
      %dma_start3A_550 = tpu.memref_squeeze %dma_start3A_549 : memref<1x104x128xf32, #tpu.memory_space<vmem>> -> memref<104x128xf32, #tpu.memory_space<vmem>>
      %dma_start3A_551 = arith.constant 0 : i32
      %dma_start3A_552 = tpu.memref_slice %arg5[%add3A_545, %dma_start3A_551] : memref<819200x128xf32, #tpu.memory_space<hbm>> -> memref<104x128xf32, #tpu.memory_space<hbm>>
      %dma_start3A_553 = arith.constant 0 : i32
      %dma_start3A_554 = tpu.memref_slice %arg5[%add3A_545, %dma_start3A_553] : memref<819200x128xf32, #tpu.memory_space<hbm>> -> memref<104x128xf32, #tpu.memory_space<hbm>>
      %dma_start3A_555 = arith.constant 0 : i32
      %dma_start3A_556 = arith.constant 0 : i32
      %dma_start3A_557 = tpu.memref_slice %arg8[%dma_start3A_546, %dma_start3A_555, %dma_start3A_556] : memref<4x200x128xf32, #tpu.memory_space<vmem>> -> memref<1x104x128xf32, #tpu.memory_space<vmem>>
      %dma_start3A_558 = tpu.memref_squeeze %dma_start3A_557 : memref<1x104x128xf32, #tpu.memory_space<vmem>> -> memref<104x128xf32, #tpu.memory_space<vmem>>
      tpu.enqueue_dma source(%dma_start3A_558 : memref<104x128xf32, #tpu.memory_space<vmem>>) target(%dma_start3A_554 : memref<104x128xf32, #tpu.memory_space<hbm>>) target_semaphore(%arg19 : memref<!tpu.dma_semaphore, #tpu.memory_space<semaphore_mem>>)
      %scan3A_559 = arith.constant 0 : i32
      %scan3A_560 = arith.constant 104 : i32
      %scan3A_561 = arith.constant 96 : i32
      %scan3A_562 = arith.addi %scan3A_560, %scan3A_561 : i32
      %scan3A_563 = arith.constant 1 : i32
      scf.for %scan3A_673 = %scan3A_560 to %scan3A_562 step %scan3A_563  : i32 {
        %get3A = arith.constant 2 : i32
        %get3A_674 = arith.index_cast %get3A : i32 to index
        %get3A_675 = arith.index_cast %scan3A_673 : i32 to index
        %get3A_676 = arith.constant 0 : index
        %get3A_677 = tpu.vector_load %arg8[%get3A_674, %get3A_675, %get3A_676] {strides = array<i32>} : memref<4x200x128xf32, #tpu.memory_space<vmem>>, vector<1x1x16xf32>,
        %get3A_678 = vector.shape_cast %get3A_677 : vector<1x1x16xf32> to vector<16xf32>
        %get3A_679 = arith.index_cast %scan3A_673 : i32 to index
        %get3A_680 = arith.constant 0 : index
        %get3A_681 = tpu.vector_load %arg6[%get3A_679, %get3A_680] {strides = array<i32>} : memref<200x128xf32, #tpu.memory_space<vmem>>, vector<1x16xf32>,
        %get3A_682 = vector.shape_cast %get3A_681 : vector<1x16xf32> to vector<16xf32>
        %add3A_683 = arith.addf %get3A_678, %get3A_682 : vector<16xf32>
        %swap3A = arith.constant 2 : i32
        %swap3A_684 = arith.index_cast %swap3A : i32 to index
        %swap3A_685 = arith.index_cast %scan3A_673 : i32 to index
        %swap3A_686 = arith.constant 0 : index
        %swap3A_687 = tpu.vector_load %arg8[%swap3A_684, %swap3A_685, %swap3A_686] {strides = array<i32>} : memref<4x200x128xf32, #tpu.memory_space<vmem>>, vector<1x1x16xf32>,
        %swap3A_688 = vector.shape_cast %swap3A_687 : vector<1x1x16xf32> to vector<16xf32>
        %swap3A_689 = vector.shape_cast %add3A_683 : vector<16xf32> to vector<1x1x16xf32>
        tpu.vector_store %arg8[%swap3A_684, %swap3A_685, %swap3A_686], %swap3A_689 {strides = array<i32>} : memref<4x200x128xf32, #tpu.memory_space<vmem>>, vector<1x1x16xf32>,
        %get3A_690 = arith.constant 2 : i32
        %get3A_691 = arith.index_cast %get3A_690 : i32 to index
        %get3A_692 = arith.index_cast %scan3A_673 : i32 to index
        %get3A_693 = arith.constant 16 : index
        %get3A_694 = tpu.vector_load %arg8[%get3A_691, %get3A_692, %get3A_693] {strides = array<i32>} : memref<4x200x128xf32, #tpu.memory_space<vmem>>, vector<1x1x16xf32>,
        %get3A_695 = vector.shape_cast %get3A_694 : vector<1x1x16xf32> to vector<16xf32>
        %get3A_696 = arith.index_cast %scan3A_673 : i32 to index
        %get3A_697 = arith.constant 16 : index
        %get3A_698 = tpu.vector_load %arg6[%get3A_696, %get3A_697] {strides = array<i32>} : memref<200x128xf32, #tpu.memory_space<vmem>>, vector<1x16xf32>,
        %get3A_699 = vector.shape_cast %get3A_698 : vector<1x16xf32> to vector<16xf32>
        %add3A_700 = arith.addf %get3A_695, %get3A_699 : vector<16xf32>
        %swap3A_701 = arith.constant 2 : i32
        %swap3A_702 = arith.index_cast %swap3A_701 : i32 to index
        %swap3A_703 = arith.index_cast %scan3A_673 : i32 to index
        %swap3A_704 = arith.constant 16 : index
        %swap3A_705 = tpu.vector_load %arg8[%swap3A_702, %swap3A_703, %swap3A_704] {strides = array<i32>} : memref<4x200x128xf32, #tpu.memory_space<vmem>>, vector<1x1x16xf32>,
        %swap3A_706 = vector.shape_cast %swap3A_705 : vector<1x1x16xf32> to vector<16xf32>
        %swap3A_707 = vector.shape_cast %add3A_700 : vector<16xf32> to vector<1x1x16xf32>
        tpu.vector_store %arg8[%swap3A_702, %swap3A_703, %swap3A_704], %swap3A_707 {strides = array<i32>} : memref<4x200x128xf32, #tpu.memory_space<vmem>>, vector<1x1x16xf32>,
        %get3A_708 = arith.constant 2 : i32
        %get3A_709 = arith.index_cast %get3A_708 : i32 to index
        %get3A_710 = arith.index_cast %scan3A_673 : i32 to index
        %get3A_711 = arith.constant 32 : index
        %get3A_712 = tpu.vector_load %arg8[%get3A_709, %get3A_710, %get3A_711] {strides = array<i32>} : memref<4x200x128xf32, #tpu.memory_space<vmem>>, vector<1x1x16xf32>,
        %get3A_713 = vector.shape_cast %get3A_712 : vector<1x1x16xf32> to vector<16xf32>
        %get3A_714 = arith.index_cast %scan3A_673 : i32 to index
        %get3A_715 = arith.constant 32 : index
        %get3A_716 = tpu.vector_load %arg6[%get3A_714, %get3A_715] {strides = array<i32>} : memref<200x128xf32, #tpu.memory_space<vmem>>, vector<1x16xf32>,
        %get3A_717 = vector.shape_cast %get3A_716 : vector<1x16xf32> to vector<16xf32>
        %add3A_718 = arith.addf %get3A_713, %get3A_717 : vector<16xf32>
        %swap3A_719 = arith.constant 2 : i32
        %swap3A_720 = arith.index_cast %swap3A_719 : i32 to index
        %swap3A_721 = arith.index_cast %scan3A_673 : i32 to index
        %swap3A_722 = arith.constant 32 : index
        %swap3A_723 = tpu.vector_load %arg8[%swap3A_720, %swap3A_721, %swap3A_722] {strides = array<i32>} : memref<4x200x128xf32, #tpu.memory_space<vmem>>, vector<1x1x16xf32>,
        %swap3A_724 = vector.shape_cast %swap3A_723 : vector<1x1x16xf32> to vector<16xf32>
        %swap3A_725 = vector.shape_cast %add3A_718 : vector<16xf32> to vector<1x1x16xf32>
        tpu.vector_store %arg8[%swap3A_720, %swap3A_721, %swap3A_722], %swap3A_725 {strides = array<i32>} : memref<4x200x128xf32, #tpu.memory_space<vmem>>, vector<1x1x16xf32>,
        %get3A_726 = arith.constant 2 : i32
        %get3A_727 = arith.index_cast %get3A_726 : i32 to index
        %get3A_728 = arith.index_cast %scan3A_673 : i32 to index
        %get3A_729 = arith.constant 48 : index
        %get3A_730 = tpu.vector_load %arg8[%get3A_727, %get3A_728, %get3A_729] {strides = array<i32>} : memref<4x200x128xf32, #tpu.memory_space<vmem>>, vector<1x1x16xf32>,
        %get3A_731 = vector.shape_cast %get3A_730 : vector<1x1x16xf32> to vector<16xf32>
        %get3A_732 = arith.index_cast %scan3A_673 : i32 to index
        %get3A_733 = arith.constant 48 : index
        %get3A_734 = tpu.vector_load %arg6[%get3A_732, %get3A_733] {strides = array<i32>} : memref<200x128xf32, #tpu.memory_space<vmem>>, vector<1x16xf32>,
        %get3A_735 = vector.shape_cast %get3A_734 : vector<1x16xf32> to vector<16xf32>
        %add3A_736 = arith.addf %get3A_731, %get3A_735 : vector<16xf32>
        %swap3A_737 = arith.constant 2 : i32
        %swap3A_738 = arith.index_cast %swap3A_737 : i32 to index
        %swap3A_739 = arith.index_cast %scan3A_673 : i32 to index
        %swap3A_740 = arith.constant 48 : index
        %swap3A_741 = tpu.vector_load %arg8[%swap3A_738, %swap3A_739, %swap3A_740] {strides = array<i32>} : memref<4x200x128xf32, #tpu.memory_space<vmem>>, vector<1x1x16xf32>,
        %swap3A_742 = vector.shape_cast %swap3A_741 : vector<1x1x16xf32> to vector<16xf32>
        %swap3A_743 = vector.shape_cast %add3A_736 : vector<16xf32> to vector<1x1x16xf32>
        tpu.vector_store %arg8[%swap3A_738, %swap3A_739, %swap3A_740], %swap3A_743 {strides = array<i32>} : memref<4x200x128xf32, #tpu.memory_space<vmem>>, vector<1x1x16xf32>,
        %get3A_744 = arith.constant 2 : i32
        %get3A_745 = arith.index_cast %get3A_744 : i32 to index
        %get3A_746 = arith.index_cast %scan3A_673 : i32 to index
        %get3A_747 = arith.constant 64 : index
        %get3A_748 = tpu.vector_load %arg8[%get3A_745, %get3A_746, %get3A_747] {strides = array<i32>} : memref<4x200x128xf32, #tpu.memory_space<vmem>>, vector<1x1x16xf32>,
        %get3A_749 = vector.shape_cast %get3A_748 : vector<1x1x16xf32> to vector<16xf32>
        %get3A_750 = arith.index_cast %scan3A_673 : i32 to index
        %get3A_751 = arith.constant 64 : index
        %get3A_752 = tpu.vector_load %arg6[%get3A_750, %get3A_751] {strides = array<i32>} : memref<200x128xf32, #tpu.memory_space<vmem>>, vector<1x16xf32>,
        %get3A_753 = vector.shape_cast %get3A_752 : vector<1x16xf32> to vector<16xf32>
        %add3A_754 = arith.addf %get3A_749, %get3A_753 : vector<16xf32>
        %swap3A_755 = arith.constant 2 : i32
        %swap3A_756 = arith.index_cast %swap3A_755 : i32 to index
        %swap3A_757 = arith.index_cast %scan3A_673 : i32 to index
        %swap3A_758 = arith.constant 64 : index
        %swap3A_759 = tpu.vector_load %arg8[%swap3A_756, %swap3A_757, %swap3A_758] {strides = array<i32>} : memref<4x200x128xf32, #tpu.memory_space<vmem>>, vector<1x1x16xf32>,
        %swap3A_760 = vector.shape_cast %swap3A_759 : vector<1x1x16xf32> to vector<16xf32>
        %swap3A_761 = vector.shape_cast %add3A_754 : vector<16xf32> to vector<1x1x16xf32>
        tpu.vector_store %arg8[%swap3A_756, %swap3A_757, %swap3A_758], %swap3A_761 {strides = array<i32>} : memref<4x200x128xf32, #tpu.memory_space<vmem>>, vector<1x1x16xf32>,
        %get3A_762 = arith.constant 2 : i32
        %get3A_763 = arith.index_cast %get3A_762 : i32 to index
        %get3A_764 = arith.index_cast %scan3A_673 : i32 to index
        %get3A_765 = arith.constant 80 : index
        %get3A_766 = tpu.vector_load %arg8[%get3A_763, %get3A_764, %get3A_765] {strides = array<i32>} : memref<4x200x128xf32, #tpu.memory_space<vmem>>, vector<1x1x16xf32>,
        %get3A_767 = vector.shape_cast %get3A_766 : vector<1x1x16xf32> to vector<16xf32>
        %get3A_768 = arith.index_cast %scan3A_673 : i32 to index
        %get3A_769 = arith.constant 80 : index
        %get3A_770 = tpu.vector_load %arg6[%get3A_768, %get3A_769] {strides = array<i32>} : memref<200x128xf32, #tpu.memory_space<vmem>>, vector<1x16xf32>,
        %get3A_771 = vector.shape_cast %get3A_770 : vector<1x16xf32> to vector<16xf32>
        %add3A_772 = arith.addf %get3A_767, %get3A_771 : vector<16xf32>
        %swap3A_773 = arith.constant 2 : i32
        %swap3A_774 = arith.index_cast %swap3A_773 : i32 to index
        %swap3A_775 = arith.index_cast %scan3A_673 : i32 to index
        %swap3A_776 = arith.constant 80 : index
        %swap3A_777 = tpu.vector_load %arg8[%swap3A_774, %swap3A_775, %swap3A_776] {strides = array<i32>} : memref<4x200x128xf32, #tpu.memory_space<vmem>>, vector<1x1x16xf32>,
        %swap3A_778 = vector.shape_cast %swap3A_777 : vector<1x1x16xf32> to vector<16xf32>
        %swap3A_779 = vector.shape_cast %add3A_772 : vector<16xf32> to vector<1x1x16xf32>
        tpu.vector_store %arg8[%swap3A_774, %swap3A_775, %swap3A_776], %swap3A_779 {strides = array<i32>} : memref<4x200x128xf32, #tpu.memory_space<vmem>>, vector<1x1x16xf32>,
        %get3A_780 = arith.constant 2 : i32
        %get3A_781 = arith.index_cast %get3A_780 : i32 to index
        %get3A_782 = arith.index_cast %scan3A_673 : i32 to index
        %get3A_783 = arith.constant 96 : index
        %get3A_784 = tpu.vector_load %arg8[%get3A_781, %get3A_782, %get3A_783] {strides = array<i32>} : memref<4x200x128xf32, #tpu.memory_space<vmem>>, vector<1x1x16xf32>,
        %get3A_785 = vector.shape_cast %get3A_784 : vector<1x1x16xf32> to vector<16xf32>
        %get3A_786 = arith.index_cast %scan3A_673 : i32 to index
        %get3A_787 = arith.constant 96 : index
        %get3A_788 = tpu.vector_load %arg6[%get3A_786, %get3A_787] {strides = array<i32>} : memref<200x128xf32, #tpu.memory_space<vmem>>, vector<1x16xf32>,
        %get3A_789 = vector.shape_cast %get3A_788 : vector<1x16xf32> to vector<16xf32>
        %add3A_790 = arith.addf %get3A_785, %get3A_789 : vector<16xf32>
        %swap3A_791 = arith.constant 2 : i32
        %swap3A_792 = arith.index_cast %swap3A_791 : i32 to index
        %swap3A_793 = arith.index_cast %scan3A_673 : i32 to index
        %swap3A_794 = arith.constant 96 : index
        %swap3A_795 = tpu.vector_load %arg8[%swap3A_792, %swap3A_793, %swap3A_794] {strides = array<i32>} : memref<4x200x128xf32, #tpu.memory_space<vmem>>, vector<1x1x16xf32>,
        %swap3A_796 = vector.shape_cast %swap3A_795 : vector<1x1x16xf32> to vector<16xf32>
        %swap3A_797 = vector.shape_cast %add3A_790 : vector<16xf32> to vector<1x1x16xf32>
        tpu.vector_store %arg8[%swap3A_792, %swap3A_793, %swap3A_794], %swap3A_797 {strides = array<i32>} : memref<4x200x128xf32, #tpu.memory_space<vmem>>, vector<1x1x16xf32>,
        %get3A_798 = arith.constant 2 : i32
        %get3A_799 = arith.index_cast %get3A_798 : i32 to index
        %get3A_800 = arith.index_cast %scan3A_673 : i32 to index
        %get3A_801 = arith.constant 112 : index
        %get3A_802 = tpu.vector_load %arg8[%get3A_799, %get3A_800, %get3A_801] {strides = array<i32>} : memref<4x200x128xf32, #tpu.memory_space<vmem>>, vector<1x1x16xf32>,
        %get3A_803 = vector.shape_cast %get3A_802 : vector<1x1x16xf32> to vector<16xf32>
        %get3A_804 = arith.index_cast %scan3A_673 : i32 to index
        %get3A_805 = arith.constant 112 : index
        %get3A_806 = tpu.vector_load %arg6[%get3A_804, %get3A_805] {strides = array<i32>} : memref<200x128xf32, #tpu.memory_space<vmem>>, vector<1x16xf32>,
        %get3A_807 = vector.shape_cast %get3A_806 : vector<1x16xf32> to vector<16xf32>
        %add3A_808 = arith.addf %get3A_803, %get3A_807 : vector<16xf32>
        %swap3A_809 = arith.constant 2 : i32
        %swap3A_810 = arith.index_cast %swap3A_809 : i32 to index
        %swap3A_811 = arith.index_cast %scan3A_673 : i32 to index
        %swap3A_812 = arith.constant 112 : index
        %swap3A_813 = tpu.vector_load %arg8[%swap3A_810, %swap3A_811, %swap3A_812] {strides = array<i32>} : memref<4x200x128xf32, #tpu.memory_space<vmem>>, vector<1x1x16xf32>,
        %swap3A_814 = vector.shape_cast %swap3A_813 : vector<1x1x16xf32> to vector<16xf32>
        %swap3A_815 = vector.shape_cast %add3A_808 : vector<16xf32> to vector<1x1x16xf32>
        tpu.vector_store %arg8[%swap3A_810, %swap3A_811, %swap3A_812], %swap3A_815 {strides = array<i32>} : memref<4x200x128xf32, #tpu.memory_space<vmem>>, vector<1x1x16xf32>,
      }
      %scan3A_564 = arith.constant 96 : i32
      %add3A_565 = arith.addi %mul3A_2, %add3A_494 : i32
      %mul3A_566 = arith.constant 200 : i32
      %mul3A_567 = arith.muli %add3A_565, %mul3A_566 : i32
      %add3A_568 = arith.constant 104 : i32
      %add3A_569 = arith.addi %mul3A_567, %add3A_568 : i32
      %dma_start3A_570 = arith.constant 2 : i32
      %dma_start3A_571 = arith.constant 104 : i32
      %dma_start3A_572 = arith.constant 0 : i32
      %dma_start3A_573 = tpu.memref_slice %arg8[%dma_start3A_570, %dma_start3A_571, %dma_start3A_572] : memref<4x200x128xf32, #tpu.memory_space<vmem>> -> memref<1x96x128xf32, #tpu.memory_space<vmem>>
      %dma_start3A_574 = tpu.memref_squeeze %dma_start3A_573 : memref<1x96x128xf32, #tpu.memory_space<vmem>> -> memref<96x128xf32, #tpu.memory_space<vmem>>
      %dma_start3A_575 = arith.constant 0 : i32
      %dma_start3A_576 = tpu.memref_slice %arg5[%add3A_569, %dma_start3A_575] : memref<819200x128xf32, #tpu.memory_space<hbm>> -> memref<96x128xf32, #tpu.memory_space<hbm>>
      %dma_start3A_577 = arith.constant 0 : i32
      %dma_start3A_578 = tpu.memref_slice %arg5[%add3A_569, %dma_start3A_577] : memref<819200x128xf32, #tpu.memory_space<hbm>> -> memref<96x128xf32, #tpu.memory_space<hbm>>
      %dma_start3A_579 = arith.constant 104 : i32
      %dma_start3A_580 = arith.constant 0 : i32
      %dma_start3A_581 = tpu.memref_slice %arg8[%dma_start3A_570, %dma_start3A_579, %dma_start3A_580] : memref<4x200x128xf32, #tpu.memory_space<vmem>> -> memref<1x96x128xf32, #tpu.memory_space<vmem>>
      %dma_start3A_582 = tpu.memref_squeeze %dma_start3A_581 : memref<1x96x128xf32, #tpu.memory_space<vmem>> -> memref<96x128xf32, #tpu.memory_space<vmem>>
      tpu.enqueue_dma source(%dma_start3A_582 : memref<96x128xf32, #tpu.memory_space<vmem>>) target(%dma_start3A_578 : memref<96x128xf32, #tpu.memory_space<hbm>>) target_semaphore(%arg19 : memref<!tpu.dma_semaphore, #tpu.memory_space<semaphore_mem>>)
      %add3A_583 = arith.constant 3 : i32
      %add3A_584 = arith.addi %add3A_315, %add3A_583 : i32
      %add3A_585 = arith.constant 2 : i32
      %add3A_586 = arith.addi %add3A_584, %add3A_585 : i32
      %lt3A_587 = arith.constant 128 : i32
      %lt3A_588 = arith.cmpi slt, %add3A_586, %lt3A_587 : i32
      %convert_element_type3A_589 = arith.extui %lt3A_588 : i1 to i32
      %cond3A_590 = arith.constant 0 : i32
      %cond3A_591 = arith.cmpi ne, %convert_element_type3A_589, %cond3A_590 : i32
      scf.if %cond3A_591 {
        %add3A_673 = arith.constant 2 : i32
        %add3A_674 = arith.addi %add3A_584, %add3A_673 : i32
        %add3A_675 = arith.addi %mul3A_2, %add3A_674 : i32
        %mul3A_676 = arith.constant 2 : i32
        %mul3A_677 = arith.muli %add3A_675, %mul3A_676 : i32
        %dma_wait3A_678 = arith.constant 1 : i32
        %dma_wait3A_679 = arith.constant 0 : i32
        %dma_wait3A_680 = arith.constant 0 : i32
        %dma_wait3A_681 = tpu.memref_slice %arg7[%dma_wait3A_678, %dma_wait3A_679, %dma_wait3A_680] : memref<4x2x100xi32, #tpu.memory_space<vmem>> -> memref<1x2x100xi32, #tpu.memory_space<vmem>>
        %dma_wait3A_682 = tpu.memref_squeeze %dma_wait3A_681 : memref<1x2x100xi32, #tpu.memory_space<vmem>> -> memref<2x100xi32, #tpu.memory_space<vmem>>
        %dma_wait3A_683 = arith.constant 0 : i32
        %dma_wait3A_684 = tpu.memref_slice %arg2[%mul3A_677, %dma_wait3A_683] : memref<8192x100xi32, #tpu.memory_space<hbm>> -> memref<2x100xi32, #tpu.memory_space<hbm>>
        %dma_wait3A_685 = arith.constant 0 : i32
        %dma_wait3A_686 = arith.constant 0 : i32
        %dma_wait3A_687 = tpu.memref_slice %arg7[%dma_wait3A_678, %dma_wait3A_685, %dma_wait3A_686] : memref<4x2x100xi32, #tpu.memory_space<vmem>> -> memref<1x2x100xi32, #tpu.memory_space<vmem>>
        %dma_wait3A_688 = tpu.memref_squeeze %dma_wait3A_687 : memref<1x2x100xi32, #tpu.memory_space<vmem>> -> memref<2x100xi32, #tpu.memory_space<vmem>>
        %dma_wait3A_689 = arith.constant 0 : i32
        %dma_wait3A_690 = tpu.memref_slice %arg2[%mul3A_677, %dma_wait3A_689] : memref<8192x100xi32, #tpu.memory_space<hbm>> -> memref<2x100xi32, #tpu.memory_space<hbm>>
        tpu.wait_dma2 semaphore(%arg10 : memref<!tpu.dma_semaphore, #tpu.memory_space<semaphore_mem>>) src(%dma_wait3A_690 : memref<2x100xi32, #tpu.memory_space<hbm>>) dst(%dma_wait3A_688 : memref<2x100xi32, #tpu.memory_space<vmem>>)
        %ge3A = arith.constant 2 : i32
        %ge3A_691 = arith.cmpi sge, %add3A_584, %ge3A : i32
        %convert_element_type3A_692 = arith.extui %ge3A_691 : i1 to i32
        %cond3A_693 = arith.constant 0 : i32
        %cond3A_694 = arith.cmpi ne, %convert_element_type3A_692, %cond3A_693 : i32
        scf.if %cond3A_694 {
          %sub3A = arith.constant 2 : i32
          %sub3A_723 = arith.subi %add3A_584, %sub3A : i32
          %add3A_724 = arith.addi %mul3A_2, %sub3A_723 : i32
          %mul3A_725 = arith.constant 200 : i32
          %mul3A_726 = arith.muli %add3A_724, %mul3A_725 : i32
          %add3A_727 = arith.constant 0 : i32
          %add3A_728 = arith.addi %mul3A_726, %add3A_727 : i32
          %dma_wait3A_729 = arith.constant 1 : i32
          %dma_wait3A_730 = arith.constant 0 : i32
          %dma_wait3A_731 = arith.constant 0 : i32
          %dma_wait3A_732 = tpu.memref_slice %arg8[%dma_wait3A_729, %dma_wait3A_730, %dma_wait3A_731] : memref<4x200x128xf32, #tpu.memory_space<vmem>> -> memref<1x104x128xf32, #tpu.memory_space<vmem>>
          %dma_wait3A_733 = tpu.memref_squeeze %dma_wait3A_732 : memref<1x104x128xf32, #tpu.memory_space<vmem>> -> memref<104x128xf32, #tpu.memory_space<vmem>>
          %dma_wait3A_734 = arith.constant 0 : i32
          %dma_wait3A_735 = tpu.memref_slice %arg5[%add3A_728, %dma_wait3A_734] : memref<819200x128xf32, #tpu.memory_space<hbm>> -> memref<104x128xf32, #tpu.memory_space<hbm>>
          %dma_wait3A_736 = arith.constant 0 : i32
          %dma_wait3A_737 = tpu.memref_slice %arg5[%add3A_728, %dma_wait3A_736] : memref<819200x128xf32, #tpu.memory_space<hbm>> -> memref<104x128xf32, #tpu.memory_space<hbm>>
          %dma_wait3A_738 = arith.constant 0 : i32
          %dma_wait3A_739 = arith.constant 0 : i32
          %dma_wait3A_740 = tpu.memref_slice %arg8[%dma_wait3A_729, %dma_wait3A_738, %dma_wait3A_739] : memref<4x200x128xf32, #tpu.memory_space<vmem>> -> memref<1x104x128xf32, #tpu.memory_space<vmem>>
          %dma_wait3A_741 = tpu.memref_squeeze %dma_wait3A_740 : memref<1x104x128xf32, #tpu.memory_space<vmem>> -> memref<104x128xf32, #tpu.memory_space<vmem>>
          tpu.wait_dma2 semaphore(%arg18 : memref<!tpu.dma_semaphore, #tpu.memory_space<semaphore_mem>>) src(%dma_wait3A_741 : memref<104x128xf32, #tpu.memory_space<vmem>>) dst(%dma_wait3A_737 : memref<104x128xf32, #tpu.memory_space<hbm>>)
          %add3A_742 = arith.addi %mul3A_2, %sub3A_723 : i32
          %mul3A_743 = arith.constant 200 : i32
          %mul3A_744 = arith.muli %add3A_742, %mul3A_743 : i32
          %add3A_745 = arith.constant 104 : i32
          %add3A_746 = arith.addi %mul3A_744, %add3A_745 : i32
          %dma_wait3A_747 = arith.constant 1 : i32
          %dma_wait3A_748 = arith.constant 104 : i32
          %dma_wait3A_749 = arith.constant 0 : i32
          %dma_wait3A_750 = tpu.memref_slice %arg8[%dma_wait3A_747, %dma_wait3A_748, %dma_wait3A_749] : memref<4x200x128xf32, #tpu.memory_space<vmem>> -> memref<1x96x128xf32, #tpu.memory_space<vmem>>
          %dma_wait3A_751 = tpu.memref_squeeze %dma_wait3A_750 : memref<1x96x128xf32, #tpu.memory_space<vmem>> -> memref<96x128xf32, #tpu.memory_space<vmem>>
          %dma_wait3A_752 = arith.constant 0 : i32
          %dma_wait3A_753 = tpu.memref_slice %arg5[%add3A_746, %dma_wait3A_752] : memref<819200x128xf32, #tpu.memory_space<hbm>> -> memref<96x128xf32, #tpu.memory_space<hbm>>
          %dma_wait3A_754 = arith.constant 0 : i32
          %dma_wait3A_755 = tpu.memref_slice %arg5[%add3A_746, %dma_wait3A_754] : memref<819200x128xf32, #tpu.memory_space<hbm>> -> memref<96x128xf32, #tpu.memory_space<hbm>>
          %dma_wait3A_756 = arith.constant 104 : i32
          %dma_wait3A_757 = arith.constant 0 : i32
          %dma_wait3A_758 = tpu.memref_slice %arg8[%dma_wait3A_747, %dma_wait3A_756, %dma_wait3A_757] : memref<4x200x128xf32, #tpu.memory_space<vmem>> -> memref<1x96x128xf32, #tpu.memory_space<vmem>>
          %dma_wait3A_759 = tpu.memref_squeeze %dma_wait3A_758 : memref<1x96x128xf32, #tpu.memory_space<vmem>> -> memref<96x128xf32, #tpu.memory_space<vmem>>
          tpu.wait_dma2 semaphore(%arg18 : memref<!tpu.dma_semaphore, #tpu.memory_space<semaphore_mem>>) src(%dma_wait3A_759 : memref<96x128xf32, #tpu.memory_space<vmem>>) dst(%dma_wait3A_755 : memref<96x128xf32, #tpu.memory_space<hbm>>)
        } else {
        }
        %add3A_695 = arith.constant 2 : i32
        %add3A_696 = arith.addi %add3A_584, %add3A_695 : i32
        %dma_start3A_697 = arith.constant 1 : i32
        %dma_start3A_698 = arith.constant 0 : i32
        %dma_start3A_699 = arith.constant 1 : i32
        %dma_start3A_700 = arith.constant 0 : i32
        %dma_start3A_701 = arith.constant 0 : i32
        %dma_start3A_702 = tpu.memref_slice %arg8[%dma_start3A_699, %dma_start3A_700, %dma_start3A_701] : memref<4x200x128xf32, #tpu.memory_space<vmem>> -> memref<1x100x128xf32, #tpu.memory_space<vmem>>
        %dma_start3A_703 = tpu.memref_squeeze %dma_start3A_702 : memref<1x100x128xf32, #tpu.memory_space<vmem>> -> memref<100x128xf32, #tpu.memory_space<vmem>>
        %dma_start3A_704 = arith.constant 0 : i32
        %dma_start3A_705 = tpu.memref_slice %arg7[%dma_start3A_697, %dma_start3A_698, %dma_start3A_704] : memref<4x2x100xi32, #tpu.memory_space<vmem>> -> memref<1x1x100xi32, #tpu.memory_space<vmem>>
        %dma_start3A_706 = tpu.memref_squeeze %dma_start3A_705 : memref<1x1x100xi32, #tpu.memory_space<vmem>> -> memref<100xi32, #tpu.memory_space<vmem>>
        %dma_start3A_707 = arith.constant 0 : i32
        %dma_start3A_708 = arith.constant 0 : i32
        %dma_start3A_709 = tpu.memref_slice %arg3[%dma_start3A_707, %dma_start3A_708] : memref<100000x128xf32, #tpu.memory_space<hbm>> -> memref<100000x128xf32, #tpu.memory_space<hbm>>
        tpu.enqueue_indirect_dma source(%dma_start3A_709 : memref<100000x128xf32, #tpu.memory_space<hbm>>) target(%dma_start3A_703 : memref<100x128xf32, #tpu.memory_space<vmem>>) offsets(%dma_start3A_706 : memref<100xi32, #tpu.memory_space<vmem>>) semaphore(%arg14 : memref<!tpu.dma_semaphore, #tpu.memory_space<semaphore_mem>>)
        %dma_start3A_710 = arith.constant 1 : i32
        %dma_start3A_711 = arith.constant 1 : i32
        %dma_start3A_712 = arith.constant 1 : i32
        %dma_start3A_713 = arith.constant 100 : i32
        %dma_start3A_714 = arith.constant 0 : i32
        %dma_start3A_715 = tpu.memref_slice %arg8[%dma_start3A_712, %dma_start3A_713, %dma_start3A_714] : memref<4x200x128xf32, #tpu.memory_space<vmem>> -> memref<1x100x128xf32, #tpu.memory_space<vmem>>
        %dma_start3A_716 = tpu.memref_squeeze %dma_start3A_715 : memref<1x100x128xf32, #tpu.memory_space<vmem>> -> memref<100x128xf32, #tpu.memory_space<vmem>>
        %dma_start3A_717 = arith.constant 0 : i32
        %dma_start3A_718 = tpu.memref_slice %arg7[%dma_start3A_710, %dma_start3A_711, %dma_start3A_717] : memref<4x2x100xi32, #tpu.memory_space<vmem>> -> memref<1x1x100xi32, #tpu.memory_space<vmem>>
        %dma_start3A_719 = tpu.memref_squeeze %dma_start3A_718 : memref<1x1x100xi32, #tpu.memory_space<vmem>> -> memref<100xi32, #tpu.memory_space<vmem>>
        %dma_start3A_720 = arith.constant 0 : i32
        %dma_start3A_721 = arith.constant 0 : i32
        %dma_start3A_722 = tpu.memref_slice %arg3[%dma_start3A_720, %dma_start3A_721] : memref<100000x128xf32, #tpu.memory_space<hbm>> -> memref<100000x128xf32, #tpu.memory_space<hbm>>
        tpu.enqueue_indirect_dma source(%dma_start3A_722 : memref<100000x128xf32, #tpu.memory_space<hbm>>) target(%dma_start3A_716 : memref<100x128xf32, #tpu.memory_space<vmem>>) offsets(%dma_start3A_719 : memref<100xi32, #tpu.memory_space<vmem>>) semaphore(%arg14 : memref<!tpu.dma_semaphore, #tpu.memory_space<semaphore_mem>>)
      } else {
      }
      %dma_wait3A_592 = arith.constant 3 : i32
      %dma_wait3A_593 = arith.constant 0 : i32
      %dma_wait3A_594 = arith.constant 3 : i32
      %dma_wait3A_595 = arith.constant 0 : i32
      %dma_wait3A_596 = arith.constant 0 : i32
      %dma_wait3A_597 = tpu.memref_slice %arg8[%dma_wait3A_594, %dma_wait3A_595, %dma_wait3A_596] : memref<4x200x128xf32, #tpu.memory_space<vmem>> -> memref<1x100x128xf32, #tpu.memory_space<vmem>>
      %dma_wait3A_598 = tpu.memref_squeeze %dma_wait3A_597 : memref<1x100x128xf32, #tpu.memory_space<vmem>> -> memref<100x128xf32, #tpu.memory_space<vmem>>
      %dma_wait3A_599 = arith.constant 0 : i32
      %dma_wait3A_600 = tpu.memref_slice %arg7[%dma_wait3A_592, %dma_wait3A_593, %dma_wait3A_599] : memref<4x2x100xi32, #tpu.memory_space<vmem>> -> memref<1x1x100xi32, #tpu.memory_space<vmem>>
      %dma_wait3A_601 = tpu.memref_squeeze %dma_wait3A_600 : memref<1x1x100xi32, #tpu.memory_space<vmem>> -> memref<100xi32, #tpu.memory_space<vmem>>
      %dma_wait3A_602 = arith.constant 0 : i32
      %dma_wait3A_603 = arith.constant 0 : i32
      %dma_wait3A_604 = tpu.memref_slice %arg3[%dma_wait3A_602, %dma_wait3A_603] : memref<100000x128xf32, #tpu.memory_space<hbm>> -> memref<100000x128xf32, #tpu.memory_space<hbm>>
      tpu.wait_indirect_dma semaphore(%arg16 : memref<!tpu.dma_semaphore, #tpu.memory_space<semaphore_mem>>) src(%dma_wait3A_604 : memref<100000x128xf32, #tpu.memory_space<hbm>>) dst(%dma_wait3A_598 : memref<100x128xf32, #tpu.memory_space<vmem>>)
      %dma_wait3A_605 = arith.constant 3 : i32
      %dma_wait3A_606 = arith.constant 1 : i32
      %dma_wait3A_607 = arith.constant 3 : i32
      %dma_wait3A_608 = arith.constant 100 : i32
      %dma_wait3A_609 = arith.constant 0 : i32
      %dma_wait3A_610 = tpu.memref_slice %arg8[%dma_wait3A_607, %dma_wait3A_608, %dma_wait3A_609] : memref<4x200x128xf32, #tpu.memory_space<vmem>> -> memref<1x100x128xf32, #tpu.memory_space<vmem>>
      %dma_wait3A_611 = tpu.memref_squeeze %dma_wait3A_610 : memref<1x100x128xf32, #tpu.memory_space<vmem>> -> memref<100x128xf32, #tpu.memory_space<vmem>>
      %dma_wait3A_612 = arith.constant 0 : i32
      %dma_wait3A_613 = tpu.memref_slice %arg7[%dma_wait3A_605, %dma_wait3A_606, %dma_wait3A_612] : memref<4x2x100xi32, #tpu.memory_space<vmem>> -> memref<1x1x100xi32, #tpu.memory_space<vmem>>
      %dma_wait3A_614 = tpu.memref_squeeze %dma_wait3A_613 : memref<1x1x100xi32, #tpu.memory_space<vmem>> -> memref<100xi32, #tpu.memory_space<vmem>>
      %dma_wait3A_615 = arith.constant 0 : i32
      %dma_wait3A_616 = arith.constant 0 : i32
      %dma_wait3A_617 = tpu.memref_slice %arg3[%dma_wait3A_615, %dma_wait3A_616] : memref<100000x128xf32, #tpu.memory_space<hbm>> -> memref<100000x128xf32, #tpu.memory_space<hbm>>
      tpu.wait_indirect_dma semaphore(%arg16 : memref<!tpu.dma_semaphore, #tpu.memory_space<semaphore_mem>>) src(%dma_wait3A_617 : memref<100000x128xf32, #tpu.memory_space<hbm>>) dst(%dma_wait3A_611 : memref<100x128xf32, #tpu.memory_space<vmem>>)
      %add3A_618 = arith.constant 4 : i32
      %add3A_619 = arith.addi %add3A_584, %add3A_618 : i32
      %lt3A_620 = arith.constant 128 : i32
      %lt3A_621 = arith.cmpi slt, %add3A_619, %lt3A_620 : i32
      %convert_element_type3A_622 = arith.extui %lt3A_621 : i1 to i32
      %cond3A_623 = arith.constant 0 : i32
      %cond3A_624 = arith.cmpi ne, %convert_element_type3A_622, %cond3A_623 : i32
      scf.if %cond3A_624 {
        %add3A_673 = arith.constant 4 : i32
        %add3A_674 = arith.addi %add3A_584, %add3A_673 : i32
        %add3A_675 = arith.addi %mul3A_2, %add3A_674 : i32
        %mul3A_676 = arith.constant 2 : i32
        %mul3A_677 = arith.muli %add3A_675, %mul3A_676 : i32
        %dma_start3A_678 = arith.constant 3 : i32
        %dma_start3A_679 = arith.constant 0 : i32
        %dma_start3A_680 = arith.constant 0 : i32
        %dma_start3A_681 = tpu.memref_slice %arg7[%dma_start3A_678, %dma_start3A_679, %dma_start3A_680] : memref<4x2x100xi32, #tpu.memory_space<vmem>> -> memref<1x2x100xi32, #tpu.memory_space<vmem>>
        %dma_start3A_682 = tpu.memref_squeeze %dma_start3A_681 : memref<1x2x100xi32, #tpu.memory_space<vmem>> -> memref<2x100xi32, #tpu.memory_space<vmem>>
        %dma_start3A_683 = arith.constant 0 : i32
        %dma_start3A_684 = tpu.memref_slice %arg2[%mul3A_677, %dma_start3A_683] : memref<8192x100xi32, #tpu.memory_space<hbm>> -> memref<2x100xi32, #tpu.memory_space<hbm>>
        %dma_start3A_685 = arith.constant 0 : i32
        %dma_start3A_686 = arith.constant 0 : i32
        %dma_start3A_687 = tpu.memref_slice %arg7[%dma_start3A_678, %dma_start3A_685, %dma_start3A_686] : memref<4x2x100xi32, #tpu.memory_space<vmem>> -> memref<1x2x100xi32, #tpu.memory_space<vmem>>
        %dma_start3A_688 = tpu.memref_squeeze %dma_start3A_687 : memref<1x2x100xi32, #tpu.memory_space<vmem>> -> memref<2x100xi32, #tpu.memory_space<vmem>>
        %dma_start3A_689 = arith.constant 0 : i32
        %dma_start3A_690 = tpu.memref_slice %arg2[%mul3A_677, %dma_start3A_689] : memref<8192x100xi32, #tpu.memory_space<hbm>> -> memref<2x100xi32, #tpu.memory_space<hbm>>
        tpu.enqueue_dma source(%dma_start3A_690 : memref<2x100xi32, #tpu.memory_space<hbm>>) target(%dma_start3A_688 : memref<2x100xi32, #tpu.memory_space<vmem>>) target_semaphore(%arg12 : memref<!tpu.dma_semaphore, #tpu.memory_space<semaphore_mem>>)
      } else {
      }
      %scan3A_625 = arith.constant 0 : i32
      %scan3A_626 = arith.constant 0 : i32
      %scan3A_627 = arith.constant 104 : i32
      %scan3A_628 = arith.addi %scan3A_626, %scan3A_627 : i32
      %scan3A_629 = arith.constant 1 : i32
      scf.for %scan3A_673 = %scan3A_626 to %scan3A_628 step %scan3A_629  : i32 {
        %get3A = arith.constant 3 : i32
        %get3A_674 = arith.index_cast %get3A : i32 to index
        %get3A_675 = arith.index_cast %scan3A_673 : i32 to index
        %get3A_676 = arith.constant 0 : index
        %get3A_677 = tpu.vector_load %arg8[%get3A_674, %get3A_675, %get3A_676] {strides = array<i32>} : memref<4x200x128xf32, #tpu.memory_space<vmem>>, vector<1x1x16xf32>,
        %get3A_678 = vector.shape_cast %get3A_677 : vector<1x1x16xf32> to vector<16xf32>
        %get3A_679 = arith.index_cast %scan3A_673 : i32 to index
        %get3A_680 = arith.constant 0 : index
        %get3A_681 = tpu.vector_load %arg6[%get3A_679, %get3A_680] {strides = array<i32>} : memref<200x128xf32, #tpu.memory_space<vmem>>, vector<1x16xf32>,
        %get3A_682 = vector.shape_cast %get3A_681 : vector<1x16xf32> to vector<16xf32>
        %add3A_683 = arith.addf %get3A_678, %get3A_682 : vector<16xf32>
        %swap3A = arith.constant 3 : i32
        %swap3A_684 = arith.index_cast %swap3A : i32 to index
        %swap3A_685 = arith.index_cast %scan3A_673 : i32 to index
        %swap3A_686 = arith.constant 0 : index
        %swap3A_687 = tpu.vector_load %arg8[%swap3A_684, %swap3A_685, %swap3A_686] {strides = array<i32>} : memref<4x200x128xf32, #tpu.memory_space<vmem>>, vector<1x1x16xf32>,
        %swap3A_688 = vector.shape_cast %swap3A_687 : vector<1x1x16xf32> to vector<16xf32>
        %swap3A_689 = vector.shape_cast %add3A_683 : vector<16xf32> to vector<1x1x16xf32>
        tpu.vector_store %arg8[%swap3A_684, %swap3A_685, %swap3A_686], %swap3A_689 {strides = array<i32>} : memref<4x200x128xf32, #tpu.memory_space<vmem>>, vector<1x1x16xf32>,
        %get3A_690 = arith.constant 3 : i32
        %get3A_691 = arith.index_cast %get3A_690 : i32 to index
        %get3A_692 = arith.index_cast %scan3A_673 : i32 to index
        %get3A_693 = arith.constant 16 : index
        %get3A_694 = tpu.vector_load %arg8[%get3A_691, %get3A_692, %get3A_693] {strides = array<i32>} : memref<4x200x128xf32, #tpu.memory_space<vmem>>, vector<1x1x16xf32>,
        %get3A_695 = vector.shape_cast %get3A_694 : vector<1x1x16xf32> to vector<16xf32>
        %get3A_696 = arith.index_cast %scan3A_673 : i32 to index
        %get3A_697 = arith.constant 16 : index
        %get3A_698 = tpu.vector_load %arg6[%get3A_696, %get3A_697] {strides = array<i32>} : memref<200x128xf32, #tpu.memory_space<vmem>>, vector<1x16xf32>,
        %get3A_699 = vector.shape_cast %get3A_698 : vector<1x16xf32> to vector<16xf32>
        %add3A_700 = arith.addf %get3A_695, %get3A_699 : vector<16xf32>
        %swap3A_701 = arith.constant 3 : i32
        %swap3A_702 = arith.index_cast %swap3A_701 : i32 to index
        %swap3A_703 = arith.index_cast %scan3A_673 : i32 to index
        %swap3A_704 = arith.constant 16 : index
        %swap3A_705 = tpu.vector_load %arg8[%swap3A_702, %swap3A_703, %swap3A_704] {strides = array<i32>} : memref<4x200x128xf32, #tpu.memory_space<vmem>>, vector<1x1x16xf32>,
        %swap3A_706 = vector.shape_cast %swap3A_705 : vector<1x1x16xf32> to vector<16xf32>
        %swap3A_707 = vector.shape_cast %add3A_700 : vector<16xf32> to vector<1x1x16xf32>
        tpu.vector_store %arg8[%swap3A_702, %swap3A_703, %swap3A_704], %swap3A_707 {strides = array<i32>} : memref<4x200x128xf32, #tpu.memory_space<vmem>>, vector<1x1x16xf32>,
        %get3A_708 = arith.constant 3 : i32
        %get3A_709 = arith.index_cast %get3A_708 : i32 to index
        %get3A_710 = arith.index_cast %scan3A_673 : i32 to index
        %get3A_711 = arith.constant 32 : index
        %get3A_712 = tpu.vector_load %arg8[%get3A_709, %get3A_710, %get3A_711] {strides = array<i32>} : memref<4x200x128xf32, #tpu.memory_space<vmem>>, vector<1x1x16xf32>,
        %get3A_713 = vector.shape_cast %get3A_712 : vector<1x1x16xf32> to vector<16xf32>
        %get3A_714 = arith.index_cast %scan3A_673 : i32 to index
        %get3A_715 = arith.constant 32 : index
        %get3A_716 = tpu.vector_load %arg6[%get3A_714, %get3A_715] {strides = array<i32>} : memref<200x128xf32, #tpu.memory_space<vmem>>, vector<1x16xf32>,
        %get3A_717 = vector.shape_cast %get3A_716 : vector<1x16xf32> to vector<16xf32>
        %add3A_718 = arith.addf %get3A_713, %get3A_717 : vector<16xf32>
        %swap3A_719 = arith.constant 3 : i32
        %swap3A_720 = arith.index_cast %swap3A_719 : i32 to index
        %swap3A_721 = arith.index_cast %scan3A_673 : i32 to index
        %swap3A_722 = arith.constant 32 : index
        %swap3A_723 = tpu.vector_load %arg8[%swap3A_720, %swap3A_721, %swap3A_722] {strides = array<i32>} : memref<4x200x128xf32, #tpu.memory_space<vmem>>, vector<1x1x16xf32>,
        %swap3A_724 = vector.shape_cast %swap3A_723 : vector<1x1x16xf32> to vector<16xf32>
        %swap3A_725 = vector.shape_cast %add3A_718 : vector<16xf32> to vector<1x1x16xf32>
        tpu.vector_store %arg8[%swap3A_720, %swap3A_721, %swap3A_722], %swap3A_725 {strides = array<i32>} : memref<4x200x128xf32, #tpu.memory_space<vmem>>, vector<1x1x16xf32>,
        %get3A_726 = arith.constant 3 : i32
        %get3A_727 = arith.index_cast %get3A_726 : i32 to index
        %get3A_728 = arith.index_cast %scan3A_673 : i32 to index
        %get3A_729 = arith.constant 48 : index
        %get3A_730 = tpu.vector_load %arg8[%get3A_727, %get3A_728, %get3A_729] {strides = array<i32>} : memref<4x200x128xf32, #tpu.memory_space<vmem>>, vector<1x1x16xf32>,
        %get3A_731 = vector.shape_cast %get3A_730 : vector<1x1x16xf32> to vector<16xf32>
        %get3A_732 = arith.index_cast %scan3A_673 : i32 to index
        %get3A_733 = arith.constant 48 : index
        %get3A_734 = tpu.vector_load %arg6[%get3A_732, %get3A_733] {strides = array<i32>} : memref<200x128xf32, #tpu.memory_space<vmem>>, vector<1x16xf32>,
        %get3A_735 = vector.shape_cast %get3A_734 : vector<1x16xf32> to vector<16xf32>
        %add3A_736 = arith.addf %get3A_731, %get3A_735 : vector<16xf32>
        %swap3A_737 = arith.constant 3 : i32
        %swap3A_738 = arith.index_cast %swap3A_737 : i32 to index
        %swap3A_739 = arith.index_cast %scan3A_673 : i32 to index
        %swap3A_740 = arith.constant 48 : index
        %swap3A_741 = tpu.vector_load %arg8[%swap3A_738, %swap3A_739, %swap3A_740] {strides = array<i32>} : memref<4x200x128xf32, #tpu.memory_space<vmem>>, vector<1x1x16xf32>,
        %swap3A_742 = vector.shape_cast %swap3A_741 : vector<1x1x16xf32> to vector<16xf32>
        %swap3A_743 = vector.shape_cast %add3A_736 : vector<16xf32> to vector<1x1x16xf32>
        tpu.vector_store %arg8[%swap3A_738, %swap3A_739, %swap3A_740], %swap3A_743 {strides = array<i32>} : memref<4x200x128xf32, #tpu.memory_space<vmem>>, vector<1x1x16xf32>,
        %get3A_744 = arith.constant 3 : i32
        %get3A_745 = arith.index_cast %get3A_744 : i32 to index
        %get3A_746 = arith.index_cast %scan3A_673 : i32 to index
        %get3A_747 = arith.constant 64 : index
        %get3A_748 = tpu.vector_load %arg8[%get3A_745, %get3A_746, %get3A_747] {strides = array<i32>} : memref<4x200x128xf32, #tpu.memory_space<vmem>>, vector<1x1x16xf32>,
        %get3A_749 = vector.shape_cast %get3A_748 : vector<1x1x16xf32> to vector<16xf32>
        %get3A_750 = arith.index_cast %scan3A_673 : i32 to index
        %get3A_751 = arith.constant 64 : index
        %get3A_752 = tpu.vector_load %arg6[%get3A_750, %get3A_751] {strides = array<i32>} : memref<200x128xf32, #tpu.memory_space<vmem>>, vector<1x16xf32>,
        %get3A_753 = vector.shape_cast %get3A_752 : vector<1x16xf32> to vector<16xf32>
        %add3A_754 = arith.addf %get3A_749, %get3A_753 : vector<16xf32>
        %swap3A_755 = arith.constant 3 : i32
        %swap3A_756 = arith.index_cast %swap3A_755 : i32 to index
        %swap3A_757 = arith.index_cast %scan3A_673 : i32 to index
        %swap3A_758 = arith.constant 64 : index
        %swap3A_759 = tpu.vector_load %arg8[%swap3A_756, %swap3A_757, %swap3A_758] {strides = array<i32>} : memref<4x200x128xf32, #tpu.memory_space<vmem>>, vector<1x1x16xf32>,
        %swap3A_760 = vector.shape_cast %swap3A_759 : vector<1x1x16xf32> to vector<16xf32>
        %swap3A_761 = vector.shape_cast %add3A_754 : vector<16xf32> to vector<1x1x16xf32>
        tpu.vector_store %arg8[%swap3A_756, %swap3A_757, %swap3A_758], %swap3A_761 {strides = array<i32>} : memref<4x200x128xf32, #tpu.memory_space<vmem>>, vector<1x1x16xf32>,
        %get3A_762 = arith.constant 3 : i32
        %get3A_763 = arith.index_cast %get3A_762 : i32 to index
        %get3A_764 = arith.index_cast %scan3A_673 : i32 to index
        %get3A_765 = arith.constant 80 : index
        %get3A_766 = tpu.vector_load %arg8[%get3A_763, %get3A_764, %get3A_765] {strides = array<i32>} : memref<4x200x128xf32, #tpu.memory_space<vmem>>, vector<1x1x16xf32>,
        %get3A_767 = vector.shape_cast %get3A_766 : vector<1x1x16xf32> to vector<16xf32>
        %get3A_768 = arith.index_cast %scan3A_673 : i32 to index
        %get3A_769 = arith.constant 80 : index
        %get3A_770 = tpu.vector_load %arg6[%get3A_768, %get3A_769] {strides = array<i32>} : memref<200x128xf32, #tpu.memory_space<vmem>>, vector<1x16xf32>,
        %get3A_771 = vector.shape_cast %get3A_770 : vector<1x16xf32> to vector<16xf32>
        %add3A_772 = arith.addf %get3A_767, %get3A_771 : vector<16xf32>
        %swap3A_773 = arith.constant 3 : i32
        %swap3A_774 = arith.index_cast %swap3A_773 : i32 to index
        %swap3A_775 = arith.index_cast %scan3A_673 : i32 to index
        %swap3A_776 = arith.constant 80 : index
        %swap3A_777 = tpu.vector_load %arg8[%swap3A_774, %swap3A_775, %swap3A_776] {strides = array<i32>} : memref<4x200x128xf32, #tpu.memory_space<vmem>>, vector<1x1x16xf32>,
        %swap3A_778 = vector.shape_cast %swap3A_777 : vector<1x1x16xf32> to vector<16xf32>
        %swap3A_779 = vector.shape_cast %add3A_772 : vector<16xf32> to vector<1x1x16xf32>
        tpu.vector_store %arg8[%swap3A_774, %swap3A_775, %swap3A_776], %swap3A_779 {strides = array<i32>} : memref<4x200x128xf32, #tpu.memory_space<vmem>>, vector<1x1x16xf32>,
        %get3A_780 = arith.constant 3 : i32
        %get3A_781 = arith.index_cast %get3A_780 : i32 to index
        %get3A_782 = arith.index_cast %scan3A_673 : i32 to index
        %get3A_783 = arith.constant 96 : index
        %get3A_784 = tpu.vector_load %arg8[%get3A_781, %get3A_782, %get3A_783] {strides = array<i32>} : memref<4x200x128xf32, #tpu.memory_space<vmem>>, vector<1x1x16xf32>,
        %get3A_785 = vector.shape_cast %get3A_784 : vector<1x1x16xf32> to vector<16xf32>
        %get3A_786 = arith.index_cast %scan3A_673 : i32 to index
        %get3A_787 = arith.constant 96 : index
        %get3A_788 = tpu.vector_load %arg6[%get3A_786, %get3A_787] {strides = array<i32>} : memref<200x128xf32, #tpu.memory_space<vmem>>, vector<1x16xf32>,
        %get3A_789 = vector.shape_cast %get3A_788 : vector<1x16xf32> to vector<16xf32>
        %add3A_790 = arith.addf %get3A_785, %get3A_789 : vector<16xf32>
        %swap3A_791 = arith.constant 3 : i32
        %swap3A_792 = arith.index_cast %swap3A_791 : i32 to index
        %swap3A_793 = arith.index_cast %scan3A_673 : i32 to index
        %swap3A_794 = arith.constant 96 : index
        %swap3A_795 = tpu.vector_load %arg8[%swap3A_792, %swap3A_793, %swap3A_794] {strides = array<i32>} : memref<4x200x128xf32, #tpu.memory_space<vmem>>, vector<1x1x16xf32>,
        %swap3A_796 = vector.shape_cast %swap3A_795 : vector<1x1x16xf32> to vector<16xf32>
        %swap3A_797 = vector.shape_cast %add3A_790 : vector<16xf32> to vector<1x1x16xf32>
        tpu.vector_store %arg8[%swap3A_792, %swap3A_793, %swap3A_794], %swap3A_797 {strides = array<i32>} : memref<4x200x128xf32, #tpu.memory_space<vmem>>, vector<1x1x16xf32>,
        %get3A_798 = arith.constant 3 : i32
        %get3A_799 = arith.index_cast %get3A_798 : i32 to index
        %get3A_800 = arith.index_cast %scan3A_673 : i32 to index
        %get3A_801 = arith.constant 112 : index
        %get3A_802 = tpu.vector_load %arg8[%get3A_799, %get3A_800, %get3A_801] {strides = array<i32>} : memref<4x200x128xf32, #tpu.memory_space<vmem>>, vector<1x1x16xf32>,
        %get3A_803 = vector.shape_cast %get3A_802 : vector<1x1x16xf32> to vector<16xf32>
        %get3A_804 = arith.index_cast %scan3A_673 : i32 to index
        %get3A_805 = arith.constant 112 : index
        %get3A_806 = tpu.vector_load %arg6[%get3A_804, %get3A_805] {strides = array<i32>} : memref<200x128xf32, #tpu.memory_space<vmem>>, vector<1x16xf32>,
        %get3A_807 = vector.shape_cast %get3A_806 : vector<1x16xf32> to vector<16xf32>
        %add3A_808 = arith.addf %get3A_803, %get3A_807 : vector<16xf32>
        %swap3A_809 = arith.constant 3 : i32
        %swap3A_810 = arith.index_cast %swap3A_809 : i32 to index
        %swap3A_811 = arith.index_cast %scan3A_673 : i32 to index
        %swap3A_812 = arith.constant 112 : index
        %swap3A_813 = tpu.vector_load %arg8[%swap3A_810, %swap3A_811, %swap3A_812] {strides = array<i32>} : memref<4x200x128xf32, #tpu.memory_space<vmem>>, vector<1x1x16xf32>,
        %swap3A_814 = vector.shape_cast %swap3A_813 : vector<1x1x16xf32> to vector<16xf32>
        %swap3A_815 = vector.shape_cast %add3A_808 : vector<16xf32> to vector<1x1x16xf32>
        tpu.vector_store %arg8[%swap3A_810, %swap3A_811, %swap3A_812], %swap3A_815 {strides = array<i32>} : memref<4x200x128xf32, #tpu.memory_space<vmem>>, vector<1x1x16xf32>,
      }
      %scan3A_630 = arith.constant 104 : i32
      %add3A_631 = arith.addi %mul3A_2, %add3A_584 : i32
      %mul3A_632 = arith.constant 200 : i32
      %mul3A_633 = arith.muli %add3A_631, %mul3A_632 : i32
      %add3A_634 = arith.constant 0 : i32
      %add3A_635 = arith.addi %mul3A_633, %add3A_634 : i32
      %dma_start3A_636 = arith.constant 3 : i32
      %dma_start3A_637 = arith.constant 0 : i32
      %dma_start3A_638 = arith.constant 0 : i32
      %dma_start3A_639 = tpu.memref_slice %arg8[%dma_start3A_636, %dma_start3A_637, %dma_start3A_638] : memref<4x200x128xf32, #tpu.memory_space<vmem>> -> memref<1x104x128xf32, #tpu.memory_space<vmem>>
      %dma_start3A_640 = tpu.memref_squeeze %dma_start3A_639 : memref<1x104x128xf32, #tpu.memory_space<vmem>> -> memref<104x128xf32, #tpu.memory_space<vmem>>
      %dma_start3A_641 = arith.constant 0 : i32
      %dma_start3A_642 = tpu.memref_slice %arg5[%add3A_635, %dma_start3A_641] : memref<819200x128xf32, #tpu.memory_space<hbm>> -> memref<104x128xf32, #tpu.memory_space<hbm>>
      %dma_start3A_643 = arith.constant 0 : i32
      %dma_start3A_644 = tpu.memref_slice %arg5[%add3A_635, %dma_start3A_643] : memref<819200x128xf32, #tpu.memory_space<hbm>> -> memref<104x128xf32, #tpu.memory_space<hbm>>
      %dma_start3A_645 = arith.constant 0 : i32
      %dma_start3A_646 = arith.constant 0 : i32
      %dma_start3A_647 = tpu.memref_slice %arg8[%dma_start3A_636, %dma_start3A_645, %dma_start3A_646] : memref<4x200x128xf32, #tpu.memory_space<vmem>> -> memref<1x104x128xf32, #tpu.memory_space<vmem>>
      %dma_start3A_648 = tpu.memref_squeeze %dma_start3A_647 : memref<1x104x128xf32, #tpu.memory_space<vmem>> -> memref<104x128xf32, #tpu.memory_space<vmem>>
      tpu.enqueue_dma source(%dma_start3A_648 : memref<104x128xf32, #tpu.memory_space<vmem>>) target(%dma_start3A_644 : memref<104x128xf32, #tpu.memory_space<hbm>>) target_semaphore(%arg20 : memref<!tpu.dma_semaphore, #tpu.memory_space<semaphore_mem>>)
      %scan3A_649 = arith.constant 0 : i32
      %scan3A_650 = arith.constant 104 : i32
      %scan3A_651 = arith.constant 96 : i32
      %scan3A_652 = arith.addi %scan3A_650, %scan3A_651 : i32
      %scan3A_653 = arith.constant 1 : i32
      scf.for %scan3A_673 = %scan3A_650 to %scan3A_652 step %scan3A_653  : i32 {
        %get3A = arith.constant 3 : i32
        %get3A_674 = arith.index_cast %get3A : i32 to index
        %get3A_675 = arith.index_cast %scan3A_673 : i32 to index
        %get3A_676 = arith.constant 0 : index
        %get3A_677 = tpu.vector_load %arg8[%get3A_674, %get3A_675, %get3A_676] {strides = array<i32>} : memref<4x200x128xf32, #tpu.memory_space<vmem>>, vector<1x1x16xf32>,
        %get3A_678 = vector.shape_cast %get3A_677 : vector<1x1x16xf32> to vector<16xf32>
        %get3A_679 = arith.index_cast %scan3A_673 : i32 to index
        %get3A_680 = arith.constant 0 : index
        %get3A_681 = tpu.vector_load %arg6[%get3A_679, %get3A_680] {strides = array<i32>} : memref<200x128xf32, #tpu.memory_space<vmem>>, vector<1x16xf32>,
        %get3A_682 = vector.shape_cast %get3A_681 : vector<1x16xf32> to vector<16xf32>
        %add3A_683 = arith.addf %get3A_678, %get3A_682 : vector<16xf32>
        %swap3A = arith.constant 3 : i32
        %swap3A_684 = arith.index_cast %swap3A : i32 to index
        %swap3A_685 = arith.index_cast %scan3A_673 : i32 to index
        %swap3A_686 = arith.constant 0 : index
        %swap3A_687 = tpu.vector_load %arg8[%swap3A_684, %swap3A_685, %swap3A_686] {strides = array<i32>} : memref<4x200x128xf32, #tpu.memory_space<vmem>>, vector<1x1x16xf32>,
        %swap3A_688 = vector.shape_cast %swap3A_687 : vector<1x1x16xf32> to vector<16xf32>
        %swap3A_689 = vector.shape_cast %add3A_683 : vector<16xf32> to vector<1x1x16xf32>
        tpu.vector_store %arg8[%swap3A_684, %swap3A_685, %swap3A_686], %swap3A_689 {strides = array<i32>} : memref<4x200x128xf32, #tpu.memory_space<vmem>>, vector<1x1x16xf32>,
        %get3A_690 = arith.constant 3 : i32
        %get3A_691 = arith.index_cast %get3A_690 : i32 to index
        %get3A_692 = arith.index_cast %scan3A_673 : i32 to index
        %get3A_693 = arith.constant 16 : index
        %get3A_694 = tpu.vector_load %arg8[%get3A_691, %get3A_692, %get3A_693] {strides = array<i32>} : memref<4x200x128xf32, #tpu.memory_space<vmem>>, vector<1x1x16xf32>,
        %get3A_695 = vector.shape_cast %get3A_694 : vector<1x1x16xf32> to vector<16xf32>
        %get3A_696 = arith.index_cast %scan3A_673 : i32 to index
        %get3A_697 = arith.constant 16 : index
        %get3A_698 = tpu.vector_load %arg6[%get3A_696, %get3A_697] {strides = array<i32>} : memref<200x128xf32, #tpu.memory_space<vmem>>, vector<1x16xf32>,
        %get3A_699 = vector.shape_cast %get3A_698 : vector<1x16xf32> to vector<16xf32>
        %add3A_700 = arith.addf %get3A_695, %get3A_699 : vector<16xf32>
        %swap3A_701 = arith.constant 3 : i32
        %swap3A_702 = arith.index_cast %swap3A_701 : i32 to index
        %swap3A_703 = arith.index_cast %scan3A_673 : i32 to index
        %swap3A_704 = arith.constant 16 : index
        %swap3A_705 = tpu.vector_load %arg8[%swap3A_702, %swap3A_703, %swap3A_704] {strides = array<i32>} : memref<4x200x128xf32, #tpu.memory_space<vmem>>, vector<1x1x16xf32>,
        %swap3A_706 = vector.shape_cast %swap3A_705 : vector<1x1x16xf32> to vector<16xf32>
        %swap3A_707 = vector.shape_cast %add3A_700 : vector<16xf32> to vector<1x1x16xf32>
        tpu.vector_store %arg8[%swap3A_702, %swap3A_703, %swap3A_704], %swap3A_707 {strides = array<i32>} : memref<4x200x128xf32, #tpu.memory_space<vmem>>, vector<1x1x16xf32>,
        %get3A_708 = arith.constant 3 : i32
        %get3A_709 = arith.index_cast %get3A_708 : i32 to index
        %get3A_710 = arith.index_cast %scan3A_673 : i32 to index
        %get3A_711 = arith.constant 32 : index
        %get3A_712 = tpu.vector_load %arg8[%get3A_709, %get3A_710, %get3A_711] {strides = array<i32>} : memref<4x200x128xf32, #tpu.memory_space<vmem>>, vector<1x1x16xf32>,
        %get3A_713 = vector.shape_cast %get3A_712 : vector<1x1x16xf32> to vector<16xf32>
        %get3A_714 = arith.index_cast %scan3A_673 : i32 to index
        %get3A_715 = arith.constant 32 : index
        %get3A_716 = tpu.vector_load %arg6[%get3A_714, %get3A_715] {strides = array<i32>} : memref<200x128xf32, #tpu.memory_space<vmem>>, vector<1x16xf32>,
        %get3A_717 = vector.shape_cast %get3A_716 : vector<1x16xf32> to vector<16xf32>
        %add3A_718 = arith.addf %get3A_713, %get3A_717 : vector<16xf32>
        %swap3A_719 = arith.constant 3 : i32
        %swap3A_720 = arith.index_cast %swap3A_719 : i32 to index
        %swap3A_721 = arith.index_cast %scan3A_673 : i32 to index
        %swap3A_722 = arith.constant 32 : index
        %swap3A_723 = tpu.vector_load %arg8[%swap3A_720, %swap3A_721, %swap3A_722] {strides = array<i32>} : memref<4x200x128xf32, #tpu.memory_space<vmem>>, vector<1x1x16xf32>,
        %swap3A_724 = vector.shape_cast %swap3A_723 : vector<1x1x16xf32> to vector<16xf32>
        %swap3A_725 = vector.shape_cast %add3A_718 : vector<16xf32> to vector<1x1x16xf32>
        tpu.vector_store %arg8[%swap3A_720, %swap3A_721, %swap3A_722], %swap3A_725 {strides = array<i32>} : memref<4x200x128xf32, #tpu.memory_space<vmem>>, vector<1x1x16xf32>,
        %get3A_726 = arith.constant 3 : i32
        %get3A_727 = arith.index_cast %get3A_726 : i32 to index
        %get3A_728 = arith.index_cast %scan3A_673 : i32 to index
        %get3A_729 = arith.constant 48 : index
        %get3A_730 = tpu.vector_load %arg8[%get3A_727, %get3A_728, %get3A_729] {strides = array<i32>} : memref<4x200x128xf32, #tpu.memory_space<vmem>>, vector<1x1x16xf32>,
        %get3A_731 = vector.shape_cast %get3A_730 : vector<1x1x16xf32> to vector<16xf32>
        %get3A_732 = arith.index_cast %scan3A_673 : i32 to index
        %get3A_733 = arith.constant 48 : index
        %get3A_734 = tpu.vector_load %arg6[%get3A_732, %get3A_733] {strides = array<i32>} : memref<200x128xf32, #tpu.memory_space<vmem>>, vector<1x16xf32>,
        %get3A_735 = vector.shape_cast %get3A_734 : vector<1x16xf32> to vector<16xf32>
        %add3A_736 = arith.addf %get3A_731, %get3A_735 : vector<16xf32>
        %swap3A_737 = arith.constant 3 : i32
        %swap3A_738 = arith.index_cast %swap3A_737 : i32 to index
        %swap3A_739 = arith.index_cast %scan3A_673 : i32 to index
        %swap3A_740 = arith.constant 48 : index
        %swap3A_741 = tpu.vector_load %arg8[%swap3A_738, %swap3A_739, %swap3A_740] {strides = array<i32>} : memref<4x200x128xf32, #tpu.memory_space<vmem>>, vector<1x1x16xf32>,
        %swap3A_742 = vector.shape_cast %swap3A_741 : vector<1x1x16xf32> to vector<16xf32>
        %swap3A_743 = vector.shape_cast %add3A_736 : vector<16xf32> to vector<1x1x16xf32>
        tpu.vector_store %arg8[%swap3A_738, %swap3A_739, %swap3A_740], %swap3A_743 {strides = array<i32>} : memref<4x200x128xf32, #tpu.memory_space<vmem>>, vector<1x1x16xf32>,
        %get3A_744 = arith.constant 3 : i32
        %get3A_745 = arith.index_cast %get3A_744 : i32 to index
        %get3A_746 = arith.index_cast %scan3A_673 : i32 to index
        %get3A_747 = arith.constant 64 : index
        %get3A_748 = tpu.vector_load %arg8[%get3A_745, %get3A_746, %get3A_747] {strides = array<i32>} : memref<4x200x128xf32, #tpu.memory_space<vmem>>, vector<1x1x16xf32>,
        %get3A_749 = vector.shape_cast %get3A_748 : vector<1x1x16xf32> to vector<16xf32>
        %get3A_750 = arith.index_cast %scan3A_673 : i32 to index
        %get3A_751 = arith.constant 64 : index
        %get3A_752 = tpu.vector_load %arg6[%get3A_750, %get3A_751] {strides = array<i32>} : memref<200x128xf32, #tpu.memory_space<vmem>>, vector<1x16xf32>,
        %get3A_753 = vector.shape_cast %get3A_752 : vector<1x16xf32> to vector<16xf32>
        %add3A_754 = arith.addf %get3A_749, %get3A_753 : vector<16xf32>
        %swap3A_755 = arith.constant 3 : i32
        %swap3A_756 = arith.index_cast %swap3A_755 : i32 to index
        %swap3A_757 = arith.index_cast %scan3A_673 : i32 to index
        %swap3A_758 = arith.constant 64 : index
        %swap3A_759 = tpu.vector_load %arg8[%swap3A_756, %swap3A_757, %swap3A_758] {strides = array<i32>} : memref<4x200x128xf32, #tpu.memory_space<vmem>>, vector<1x1x16xf32>,
        %swap3A_760 = vector.shape_cast %swap3A_759 : vector<1x1x16xf32> to vector<16xf32>
        %swap3A_761 = vector.shape_cast %add3A_754 : vector<16xf32> to vector<1x1x16xf32>
        tpu.vector_store %arg8[%swap3A_756, %swap3A_757, %swap3A_758], %swap3A_761 {strides = array<i32>} : memref<4x200x128xf32, #tpu.memory_space<vmem>>, vector<1x1x16xf32>,
        %get3A_762 = arith.constant 3 : i32
        %get3A_763 = arith.index_cast %get3A_762 : i32 to index
        %get3A_764 = arith.index_cast %scan3A_673 : i32 to index
        %get3A_765 = arith.constant 80 : index
        %get3A_766 = tpu.vector_load %arg8[%get3A_763, %get3A_764, %get3A_765] {strides = array<i32>} : memref<4x200x128xf32, #tpu.memory_space<vmem>>, vector<1x1x16xf32>,
        %get3A_767 = vector.shape_cast %get3A_766 : vector<1x1x16xf32> to vector<16xf32>
        %get3A_768 = arith.index_cast %scan3A_673 : i32 to index
        %get3A_769 = arith.constant 80 : index
        %get3A_770 = tpu.vector_load %arg6[%get3A_768, %get3A_769] {strides = array<i32>} : memref<200x128xf32, #tpu.memory_space<vmem>>, vector<1x16xf32>,
        %get3A_771 = vector.shape_cast %get3A_770 : vector<1x16xf32> to vector<16xf32>
        %add3A_772 = arith.addf %get3A_767, %get3A_771 : vector<16xf32>
        %swap3A_773 = arith.constant 3 : i32
        %swap3A_774 = arith.index_cast %swap3A_773 : i32 to index
        %swap3A_775 = arith.index_cast %scan3A_673 : i32 to index
        %swap3A_776 = arith.constant 80 : index
        %swap3A_777 = tpu.vector_load %arg8[%swap3A_774, %swap3A_775, %swap3A_776] {strides = array<i32>} : memref<4x200x128xf32, #tpu.memory_space<vmem>>, vector<1x1x16xf32>,
        %swap3A_778 = vector.shape_cast %swap3A_777 : vector<1x1x16xf32> to vector<16xf32>
        %swap3A_779 = vector.shape_cast %add3A_772 : vector<16xf32> to vector<1x1x16xf32>
        tpu.vector_store %arg8[%swap3A_774, %swap3A_775, %swap3A_776], %swap3A_779 {strides = array<i32>} : memref<4x200x128xf32, #tpu.memory_space<vmem>>, vector<1x1x16xf32>,
        %get3A_780 = arith.constant 3 : i32
        %get3A_781 = arith.index_cast %get3A_780 : i32 to index
        %get3A_782 = arith.index_cast %scan3A_673 : i32 to index
        %get3A_783 = arith.constant 96 : index
        %get3A_784 = tpu.vector_load %arg8[%get3A_781, %get3A_782, %get3A_783] {strides = array<i32>} : memref<4x200x128xf32, #tpu.memory_space<vmem>>, vector<1x1x16xf32>,
        %get3A_785 = vector.shape_cast %get3A_784 : vector<1x1x16xf32> to vector<16xf32>
        %get3A_786 = arith.index_cast %scan3A_673 : i32 to index
        %get3A_787 = arith.constant 96 : index
        %get3A_788 = tpu.vector_load %arg6[%get3A_786, %get3A_787] {strides = array<i32>} : memref<200x128xf32, #tpu.memory_space<vmem>>, vector<1x16xf32>,
        %get3A_789 = vector.shape_cast %get3A_788 : vector<1x16xf32> to vector<16xf32>
        %add3A_790 = arith.addf %get3A_785, %get3A_789 : vector<16xf32>
        %swap3A_791 = arith.constant 3 : i32
        %swap3A_792 = arith.index_cast %swap3A_791 : i32 to index
        %swap3A_793 = arith.index_cast %scan3A_673 : i32 to index
        %swap3A_794 = arith.constant 96 : index
        %swap3A_795 = tpu.vector_load %arg8[%swap3A_792, %swap3A_793, %swap3A_794] {strides = array<i32>} : memref<4x200x128xf32, #tpu.memory_space<vmem>>, vector<1x1x16xf32>,
        %swap3A_796 = vector.shape_cast %swap3A_795 : vector<1x1x16xf32> to vector<16xf32>
        %swap3A_797 = vector.shape_cast %add3A_790 : vector<16xf32> to vector<1x1x16xf32>
        tpu.vector_store %arg8[%swap3A_792, %swap3A_793, %swap3A_794], %swap3A_797 {strides = array<i32>} : memref<4x200x128xf32, #tpu.memory_space<vmem>>, vector<1x1x16xf32>,
        %get3A_798 = arith.constant 3 : i32
        %get3A_799 = arith.index_cast %get3A_798 : i32 to index
        %get3A_800 = arith.index_cast %scan3A_673 : i32 to index
        %get3A_801 = arith.constant 112 : index
        %get3A_802 = tpu.vector_load %arg8[%get3A_799, %get3A_800, %get3A_801] {strides = array<i32>} : memref<4x200x128xf32, #tpu.memory_space<vmem>>, vector<1x1x16xf32>,
        %get3A_803 = vector.shape_cast %get3A_802 : vector<1x1x16xf32> to vector<16xf32>
        %get3A_804 = arith.index_cast %scan3A_673 : i32 to index
        %get3A_805 = arith.constant 112 : index
        %get3A_806 = tpu.vector_load %arg6[%get3A_804, %get3A_805] {strides = array<i32>} : memref<200x128xf32, #tpu.memory_space<vmem>>, vector<1x16xf32>,
        %get3A_807 = vector.shape_cast %get3A_806 : vector<1x16xf32> to vector<16xf32>
        %add3A_808 = arith.addf %get3A_803, %get3A_807 : vector<16xf32>
        %swap3A_809 = arith.constant 3 : i32
        %swap3A_810 = arith.index_cast %swap3A_809 : i32 to index
        %swap3A_811 = arith.index_cast %scan3A_673 : i32 to index
        %swap3A_812 = arith.constant 112 : index
        %swap3A_813 = tpu.vector_load %arg8[%swap3A_810, %swap3A_811, %swap3A_812] {strides = array<i32>} : memref<4x200x128xf32, #tpu.memory_space<vmem>>, vector<1x1x16xf32>,
        %swap3A_814 = vector.shape_cast %swap3A_813 : vector<1x1x16xf32> to vector<16xf32>
        %swap3A_815 = vector.shape_cast %add3A_808 : vector<16xf32> to vector<1x1x16xf32>
        tpu.vector_store %arg8[%swap3A_810, %swap3A_811, %swap3A_812], %swap3A_815 {strides = array<i32>} : memref<4x200x128xf32, #tpu.memory_space<vmem>>, vector<1x1x16xf32>,
      }
      %scan3A_654 = arith.constant 96 : i32
      %add3A_655 = arith.addi %mul3A_2, %add3A_584 : i32
      %mul3A_656 = arith.constant 200 : i32
      %mul3A_657 = arith.muli %add3A_655, %mul3A_656 : i32
      %add3A_658 = arith.constant 104 : i32
      %add3A_659 = arith.addi %mul3A_657, %add3A_658 : i32
      %dma_start3A_660 = arith.constant 3 : i32
      %dma_start3A_661 = arith.constant 104 : i32
      %dma_start3A_662 = arith.constant 0 : i32
      %dma_start3A_663 = tpu.memref_slice %arg8[%dma_start3A_660, %dma_start3A_661, %dma_start3A_662] : memref<4x200x128xf32, #tpu.memory_space<vmem>> -> memref<1x96x128xf32, #tpu.memory_space<vmem>>
      %dma_start3A_664 = tpu.memref_squeeze %dma_start3A_663 : memref<1x96x128xf32, #tpu.memory_space<vmem>> -> memref<96x128xf32, #tpu.memory_space<vmem>>
      %dma_start3A_665 = arith.constant 0 : i32
      %dma_start3A_666 = tpu.memref_slice %arg5[%add3A_659, %dma_start3A_665] : memref<819200x128xf32, #tpu.memory_space<hbm>> -> memref<96x128xf32, #tpu.memory_space<hbm>>
      %dma_start3A_667 = arith.constant 0 : i32
      %dma_start3A_668 = tpu.memref_slice %arg5[%add3A_659, %dma_start3A_667] : memref<819200x128xf32, #tpu.memory_space<hbm>> -> memref<96x128xf32, #tpu.memory_space<hbm>>
      %dma_start3A_669 = arith.constant 104 : i32
      %dma_start3A_670 = arith.constant 0 : i32
      %dma_start3A_671 = tpu.memref_slice %arg8[%dma_start3A_660, %dma_start3A_669, %dma_start3A_670] : memref<4x200x128xf32, #tpu.memory_space<vmem>> -> memref<1x96x128xf32, #tpu.memory_space<vmem>>
      %dma_start3A_672 = tpu.memref_squeeze %dma_start3A_671 : memref<1x96x128xf32, #tpu.memory_space<vmem>> -> memref<96x128xf32, #tpu.memory_space<vmem>>
      tpu.enqueue_dma source(%dma_start3A_672 : memref<96x128xf32, #tpu.memory_space<vmem>>) target(%dma_start3A_668 : memref<96x128xf32, #tpu.memory_space<hbm>>) target_semaphore(%arg20 : memref<!tpu.dma_semaphore, #tpu.memory_space<semaphore_mem>>)
    }
    %scan3A_158 = arith.constant 32 : i32
    %add3A_159 = arith.constant 124 : i32
    %add3A_160 = arith.addi %mul3A_2, %add3A_159 : i32
    %mul3A_161 = arith.constant 200 : i32
    %mul3A_162 = arith.muli %add3A_160, %mul3A_161 : i32
    %add3A_163 = arith.constant 0 : i32
    %add3A_164 = arith.addi %mul3A_162, %add3A_163 : i32
    %dma_wait3A_165 = arith.constant 0 : i32
    %dma_wait3A_166 = arith.constant 0 : i32
    %dma_wait3A_167 = arith.constant 0 : i32
    %dma_wait3A_168 = tpu.memref_slice %arg8[%dma_wait3A_165, %dma_wait3A_166, %dma_wait3A_167] : memref<4x200x128xf32, #tpu.memory_space<vmem>> -> memref<1x104x128xf32, #tpu.memory_space<vmem>>
    %dma_wait3A_169 = tpu.memref_squeeze %dma_wait3A_168 : memref<1x104x128xf32, #tpu.memory_space<vmem>> -> memref<104x128xf32, #tpu.memory_space<vmem>>
    %dma_wait3A_170 = arith.constant 0 : i32
    %dma_wait3A_171 = tpu.memref_slice %arg5[%add3A_164, %dma_wait3A_170] : memref<819200x128xf32, #tpu.memory_space<hbm>> -> memref<104x128xf32, #tpu.memory_space<hbm>>
    %dma_wait3A_172 = arith.constant 0 : i32
    %dma_wait3A_173 = tpu.memref_slice %arg5[%add3A_164, %dma_wait3A_172] : memref<819200x128xf32, #tpu.memory_space<hbm>> -> memref<104x128xf32, #tpu.memory_space<hbm>>
    %dma_wait3A_174 = arith.constant 0 : i32
    %dma_wait3A_175 = arith.constant 0 : i32
    %dma_wait3A_176 = tpu.memref_slice %arg8[%dma_wait3A_165, %dma_wait3A_174, %dma_wait3A_175] : memref<4x200x128xf32, #tpu.memory_space<vmem>> -> memref<1x104x128xf32, #tpu.memory_space<vmem>>
    %dma_wait3A_177 = tpu.memref_squeeze %dma_wait3A_176 : memref<1x104x128xf32, #tpu.memory_space<vmem>> -> memref<104x128xf32, #tpu.memory_space<vmem>>
    tpu.wait_dma2 semaphore(%arg17 : memref<!tpu.dma_semaphore, #tpu.memory_space<semaphore_mem>>) src(%dma_wait3A_177 : memref<104x128xf32, #tpu.memory_space<vmem>>) dst(%dma_wait3A_173 : memref<104x128xf32, #tpu.memory_space<hbm>>)
    %add3A_178 = arith.constant 124 : i32
    %add3A_179 = arith.addi %mul3A_2, %add3A_178 : i32
    %mul3A_180 = arith.constant 200 : i32
    %mul3A_181 = arith.muli %add3A_179, %mul3A_180 : i32
    %add3A_182 = arith.constant 104 : i32
    %add3A_183 = arith.addi %mul3A_181, %add3A_182 : i32
    %dma_wait3A_184 = arith.constant 0 : i32
    %dma_wait3A_185 = arith.constant 104 : i32
    %dma_wait3A_186 = arith.constant 0 : i32
    %dma_wait3A_187 = tpu.memref_slice %arg8[%dma_wait3A_184, %dma_wait3A_185, %dma_wait3A_186] : memref<4x200x128xf32, #tpu.memory_space<vmem>> -> memref<1x96x128xf32, #tpu.memory_space<vmem>>
    %dma_wait3A_188 = tpu.memref_squeeze %dma_wait3A_187 : memref<1x96x128xf32, #tpu.memory_space<vmem>> -> memref<96x128xf32, #tpu.memory_space<vmem>>
    %dma_wait3A_189 = arith.constant 0 : i32
    %dma_wait3A_190 = tpu.memref_slice %arg5[%add3A_183, %dma_wait3A_189] : memref<819200x128xf32, #tpu.memory_space<hbm>> -> memref<96x128xf32, #tpu.memory_space<hbm>>
    %dma_wait3A_191 = arith.constant 0 : i32
    %dma_wait3A_192 = tpu.memref_slice %arg5[%add3A_183, %dma_wait3A_191] : memref<819200x128xf32, #tpu.memory_space<hbm>> -> memref<96x128xf32, #tpu.memory_space<hbm>>
    %dma_wait3A_193 = arith.constant 104 : i32
    %dma_wait3A_194 = arith.constant 0 : i32
    %dma_wait3A_195 = tpu.memref_slice %arg8[%dma_wait3A_184, %dma_wait3A_193, %dma_wait3A_194] : memref<4x200x128xf32, #tpu.memory_space<vmem>> -> memref<1x96x128xf32, #tpu.memory_space<vmem>>
    %dma_wait3A_196 = tpu.memref_squeeze %dma_wait3A_195 : memref<1x96x128xf32, #tpu.memory_space<vmem>> -> memref<96x128xf32, #tpu.memory_space<vmem>>
    tpu.wait_dma2 semaphore(%arg17 : memref<!tpu.dma_semaphore, #tpu.memory_space<semaphore_mem>>) src(%dma_wait3A_196 : memref<96x128xf32, #tpu.memory_space<vmem>>) dst(%dma_wait3A_192 : memref<96x128xf32, #tpu.memory_space<hbm>>)
    %add3A_197 = arith.constant 125 : i32
    %add3A_198 = arith.addi %mul3A_2, %add3A_197 : i32
    %mul3A_199 = arith.constant 200 : i32
    %mul3A_200 = arith.muli %add3A_198, %mul3A_199 : i32
    %add3A_201 = arith.constant 0 : i32
    %add3A_202 = arith.addi %mul3A_200, %add3A_201 : i32
    %dma_wait3A_203 = arith.constant 1 : i32
    %dma_wait3A_204 = arith.constant 0 : i32
    %dma_wait3A_205 = arith.constant 0 : i32
    %dma_wait3A_206 = tpu.memref_slice %arg8[%dma_wait3A_203, %dma_wait3A_204, %dma_wait3A_205] : memref<4x200x128xf32, #tpu.memory_space<vmem>> -> memref<1x104x128xf32, #tpu.memory_space<vmem>>
    %dma_wait3A_207 = tpu.memref_squeeze %dma_wait3A_206 : memref<1x104x128xf32, #tpu.memory_space<vmem>> -> memref<104x128xf32, #tpu.memory_space<vmem>>
    %dma_wait3A_208 = arith.constant 0 : i32
    %dma_wait3A_209 = tpu.memref_slice %arg5[%add3A_202, %dma_wait3A_208] : memref<819200x128xf32, #tpu.memory_space<hbm>> -> memref<104x128xf32, #tpu.memory_space<hbm>>
    %dma_wait3A_210 = arith.constant 0 : i32
    %dma_wait3A_211 = tpu.memref_slice %arg5[%add3A_202, %dma_wait3A_210] : memref<819200x128xf32, #tpu.memory_space<hbm>> -> memref<104x128xf32, #tpu.memory_space<hbm>>
    %dma_wait3A_212 = arith.constant 0 : i32
    %dma_wait3A_213 = arith.constant 0 : i32
    %dma_wait3A_214 = tpu.memref_slice %arg8[%dma_wait3A_203, %dma_wait3A_212, %dma_wait3A_213] : memref<4x200x128xf32, #tpu.memory_space<vmem>> -> memref<1x104x128xf32, #tpu.memory_space<vmem>>
    %dma_wait3A_215 = tpu.memref_squeeze %dma_wait3A_214 : memref<1x104x128xf32, #tpu.memory_space<vmem>> -> memref<104x128xf32, #tpu.memory_space<vmem>>
    tpu.wait_dma2 semaphore(%arg18 : memref<!tpu.dma_semaphore, #tpu.memory_space<semaphore_mem>>) src(%dma_wait3A_215 : memref<104x128xf32, #tpu.memory_space<vmem>>) dst(%dma_wait3A_211 : memref<104x128xf32, #tpu.memory_space<hbm>>)
    %add3A_216 = arith.constant 125 : i32
    %add3A_217 = arith.addi %mul3A_2, %add3A_216 : i32
    %mul3A_218 = arith.constant 200 : i32
    %mul3A_219 = arith.muli %add3A_217, %mul3A_218 : i32
    %add3A_220 = arith.constant 104 : i32
    %add3A_221 = arith.addi %mul3A_219, %add3A_220 : i32
    %dma_wait3A_222 = arith.constant 1 : i32
    %dma_wait3A_223 = arith.constant 104 : i32
    %dma_wait3A_224 = arith.constant 0 : i32
    %dma_wait3A_225 = tpu.memref_slice %arg8[%dma_wait3A_222, %dma_wait3A_223, %dma_wait3A_224] : memref<4x200x128xf32, #tpu.memory_space<vmem>> -> memref<1x96x128xf32, #tpu.memory_space<vmem>>
    %dma_wait3A_226 = tpu.memref_squeeze %dma_wait3A_225 : memref<1x96x128xf32, #tpu.memory_space<vmem>> -> memref<96x128xf32, #tpu.memory_space<vmem>>
    %dma_wait3A_227 = arith.constant 0 : i32
    %dma_wait3A_228 = tpu.memref_slice %arg5[%add3A_221, %dma_wait3A_227] : memref<819200x128xf32, #tpu.memory_space<hbm>> -> memref<96x128xf32, #tpu.memory_space<hbm>>
    %dma_wait3A_229 = arith.constant 0 : i32
    %dma_wait3A_230 = tpu.memref_slice %arg5[%add3A_221, %dma_wait3A_229] : memref<819200x128xf32, #tpu.memory_space<hbm>> -> memref<96x128xf32, #tpu.memory_space<hbm>>
    %dma_wait3A_231 = arith.constant 104 : i32
    %dma_wait3A_232 = arith.constant 0 : i32
    %dma_wait3A_233 = tpu.memref_slice %arg8[%dma_wait3A_222, %dma_wait3A_231, %dma_wait3A_232] : memref<4x200x128xf32, #tpu.memory_space<vmem>> -> memref<1x96x128xf32, #tpu.memory_space<vmem>>
    %dma_wait3A_234 = tpu.memref_squeeze %dma_wait3A_233 : memref<1x96x128xf32, #tpu.memory_space<vmem>> -> memref<96x128xf32, #tpu.memory_space<vmem>>
    tpu.wait_dma2 semaphore(%arg18 : memref<!tpu.dma_semaphore, #tpu.memory_space<semaphore_mem>>) src(%dma_wait3A_234 : memref<96x128xf32, #tpu.memory_space<vmem>>) dst(%dma_wait3A_230 : memref<96x128xf32, #tpu.memory_space<hbm>>)
    %add3A_235 = arith.constant 126 : i32
    %add3A_236 = arith.addi %mul3A_2, %add3A_235 : i32
    %mul3A_237 = arith.constant 200 : i32
    %mul3A_238 = arith.muli %add3A_236, %mul3A_237 : i32
    %add3A_239 = arith.constant 0 : i32
    %add3A_240 = arith.addi %mul3A_238, %add3A_239 : i32
    %dma_wait3A_241 = arith.constant 2 : i32
    %dma_wait3A_242 = arith.constant 0 : i32
    %dma_wait3A_243 = arith.constant 0 : i32
    %dma_wait3A_244 = tpu.memref_slice %arg8[%dma_wait3A_241, %dma_wait3A_242, %dma_wait3A_243] : memref<4x200x128xf32, #tpu.memory_space<vmem>> -> memref<1x104x128xf32, #tpu.memory_space<vmem>>
    %dma_wait3A_245 = tpu.memref_squeeze %dma_wait3A_244 : memref<1x104x128xf32, #tpu.memory_space<vmem>> -> memref<104x128xf32, #tpu.memory_space<vmem>>
    %dma_wait3A_246 = arith.constant 0 : i32
    %dma_wait3A_247 = tpu.memref_slice %arg5[%add3A_240, %dma_wait3A_246] : memref<819200x128xf32, #tpu.memory_space<hbm>> -> memref<104x128xf32, #tpu.memory_space<hbm>>
    %dma_wait3A_248 = arith.constant 0 : i32
    %dma_wait3A_249 = tpu.memref_slice %arg5[%add3A_240, %dma_wait3A_248] : memref<819200x128xf32, #tpu.memory_space<hbm>> -> memref<104x128xf32, #tpu.memory_space<hbm>>
    %dma_wait3A_250 = arith.constant 0 : i32
    %dma_wait3A_251 = arith.constant 0 : i32
    %dma_wait3A_252 = tpu.memref_slice %arg8[%dma_wait3A_241, %dma_wait3A_250, %dma_wait3A_251] : memref<4x200x128xf32, #tpu.memory_space<vmem>> -> memref<1x104x128xf32, #tpu.memory_space<vmem>>
    %dma_wait3A_253 = tpu.memref_squeeze %dma_wait3A_252 : memref<1x104x128xf32, #tpu.memory_space<vmem>> -> memref<104x128xf32, #tpu.memory_space<vmem>>
    tpu.wait_dma2 semaphore(%arg19 : memref<!tpu.dma_semaphore, #tpu.memory_space<semaphore_mem>>) src(%dma_wait3A_253 : memref<104x128xf32, #tpu.memory_space<vmem>>) dst(%dma_wait3A_249 : memref<104x128xf32, #tpu.memory_space<hbm>>)
    %add3A_254 = arith.constant 126 : i32
    %add3A_255 = arith.addi %mul3A_2, %add3A_254 : i32
    %mul3A_256 = arith.constant 200 : i32
    %mul3A_257 = arith.muli %add3A_255, %mul3A_256 : i32
    %add3A_258 = arith.constant 104 : i32
    %add3A_259 = arith.addi %mul3A_257, %add3A_258 : i32
    %dma_wait3A_260 = arith.constant 2 : i32
    %dma_wait3A_261 = arith.constant 104 : i32
    %dma_wait3A_262 = arith.constant 0 : i32
    %dma_wait3A_263 = tpu.memref_slice %arg8[%dma_wait3A_260, %dma_wait3A_261, %dma_wait3A_262] : memref<4x200x128xf32, #tpu.memory_space<vmem>> -> memref<1x96x128xf32, #tpu.memory_space<vmem>>
    %dma_wait3A_264 = tpu.memref_squeeze %dma_wait3A_263 : memref<1x96x128xf32, #tpu.memory_space<vmem>> -> memref<96x128xf32, #tpu.memory_space<vmem>>
    %dma_wait3A_265 = arith.constant 0 : i32
    %dma_wait3A_266 = tpu.memref_slice %arg5[%add3A_259, %dma_wait3A_265] : memref<819200x128xf32, #tpu.memory_space<hbm>> -> memref<96x128xf32, #tpu.memory_space<hbm>>
    %dma_wait3A_267 = arith.constant 0 : i32
    %dma_wait3A_268 = tpu.memref_slice %arg5[%add3A_259, %dma_wait3A_267] : memref<819200x128xf32, #tpu.memory_space<hbm>> -> memref<96x128xf32, #tpu.memory_space<hbm>>
    %dma_wait3A_269 = arith.constant 104 : i32
    %dma_wait3A_270 = arith.constant 0 : i32
    %dma_wait3A_271 = tpu.memref_slice %arg8[%dma_wait3A_260, %dma_wait3A_269, %dma_wait3A_270] : memref<4x200x128xf32, #tpu.memory_space<vmem>> -> memref<1x96x128xf32, #tpu.memory_space<vmem>>
    %dma_wait3A_272 = tpu.memref_squeeze %dma_wait3A_271 : memref<1x96x128xf32, #tpu.memory_space<vmem>> -> memref<96x128xf32, #tpu.memory_space<vmem>>
    tpu.wait_dma2 semaphore(%arg19 : memref<!tpu.dma_semaphore, #tpu.memory_space<semaphore_mem>>) src(%dma_wait3A_272 : memref<96x128xf32, #tpu.memory_space<vmem>>) dst(%dma_wait3A_268 : memref<96x128xf32, #tpu.memory_space<hbm>>)
    %add3A_273 = arith.constant 127 : i32
    %add3A_274 = arith.addi %mul3A_2, %add3A_273 : i32
    %mul3A_275 = arith.constant 200 : i32
    %mul3A_276 = arith.muli %add3A_274, %mul3A_275 : i32
    %add3A_277 = arith.constant 0 : i32
    %add3A_278 = arith.addi %mul3A_276, %add3A_277 : i32
    %dma_wait3A_279 = arith.constant 3 : i32
    %dma_wait3A_280 = arith.constant 0 : i32
    %dma_wait3A_281 = arith.constant 0 : i32
    %dma_wait3A_282 = tpu.memref_slice %arg8[%dma_wait3A_279, %dma_wait3A_280, %dma_wait3A_281] : memref<4x200x128xf32, #tpu.memory_space<vmem>> -> memref<1x104x128xf32, #tpu.memory_space<vmem>>
    %dma_wait3A_283 = tpu.memref_squeeze %dma_wait3A_282 : memref<1x104x128xf32, #tpu.memory_space<vmem>> -> memref<104x128xf32, #tpu.memory_space<vmem>>
    %dma_wait3A_284 = arith.constant 0 : i32
    %dma_wait3A_285 = tpu.memref_slice %arg5[%add3A_278, %dma_wait3A_284] : memref<819200x128xf32, #tpu.memory_space<hbm>> -> memref<104x128xf32, #tpu.memory_space<hbm>>
    %dma_wait3A_286 = arith.constant 0 : i32
    %dma_wait3A_287 = tpu.memref_slice %arg5[%add3A_278, %dma_wait3A_286] : memref<819200x128xf32, #tpu.memory_space<hbm>> -> memref<104x128xf32, #tpu.memory_space<hbm>>
    %dma_wait3A_288 = arith.constant 0 : i32
    %dma_wait3A_289 = arith.constant 0 : i32
    %dma_wait3A_290 = tpu.memref_slice %arg8[%dma_wait3A_279, %dma_wait3A_288, %dma_wait3A_289] : memref<4x200x128xf32, #tpu.memory_space<vmem>> -> memref<1x104x128xf32, #tpu.memory_space<vmem>>
    %dma_wait3A_291 = tpu.memref_squeeze %dma_wait3A_290 : memref<1x104x128xf32, #tpu.memory_space<vmem>> -> memref<104x128xf32, #tpu.memory_space<vmem>>
    tpu.wait_dma2 semaphore(%arg20 : memref<!tpu.dma_semaphore, #tpu.memory_space<semaphore_mem>>) src(%dma_wait3A_291 : memref<104x128xf32, #tpu.memory_space<vmem>>) dst(%dma_wait3A_287 : memref<104x128xf32, #tpu.memory_space<hbm>>)
    %add3A_292 = arith.constant 127 : i32
    %add3A_293 = arith.addi %mul3A_2, %add3A_292 : i32
    %mul3A_294 = arith.constant 200 : i32
    %mul3A_295 = arith.muli %add3A_293, %mul3A_294 : i32
    %add3A_296 = arith.constant 104 : i32
    %add3A_297 = arith.addi %mul3A_295, %add3A_296 : i32
    %dma_wait3A_298 = arith.constant 3 : i32
    %dma_wait3A_299 = arith.constant 104 : i32
    %dma_wait3A_300 = arith.constant 0 : i32
    %dma_wait3A_301 = tpu.memref_slice %arg8[%dma_wait3A_298, %dma_wait3A_299, %dma_wait3A_300] : memref<4x200x128xf32, #tpu.memory_space<vmem>> -> memref<1x96x128xf32, #tpu.memory_space<vmem>>
    %dma_wait3A_302 = tpu.memref_squeeze %dma_wait3A_301 : memref<1x96x128xf32, #tpu.memory_space<vmem>> -> memref<96x128xf32, #tpu.memory_space<vmem>>
    %dma_wait3A_303 = arith.constant 0 : i32
    %dma_wait3A_304 = tpu.memref_slice %arg5[%add3A_297, %dma_wait3A_303] : memref<819200x128xf32, #tpu.memory_space<hbm>> -> memref<96x128xf32, #tpu.memory_space<hbm>>
    %dma_wait3A_305 = arith.constant 0 : i32
    %dma_wait3A_306 = tpu.memref_slice %arg5[%add3A_297, %dma_wait3A_305] : memref<819200x128xf32, #tpu.memory_space<hbm>> -> memref<96x128xf32, #tpu.memory_space<hbm>>
    %dma_wait3A_307 = arith.constant 104 : i32
    %dma_wait3A_308 = arith.constant 0 : i32
    %dma_wait3A_309 = tpu.memref_slice %arg8[%dma_wait3A_298, %dma_wait3A_307, %dma_wait3A_308] : memref<4x200x128xf32, #tpu.memory_space<vmem>> -> memref<1x96x128xf32, #tpu.memory_space<vmem>>
    %dma_wait3A_310 = tpu.memref_squeeze %dma_wait3A_309 : memref<1x96x128xf32, #tpu.memory_space<vmem>> -> memref<96x128xf32, #tpu.memory_space<vmem>>
    tpu.wait_dma2 semaphore(%arg20 : memref<!tpu.dma_semaphore, #tpu.memory_space<semaphore_mem>>) src(%dma_wait3A_310 : memref<96x128xf32, #tpu.memory_space<vmem>>) dst(%dma_wait3A_306 : memref<96x128xf32, #tpu.memory_space<hbm>>)
    return
  }
}

</mosaic_0001>

<sc_bundles>
// kernel: kernel.3.cloned.1.call-start
scs
__scs_entry_jumppad:
0x0: {  	(pc) =	sbr.rel $0x88, $3  }
0x1: {  	(tag) =	ssettag $0x0;
	lr =	simm.s32 $0x1  }
0x2: {  	[smem:$0x3F9E] =	sst lr;
	_ =	strace $0xD0000000  }
0x3: {  	_ = 	snop  }
0x4: {  	_ = 	snop  }
0x5: {  	_ = 	snop  }
0x6: {  	_ = 	snop  }
0x7: {  	_ = 	snop  }
__scs_overlays_trampoline_lowered:
0x8: {  	[smem:$0x3FAD] =	sst s0  }
0x9: {  	[smem:$0x3FAE] =	sst s1  }
0xa: {  	[smem:$0x3FAF] =	sst s2  }
0xb: {  	[smem:$0x3FB0] =	sst s3  }
0xc: {  	[smem:$0x3FB1] =	sst s4  }
0xd: {  	[smem:$0x3FB2] =	sst s5  }
0xe: {  	[smem:$0x3FB3] =	sst s6  }
0xf: {  	[smem:$0x3FB4] =	sst s7  }
0x10: {  	[smem:$0x3FB5] =	sst s8  }
0x11: {  	[smem:$0x3FB6] =	sst s9;
	s0 =	simm.s32 @!p0 $0x0  }
0x12: {  	s1 =	sld [smem:$0x3F9C];
	s0 =	simm.s32 @p0 $0x1  }
0x13: {  	[smem:$0x3FB7] =	sst s0;
	s0 =	simm.s32 @!p1 $0x0  }
0x14: {  	s2 =	sld [smem:$0x3F9B];
	s0 =	simm.s32 @p1 $0x1  }
0x15: {  	[smem:$0x3FB8] =	sst s0;
	s0 =	simm.s32 @!p2 $0x0  }
0x16: {  	s3 =	sld [smem:$0x3FDB];
	s0 =	simm.s32 @p2 $0x1  }
0x17: {  	s4 =	simm.s32 $0x1BF5;
	[smem:$0x3FBA] =	sst s0  }
0x18: {  	s0 =	sld [smem:$0x3F9D];
	_ =	swait.ge [sflag:s4], $0x0  }
0x19: {  	s7 =	sld [smem:$0x3F9E]  }
0x1a: {  	s8 =	sadd.s32 $0xFFFFE003, lr  }
0x1b: {  	s9 =	sadd.s32 $0xFFFFFEF7, lr;
	s5 =	simm.s32 $0xFFFFFFFF;
	p2 =	slt.u32 s8, $0xFFFFF086  }
0x1c: {  	p1 =	slt.u32 s9, $0xF7A;
	s5 =	simm.s32 @!p2 $0x0  }
0x1d: {  	s5 =	simm.s32 @p1 $0x1;
	p0 =	seq.s32 s7, s2  }
0x1e: {  	s7 =	smul.u32 @!p0 $0xF7A, s2;
	p2 =	seq.s32 @!p0 s5, $0x0  }
0x1f: {  	s9 =	smul.u32 $0xF7A, s1;
	s8 =	simm.s32 @!p0 $0x1BF5;
	p2 =	por !p2, p0  }
0x20: {  	[sflag:s8] =	ssyncset.s32 @!p0 $0xFFFFF086;
	s6 =	sadd.s32 @!p0 s3, s7;
	s7 =	simm.s32 @!p0 $0x108  }
0x21: {  	s3 =	sadd.s32 s3, s9;
	s6 =	sadd.s32 @!p0 $0x88, s6;
	s7 =	simm.s32 @p2 $0x1082  }
0x22: {  	[simem:s7], [sflag:s8] =	dma.local @!p0 [hbm:s6], $0xF7A  }
0x23: {  	s9 =	sor.u32 $0xD0000000, s2;
	s6 =	simm.s32 $0x108;
	_ =	swait.ge @!p0 [sflag:s8], $0x0  }
0x24: {  	s3 =	sadd.s32 $0x88, s3;
	s6 =	simm.s32 @!p1 $0x1082;
	[sflag:s4] =	ssyncset.s32 $0xFFFFF086  }
0x25: {  	[simem:s6], [sflag:s4] =	dma.local [hbm:s3], $0xF7A  }
0x26: {  	[smem:$0x3F9E] =	sst s1;
	(tag) =	ssettag s2;
	_ =	strace s9  }
0x27: {  	s1 =	sld [smem:$0x3FAE]  }
0x28: {  	s2 =	sld [smem:$0x3FAF]  }
0x29: {  	s4 =	sld [smem:$0x3FB1]  }
0x2a: {  	p0 =	seq.s32 s5, $0x0;
	s5 =	sld [smem:$0x3FB2]  }
0x2b: {  	s6 =	sld [smem:$0x3FB3]  }
0x2c: {  	s7 =	sld [smem:$0x3FB4]  }
0x2d: {  	s3 =	simm.s32 $0x108;
	s8 =	sld [smem:$0x3FB5]  }
0x2e: {  	s3 =	simm.s32 @!p0 $0x1082;
	s9 =	sld [smem:$0x3FB6]  }
0x2f: {  	lr =	sadd.s32 s0, s3;
	s0 =	sld [smem:$0x3FAD]  }
0x30: {  	s3 =	sld [smem:$0x3FB0]  }
0x31: {  	[smem:$0x3FB9] =	sst s10  }
0x32: {  	s10 =	sld [smem:$0x3FB7];
	_ =	sdelay $0x3  }
0x33: {  	p0 =	seq.s32 s10, $0x1;
	s10 =	sld [smem:$0x3FB9];
	_ =	sdelay $0x3  }
0x34: {  	[smem:$0x3FB9] =	sst s10  }
0x35: {  	s10 =	sld [smem:$0x3FB8];
	_ =	sdelay $0x3  }
0x36: {  	p1 =	seq.s32 s10, $0x1;
	s10 =	sld [smem:$0x3FB9];
	_ =	sdelay $0x3  }
0x37: {  	[smem:$0x3FB9] =	sst s10  }
0x38: {  	s10 =	sld [smem:$0x3FBA]  }
0x39: {  	_ = 	snop;
	(pc) =	sbr.ind lr, $3  }
0x3a: {  	_ = 	snop  }
0x3b: {  	_ = 	snop  }
0x3c: {  	p2 =	seq.s32 s10, $0x1;
	s10 =	sld [smem:$0x3FB9]  }
0x3d: {  	_ =	shalt  }
0x3e: {  	_ =	shalt  }
0x3f: {  	_ =	shalt  }
0x40: {  	_ =	shalt  }
0x41: {  	_ =	shalt  }
0x42: {  	_ =	shalt  }
0x43: {  	_ =	shalt  }
0x44: {  	_ =	shalt  }
0x45: {  	_ =	shalt  }
0x46: {  	_ =	shalt  }
0x47: {  	_ =	shalt  }
0x48: {  	_ =	shalt  }
0x49: {  	_ =	shalt  }
0x4a: {  	_ =	shalt  }
0x4b: {  	_ =	shalt  }
0x4c: {  	_ =	shalt  }
0x4d: {  	_ =	shalt  }
0x4e: {  	_ =	shalt  }
0x4f: {  	_ =	shalt  }
0x50: {  	_ =	shalt  }
0x51: {  	_ =	shalt  }
0x52: {  	_ =	shalt  }
0x53: {  	_ =	shalt  }
0x54: {  	_ =	shalt  }
0x55: {  	_ =	shalt  }
0x56: {  	_ =	shalt  }
0x57: {  	_ =	shalt  }
0x58: {  	_ =	shalt  }
0x59: {  	_ =	shalt  }
0x5a: {  	_ =	shalt  }
0x5b: {  	_ =	shalt  }
0x5c: {  	_ =	shalt  }
0x5d: {  	_ =	shalt  }
0x5e: {  	_ =	shalt  }
0x5f: {  	_ =	shalt  }
0x60: {  	_ =	shalt  }
0x61: {  	_ =	shalt  }
0x62: {  	_ =	shalt  }
0x63: {  	_ =	shalt  }
0x64: {  	_ =	shalt  }
0x65: {  	_ =	shalt  }
0x66: {  	_ =	shalt  }
0x67: {  	_ =	shalt  }
0x68: {  	_ =	shalt  }
0x69: {  	_ =	shalt  }
0x6a: {  	_ =	shalt  }
0x6b: {  	_ =	shalt  }
0x6c: {  	_ =	shalt  }
0x6d: {  	_ =	shalt  }
0x6e: {  	_ =	shalt  }
0x6f: {  	_ =	shalt  }
0x70: {  	_ =	shalt  }
0x71: {  	_ =	shalt  }
0x72: {  	_ =	shalt  }
0x73: {  	_ =	shalt  }
0x74: {  	_ =	shalt  }
0x75: {  	_ =	shalt  }
0x76: {  	_ =	shalt  }
0x77: {  	_ =	shalt  }
0x78: {  	_ =	shalt  }
0x79: {  	_ =	shalt  }
0x7a: {  	_ =	shalt  }
0x7b: {  	_ =	shalt  }
0x7c: {  	_ =	shalt  }
0x7d: {  	_ =	shalt  }
0x7e: {  	_ =	shalt  }
0x7f: {  	_ =	shalt  }
0x80: {  	_ =	shalt  }
0x81: {  	_ =	shalt  }
0x82: {  	_ =	shalt  }
0x83: {  	_ =	shalt  }
0x84: {  	_ =	shalt  }
0x85: {  	_ =	shalt  }
0x86: {  	_ =	shalt  }
0x87: {  	_ =	shalt  }
.Lfunc_end0:
.L_simem_size_0:
called_computation_lowered:
.L_overlay_start_0:
0x88: {  	s2 =	sld [smem:$0x3FD9]  }
0x89: {  	s3 =	sld [smem:$0x3FFE];
	_ =	sdelay $0x1  }
0x8a: {  	s1 =	srdreg.scid  }
0x8b: {  	s0 =	sand.u32 $0x1, s1  }
0x8c: {  	s17 =	sshll.u32 s0, $0xA;
	s2 =	sadd.s32 s3, s2  }
0x8d: {  	s2 =	sadd.s32 s2, s17  }
0x8e: {  	[smem:$0x3FC5] =	sst s2  }
0x8f: {  	_ = 	snop  }
0x90: {  	s2 =	sld [smem:$0x3FC8]  }
0x91: {  	s18 =	sld [smem:$0x3FC7]  }
0x92: {  	s4 =	sld [smem:$0x3FD0];
	(tm) =	ssettm $0x1  }
0x93: {  	s5 =	sld [smem:$0x3FFB];
	_ =	sdelay $0x3  }
0x94: {  	_ =	strace s5  }
0x95: {  	s5 =	sld [smem:$0x3FFC];
	_ =	sdelay $0x3  }
0x96: {  	_ =	strace s5  }
0x97: {  	s5 =	sld [smem:$0x3FFD];
	_ =	sdelay $0x3  }
0x98: {  	_ =	strace s5  }
0x99: {  	_ =	strace $0x8FFFFFFF  }
0x9a: {  	s19 =	sld [smem:$0x3FDB];
	_ =	sdelay $0x1  }
0x9b: {  	s6 =	simm.s32 $_scs_section_size  }
0x9c: {  	s7 =	simm.s32 $_size__tile_overlayer_lowered;
	s8 =	simm.s32 $_tile_overlayer_lowered  }
0x9d: {  	s22 =	simm.s32 $0x1BFF;
	s21 =	sshll.u32 s8, $0x1;
	s5 =	sadd.s32 s6, s19  }
0x9e: {  	s9 =	simm.s32 $0x0;
	s20 =	sshll.u32 s7, $0x1;
	s7 =	sadd.s32 s21, s5  }
0x9f: {  	[timem:s9], [sflag:s22] =	dma.local [hbm:s7], s20  }
0xa0: {  	_ =	swait.ge [sflag:s22], s20  }
0xa1: {  	s6 =	ssub.s32 $0x0, s20;
	[sflag:s22] =	ssyncset.done $0x0  }
0xa2: {  	[sflag:s22] =	ssyncadd.s32 s6;
	_ =	sdelay $0x1  }
0xa3: {  	s23 =	simm.s32 $0x1B8B  }
0xa4: {  	_ =	swait.ge [sflag:s23], $0x1  }
0xa5: {  	[sflag:s23] =	ssyncset.done $0x0  }
0xa6: {  	s25 =	simm.s32 $0x1B8E;
	s24 =	sld [smem:$0x3FFE];
	[sflag:s23] =	ssyncadd.s32 $0xFFFFFFFF  }
0xa7: {  	s26 =	simm.s32 $execute0_lowered;
	[smem:$0x3FD2] =	sst s25  }
0xa8: {  	s7 =	sshll.u32 s26, $0x1;
	_ =	strace $0x80000046;
	[dreg:$0x1] =	wrdreg $0xFFFFFFFF  }
0xa9: {  	s28 =	simm.s32 $_size_execute0_lowered;
	s5 =	sadd.s32 s5, s7;
	[dreg:$0x0] =	wrdreg $0x0  }
0xaa: {  	s7 =	sshll.u32 s28, $0x1;
	[dreg:$0x2] =	wrdreg s5  }
0xab: {  	[dreg:$0x3] =	wrdreg s7  }
0xac: {  	[dreg:$0x4] =	wrdreg $0xC0  }
0xad: {  	_ =	task [dreg:s9], $0x5FFFF  }
0xae: {  	[dreg:$0x1] =	wrdreg $0xFFFFFFFF  }
0xaf: {  	[dreg:$0x0] =	wrdreg $0x60  }
0xb0: {  	[dreg:$0x2] =	wrdreg s24  }
0xb1: {  	[dreg:$0x3] =	wrdreg s2  }
0xb2: {  	[dreg:$0x4] =	wrdreg s18  }
0xb3: {  	[dreg:$0x5] =	wrdreg s4  }
0xb4: {  	[dreg:$0x6] =	wrdreg $0x9  }
0xb5: {  	_ =	task.clear_ibuf [dreg:s9], $0x7FFFF;
	_ =	strace $0x90000046  }
0xb6: {  	s29 =	simm.s32 $0x9;
	_ =	strace $0x80000048  }
0xb7: {  	_ =	swait.ge [sflag:s29], $0x1  }
0xb8: {  	[sflag:s29] =	ssyncadd.s32 $0xFFFFFFFF  }
0xb9: {  	_ =	strace $0x90000048  }
0xba: {  	_ =	sfence  }
0xbb: {  	s30 =	sld [smem:$0x0];
	_ =	sdelay $0x2  }
0xbc: {  	s31 =	sshll.u32 s1, $0xD;
	s1 =	sshrl.u32 s1, $0x2  }
0xbd: {  	s3 =	sand.u32 $0x4000, s31;
	s1 =	sadd.s32 s1, s30  }
0xbe: {  	s0 =	sor.u32 s3, s0;
	s1 =	sshll.u32 s1, $0x11  }
0xbf: {  	s0 =	sor.u32 s1, s0  }
0xc0: {  	s0 =	sadd.s32 $0x8F2B, s0  }
0xc1: {  	[sflag:s0] =	ssyncadd.remote.s32 $0x1  }
0xc2: {  	_ =	sfence.sel $0xFFFF  }
0xc3: {  	[dreg:$0x0] =	wrdreg $0xFFFFFFFF;
	(pc) =	sbr.abs _section_cstart, $3  }
0xc4: {  	[dreg:$0x1] =	wrdreg $0xFFFFFFFF  }
0xc5: {  	_ =	task.clear_ibuf [dreg:s9], $0x2FFFF;
	_ =	strace $0x9FFFFFFF  }
0xc6: {  	(tm) =	ssettm $0x7FFFFFFF  }
0xc7: {  	_ =	shalt  }
tec
execute0_lowered:
.L_overlay_start_1:
0x0: {  	(tag) =	ssettag $0x1  }
0x1: {  	s0 =	rddreg [dreg:$0x0]  }
0x2: {  	s1 =	rddreg [dreg:$0x1];
	s2 =	srdreg.scid  }
0x3: {  	s3 =	stileid.u32;
	s4 =	rddreg [dreg:$0x3]  }
0x4: {  	s5 =	simm.s32 $0x0;
	s19 =	simm.s32 $0x65A0;
	s20 =	simm.s32 $0x6670  }
0x5: {  	s22 =	simm.s32 $0x64;
	s23 =	simm.s32 $0x6740;
	s28 =	simm.s32 $0xCB40  }
0x6: {  	s30 =	simm.s32 $0x4;
	s17 =	simm.s32 $0x19340;
	s9 =	simm.s32 $0x1C540  }
0x7: {  	s10 =	simm.s32 $0x6;
	s11 =	simm.s32 $0xFF40;
	s16 =	simm.s32 $0x16340  }
0x8: {  	s21 =	simm.s32 $0x0;
	s2 =	sand.u32 $0x1, s2;
	s3 =	sshll.u32 s3, $0x1  }
0x9: {  	[smem:$0x7FF] =	sst s5;
	s3 =	sor.u32 s2, s3;
	s2 =	ssub.s32 $0x2, s2  }
0xa: {  	s6 =	sadd.s32 $0x400, s0;
	s7 =	smul.u32 $0xD00, s3;
	s25 =	sshrl.u32 s2, $0x1  }
0xb: {  	_ =	strace $0x80000047;
	s8 =	sshll.u32 s3, $0x7;
	s0 =	ssub.s32 s2, s25  }
0xc: {  	s12 =	sor.u32 $0x4, s8;
	s13 =	sor.u32 $0x5, s8;
	s26 =	sadd.s32 s6, s7  }
0xd: {  	s14 =	sor.u32 $0x6, s8;
	s0 =	smax.u32 s0, $0x1;
	[dreg:$0x5] =	wrdreg s26  }
0xe: {  	s15 =	sor.u32 $0x7, s8;
	s29 =	sadd.s32 $0x1A, s26;
	[dreg:$0x9] =	wrdreg s0  }
0xf: {  	s25 =	simm.s32 $0x5;
	s31 =	sadd.s32 $0x34, s26;
	[dreg:$0x6] =	wrdreg s29  }
0x10: {  	s7 =	simm.s32 $0x1C740;
	s2 =	sadd.s32 $0x4E, s26;
	[dreg:$0x7] =	wrdreg s31  }
0x11: {  	s0 =	simm.s32 $0x12F40;
	[dreg:$0x8] =	wrdreg s2;
	s2 =	simm.s32 $0x3  }
.LBB2_1:
0x12: {  	[dreg:$0xa] =	wrdreg s21  }
0x13: {  	s3 =	rddreg [dreg:$0x2]  }
0x14: {  	[tilespmem:s5], [sflag:$0xD] =	stream.linear.gather [hbm4b:s3+s5], $0x6400, $0x38;
	[tilespmem:$0x1F740] =	vst v63  }
0x15: {  	s21 =	rddreg [dreg:$0x5];
	s18 =	simm.s32 $0x6400  }
0x16: {  	[tilespmem:s18], [sflag:$0x1] =	stream.linear.gather [hbm4b:s21+s5], $0xD0, $0x38;
	[tilespmem:$0x1F740] =	vst v63  }
0x17: {  	s24 =	rddreg [dreg:$0x6];
	s21 =	simm.s32 $0x64D0  }
0x18: {  	[tilespmem:s21], [sflag:$0x2] =	stream.linear.gather [hbm4b:s24+s5], $0xD0, $0x38;
	[tilespmem:$0x1F740] =	vst v63  }
0x19: {  	s26 =	rddreg [dreg:$0x7]  }
0x1a: {  	[tilespmem:s19], [sflag:$0x3] =	stream.linear.gather [hbm4b:s26+s5], $0xD0, $0x38;
	[tilespmem:$0x1F740] =	vst v63  }
0x1b: {  	s29 =	rddreg [dreg:$0x8];
	s24 =	simm.s32 $0x1  }
0x1c: {  	[tilespmem:s20], [sflag:$0x4] =	stream.linear.gather [hbm4b:s29+s5], $0xD0, $0x38;
	[tilespmem:$0x1F740] =	vst v63  }
0x1d: {  	_ =	swait.ge [sflag:s24], $0xD0  }
0x1e: {  	[sflag:s24] =	ssyncset.done $0x0  }
0x1f: {  	[sflag:s24] =	ssyncadd.s32 $0xFFFFFF30  }
0x20: {  	[tilespmem:s23], [sflag:$0x5] =	stream.indirect.gather [hbm4b:s1+s22], $0x80, s18, s22, $0xb8;
	[tilespmem:$0x1F740] =	vst v63  }
0x21: {  	s26 =	simm.s32 $0x6468;
	s29 =	simm.s32 $0x9940;
	s18 =	simm.s32 $0x2  }
0x22: {  	[tilespmem:s29], [sflag:$0x5] =	stream.indirect.gather [hbm4b:s1+s22], $0x80, s26, s22, $0xb8;
	[tilespmem:$0x1F740] =	vst v63  }
0x23: {  	_ =	swait.ge [sflag:s18], $0xD0  }
0x24: {  	[sflag:s18] =	ssyncset.done $0x0  }
0x25: {  	[sflag:s18] =	ssyncadd.s32 $0xFFFFFF30  }
0x26: {  	[tilespmem:s28], [sflag:$0x6] =	stream.indirect.gather [hbm4b:s1+s22], $0x80, s21, s22, $0xb8;
	[tilespmem:$0x1F740] =	vst v63  }
0x27: {  	s24 =	simm.s32 $0x6538;
	s26 =	simm.s32 $0xFD40;
	s29 =	simm.s32 $0xD  }
0x28: {  	[tilespmem:s26], [sflag:$0x6] =	stream.indirect.gather [hbm4b:s1+s22], $0x80, s24, s22, $0xb8;
	[tilespmem:$0x1F740] =	vst v63  }
0x29: {  	_ =	swait.ge [sflag:s29], $0x6400  }
0x2a: {  	[sflag:s29] =	ssyncset.done $0x0  }
0x2b: {  	s31 =	simm.s32 $0x0;
	[sflag:s29] =	ssyncadd.s32 $0xFFFF9C00  }
.LBB2_2:
0x2c: {  	_ =	swait.ge [sflag:s2], $0xD0  }
0x2d: {  	p1 =	seq.s32 s31, $0x0;
	[sflag:s2] =	ssyncset.done $0x0  }
0x2e: {  	s3 =	simm.s32 @!p1 $0xB;
	[sflag:s2] =	ssyncadd.s32 $0xFFFFFF30  }
0x2f: {  	_ =	swait.ge @!p1 [sflag:s3], $0x3400  }
0x30: {  	[sflag:s3] =	ssyncset.done @!p1 $0x0  }
0x31: {  	[sflag:s3] =	ssyncadd.s32 @!p1 $0xFFFFCC00  }
0x32: {  	_ =	swait.ge @!p1 [sflag:s3], $0x3000  }
0x33: {  	[sflag:s3] =	ssyncset.done @!p1 $0x0  }
0x34: {  	[sflag:s3] =	ssyncadd.s32 @!p1 $0xFFFFD000  }
0x35: {  	[tilespmem:s0], [sflag:$0x7] =	stream.indirect.gather [hbm4b:s1+s22], $0x80, s19, s22, $0xb8;
	[tilespmem:$0x1F740] =	vst v63  }
0x36: {  	s29 =	simm.s32 $0x6608;
	s18 =	simm.s32 $0x16140  }
0x37: {  	[tilespmem:s18], [sflag:$0x7] =	stream.indirect.gather [hbm4b:s1+s22], $0x80, s29, s22, $0xb8;
	[tilespmem:$0x1F740] =	vst v63  }
0x38: {  	_ =	swait.ge [sflag:s25], $0x3200  }
0x39: {  	s21 =	sshll.u32 s31, $0x2;
	p0 =	seq.s32 s31, $0x1F;
	[sflag:s25] =	ssyncset.done $0x0  }
0x3a: {  	s3 =	sadd.s32 @!p0 s21, s12;
	[sflag:s25] =	ssyncadd.s32 $0xFFFFCE00  }
0x3b: {  	s3 =	smul.u32 @!p0 $0x1A, s3;
	_ =	swait.ge [sflag:s25], $0x3200  }
0x3c: {  	s24 =	simm.s32 @!p0 $0x0;
	[sflag:s25] =	ssyncset.done $0x0  }
0x3d: {  	s26 =	simm.s32 @!p0 $0x6400;
	s3 =	sadd.s32 @!p0 s6, s3;
	[sflag:s25] =	ssyncadd.s32 $0xFFFFCE00  }
0x3e: {  	[tilespmem:s26], [sflag:$0x1] =	stream.linear.gather @!p0 [hbm4b:s3+s24], $0xD0, $0x38;
	[tilespmem:$0x1F740] =	vst v63  }
0x3f: {  	s3 =	simm.s32 $0x0  }
0x40: {  	v7 =	vld [tilespmem:s3+$0x0]  }
0x41: {  	v11 =	vld [tilespmem:s3+$0x10]  }
0x42: {  	v5 =	vld [tilespmem:s3+$0x20]  }
0x43: {  	v4 =	vld [tilespmem:s3+$0x30]  }
0x44: {  	v3 =	vld [tilespmem:s3+$0x40]  }
0x45: {  	v2 =	vld [tilespmem:s3+$0x50]  }
0x46: {  	v1 =	vld [tilespmem:s3+$0x60]  }
0x47: {  	v0 =	vld [tilespmem:s3+$0x70]  }
0x48: {  	v12 =	vld [tilespmem:s3+$0x6740]  }
0x49: {  	v13 =	vld [tilespmem:s3+$0x6750]  }
0x4a: {  	v10 =	vld [tilespmem:s3+$0x6760]  }
0x4b: {  	v9 =	vld [tilespmem:s3+$0x6770]  }
0x4c: {  	v8 =	vld [tilespmem:s3+$0x6780]  }
0x4d: {  	v6 =	vld [tilespmem:s3+$0x6790];
	v12 =	vadd.f32 v7, v12  }
0x4e: {  	s24 =	simm.s32 $0x200;
	v11 =	vadd.f32 v11, v13;
	v7 =	vld [tilespmem:s3+$0x67A0]  }
.LBB2_3:
0x4f: {  	s26 =	sshra.s32 s24, $0x2;
	p2 =	sne.s32 s24, $0xCE00;
	[tilespmem:s3+$0x6740] =	vst v12;
	v5 =	vadd.f32 v5, v10;
	v10 =	vld [tilespmem:s3+$0x67B0]  }
0x50: {  	v12 =	vld [tilespmem:s26+$0x0];
	[tilespmem:s3+$0x6750] =	vst v11;
	v4 =	vadd.f32 v4, v9  }
0x51: {  	v11 =	vld [tilespmem:s26+$0x10];
	[tilespmem:s3+$0x6760] =	vst v5;
	v3 =	vadd.f32 v3, v8  }
0x52: {  	v5 =	vld [tilespmem:s26+$0x20];
	[tilespmem:s3+$0x6770] =	vst v4;
	v2 =	vadd.f32 v2, v6  }
0x53: {  	v4 =	vld [tilespmem:s26+$0x30];
	[tilespmem:s3+$0x6780] =	vst v3;
	v1 =	vadd.f32 v1, v7  }
0x54: {  	v3 =	vld [tilespmem:s26+$0x40];
	[tilespmem:s3+$0x6790] =	vst v2;
	v0 =	vadd.f32 v0, v10  }
0x55: {  	v2 =	vld [tilespmem:s26+$0x50];
	[tilespmem:s3+$0x67A0] =	vst v1  }
0x56: {  	v1 =	vld [tilespmem:s26+$0x60];
	[tilespmem:s3+$0x67B0] =	vst v0;
	s3 =	smov.u32 s26  }
0x57: {  	v0 =	vld [tilespmem:s3+$0x70]  }
0x58: {  	v6 =	vld [tilespmem:s3+$0x6740]  }
0x59: {  	v7 =	vld [tilespmem:s3+$0x6750]  }
.Ltmp0:
0x5a: {  	v10 =	vld [tilespmem:s3+$0x6760];
	(pc) =	sbr.rel @p2 .LBB2_3-.Ltmp0, $4  }
0x5b: {  	v9 =	vld [tilespmem:s3+$0x6770]  }
0x5c: {  	v8 =	vld [tilespmem:s3+$0x6780]  }
0x5d: {  	v12 =	vadd.f32 v12, v6;
	v6 =	vld [tilespmem:s3+$0x6790]  }
0x5e: {  	s24 =	sadd.s32 $0x200, s24;
	v11 =	vadd.f32 v11, v7;
	v7 =	vld [tilespmem:s3+$0x67A0]  }
0x5f: {  	[tilespmem:s3+$0x6740] =	vst v12;
	v5 =	vadd.f32 v5, v10;
	v10 =	vld [tilespmem:s3+$0x67B0]  }
0x60: {  	[tilespmem:s3+$0x6750] =	vst v11;
	v4 =	vadd.f32 v4, v9  }
0x61: {  	[tilespmem:s3+$0x6760] =	vst v5;
	v3 =	vadd.f32 v3, v8  }
0x62: {  	[tilespmem:s3+$0x6770] =	vst v4;
	v2 =	vadd.f32 v2, v6  }
0x63: {  	s26 =	sor.u32 s8, s21;
	[tilespmem:s3+$0x6780] =	vst v3;
	v1 =	vadd.f32 v1, v7  }
0x64: {  	s24 =	smul.u32 $0xC80, s26;
	[tilespmem:s3+$0x6790] =	vst v2;
	v0 =	vadd.f32 v0, v10  }
0x65: {  	[tilespmem:s3+$0x67A0] =	vst v1  }
0x66: {  	s29 =	simm.s32 $0x0;
	s24 =	sadd.s32 s4, s24;
	[tilespmem:s3+$0x67B0] =	vst v0;
	s3 =	simm.s32 $0x0  }
0x67: {  	[hbm4b:s24+s29] =	stream.linear.scatter [tilespmem:s23], [sflag:$0x9], $0x3400, $0x38;
	[tilespmem:$0x1F740] =	vst v63  }
0x68: {  	v6 =	vld [tilespmem:s3+$0x3400]  }
0x69: {  	v11 =	vld [tilespmem:s3+$0x3410]  }
0x6a: {  	v5 =	vld [tilespmem:s3+$0x3420]  }
0x6b: {  	v4 =	vld [tilespmem:s3+$0x3430]  }
0x6c: {  	v3 =	vld [tilespmem:s3+$0x3440]  }
0x6d: {  	v2 =	vld [tilespmem:s3+$0x3450]  }
0x6e: {  	v1 =	vld [tilespmem:s3+$0x3460]  }
0x6f: {  	v0 =	vld [tilespmem:s3+$0x3470]  }
0x70: {  	v12 =	vld [tilespmem:s3+$0x9B40]  }
0x71: {  	v13 =	vld [tilespmem:s3+$0x9B50]  }
0x72: {  	v10 =	vld [tilespmem:s3+$0x9B60]  }
0x73: {  	v9 =	vld [tilespmem:s3+$0x9B70]  }
0x74: {  	v8 =	vld [tilespmem:s3+$0x9B80]  }
0x75: {  	v7 =	vld [tilespmem:s3+$0x9B90];
	v12 =	vadd.f32 v6, v12  }
0x76: {  	s24 =	simm.s32 $0x200;
	v11 =	vadd.f32 v11, v13;
	v6 =	vld [tilespmem:s3+$0x9BA0]  }
.LBB2_5:
0x77: {  	s29 =	sshra.s32 s24, $0x2;
	p2 =	sne.s32 s24, $0xBE00;
	[tilespmem:s3+$0x9B40] =	vst v12;
	v5 =	vadd.f32 v5, v10;
	v10 =	vld [tilespmem:s3+$0x9BB0]  }
0x78: {  	v12 =	vld [tilespmem:s29+$0x3400];
	[tilespmem:s3+$0x9B50] =	vst v11;
	v4 =	vadd.f32 v4, v9  }
0x79: {  	v11 =	vld [tilespmem:s29+$0x3410];
	[tilespmem:s3+$0x9B60] =	vst v5;
	v3 =	vadd.f32 v3, v8  }
0x7a: {  	v5 =	vld [tilespmem:s29+$0x3420];
	[tilespmem:s3+$0x9B70] =	vst v4;
	v2 =	vadd.f32 v2, v7  }
0x7b: {  	v4 =	vld [tilespmem:s29+$0x3430];
	[tilespmem:s3+$0x9B80] =	vst v3;
	v1 =	vadd.f32 v1, v6  }
0x7c: {  	v3 =	vld [tilespmem:s29+$0x3440];
	[tilespmem:s3+$0x9B90] =	vst v2;
	v0 =	vadd.f32 v0, v10  }
0x7d: {  	v2 =	vld [tilespmem:s29+$0x3450];
	[tilespmem:s3+$0x9BA0] =	vst v1  }
0x7e: {  	v1 =	vld [tilespmem:s29+$0x3460];
	[tilespmem:s3+$0x9BB0] =	vst v0;
	s3 =	smov.u32 s29  }
0x7f: {  	v0 =	vld [tilespmem:s3+$0x3470]  }
0x80: {  	v6 =	vld [tilespmem:s3+$0x9B40]  }
0x81: {  	v13 =	vld [tilespmem:s3+$0x9B50]  }
.Ltmp1:
0x82: {  	v10 =	vld [tilespmem:s3+$0x9B60];
	(pc) =	sbr.rel @p2 .LBB2_5-.Ltmp1, $4  }
0x83: {  	v9 =	vld [tilespmem:s3+$0x9B70]  }
0x84: {  	v8 =	vld [tilespmem:s3+$0x9B80]  }
0x85: {  	v12 =	vadd.f32 v12, v6;
	v7 =	vld [tilespmem:s3+$0x9B90]  }
0x86: {  	s24 =	sadd.s32 $0x200, s24;
	v11 =	vadd.f32 v11, v13;
	v6 =	vld [tilespmem:s3+$0x9BA0]  }
0x87: {  	[tilespmem:s3+$0x9B40] =	vst v12;
	v5 =	vadd.f32 v5, v10;
	v10 =	vld [tilespmem:s3+$0x9BB0]  }
0x88: {  	[tilespmem:s3+$0x9B50] =	vst v11;
	v4 =	vadd.f32 v4, v9  }
0x89: {  	[tilespmem:s3+$0x9B60] =	vst v5;
	v3 =	vadd.f32 v3, v8  }
0x8a: {  	s24 =	smul.u32 $0x6400, s26;
	[tilespmem:s3+$0x9B70] =	vst v4;
	v2 =	vadd.f32 v2, v7  }
0x8b: {  	[tilespmem:s3+$0x9B80] =	vst v3;
	v1 =	vadd.f32 v1, v6  }
0x8c: {  	s24 =	sshrl.u32 s24, $0x3;
	[tilespmem:s3+$0x9B90] =	vst v2;
	v0 =	vadd.f32 v0, v10  }
0x8d: {  	s24 =	sadd.s32 s4, s24;
	[tilespmem:s3+$0x9BA0] =	vst v1  }
0x8e: {  	s18 =	simm.s32 $0x9B40;
	s24 =	sadd.s32 $0x680, s24;
	[tilespmem:s3+$0x9BB0] =	vst v0  }
0x8f: {  	[hbm4b:s24+s5] =	stream.linear.scatter [tilespmem:s18], [sflag:$0x9], $0x3000, $0x38;
	[tilespmem:$0x1F740] =	vst v63  }
0x90: {  	_ =	swait.ge [sflag:s30], $0xD0  }
0x91: {  	[sflag:s30] =	ssyncset.done $0x0  }
0x92: {  	s3 =	simm.s32 @!p1 $0xC;
	[sflag:s30] =	ssyncadd.s32 $0xFFFFFF30  }
0x93: {  	_ =	swait.ge @!p1 [sflag:s3], $0x3400  }
0x94: {  	[sflag:s3] =	ssyncset.done @!p1 $0x0  }
0x95: {  	[sflag:s3] =	ssyncadd.s32 @!p1 $0xFFFFCC00  }
0x96: {  	_ =	swait.ge @!p1 [sflag:s3], $0x3000  }
0x97: {  	[sflag:s3] =	ssyncset.done @!p1 $0x0  }
0x98: {  	[sflag:s3] =	ssyncadd.s32 @!p1 $0xFFFFD000  }
0x99: {  	[tilespmem:s17], [sflag:$0x8] =	stream.indirect.gather [hbm4b:s1+s22], $0x80, s20, s22, $0xb8;
	[tilespmem:$0x1F740] =	vst v63  }
0x9a: {  	s29 =	simm.s32 $0x66D8  }
0x9b: {  	[tilespmem:s9], [sflag:$0x8] =	stream.indirect.gather [hbm4b:s1+s22], $0x80, s29, s22, $0xb8;
	[tilespmem:$0x1F740] =	vst v63  }
0x9c: {  	_ =	swait.ge [sflag:s10], $0x3200  }
0x9d: {  	[sflag:s10] =	ssyncset.done $0x0  }
0x9e: {  	s3 =	sadd.s32 @!p0 s21, s13;
	[sflag:s10] =	ssyncadd.s32 $0xFFFFCE00  }
0x9f: {  	s3 =	smul.u32 @!p0 $0x1A, s3;
	_ =	swait.ge [sflag:s10], $0x3200  }
0xa0: {  	s24 =	simm.s32 @!p0 $0x0;
	[sflag:s10] =	ssyncset.done $0x0  }
0xa1: {  	s3 =	sadd.s32 @!p0 s6, s3;
	s29 =	simm.s32 @!p0 $0x64D0;
	[sflag:s10] =	ssyncadd.s32 $0xFFFFCE00  }
0xa2: {  	[tilespmem:s29], [sflag:$0x2] =	stream.linear.gather @!p0 [hbm4b:s3+s24], $0xD0, $0x38;
	[tilespmem:$0x1F740] =	vst v63  }
0xa3: {  	s24 =	simm.s32 $0x0  }
0xa4: {  	v7 =	vld [tilespmem:s24+$0x0]  }
0xa5: {  	v11 =	vld [tilespmem:s24+$0x10]  }
0xa6: {  	v5 =	vld [tilespmem:s24+$0x20]  }
0xa7: {  	v4 =	vld [tilespmem:s24+$0x30]  }
0xa8: {  	v3 =	vld [tilespmem:s24+$0x40]  }
0xa9: {  	v2 =	vld [tilespmem:s24+$0x50]  }
0xaa: {  	v1 =	vld [tilespmem:s24+$0x60]  }
0xab: {  	v0 =	vld [tilespmem:s24+$0x70]  }
0xac: {  	v12 =	vld [tilespmem:s24+$0xCB40]  }
0xad: {  	v13 =	vld [tilespmem:s24+$0xCB50]  }
0xae: {  	v10 =	vld [tilespmem:s24+$0xCB60]  }
0xaf: {  	v9 =	vld [tilespmem:s24+$0xCB70]  }
0xb0: {  	v8 =	vld [tilespmem:s24+$0xCB80]  }
0xb1: {  	v6 =	vld [tilespmem:s24+$0xCB90];
	v12 =	vadd.f32 v7, v12  }
0xb2: {  	s3 =	simm.s32 $0x200;
	v11 =	vadd.f32 v11, v13;
	v7 =	vld [tilespmem:s24+$0xCBA0]  }
.LBB2_7:
0xb3: {  	s29 =	sshra.s32 s3, $0x2;
	p1 =	sne.s32 s3, $0xCE00;
	[tilespmem:s24+$0xCB40] =	vst v12;
	v5 =	vadd.f32 v5, v10;
	v10 =	vld [tilespmem:s24+$0xCBB0]  }
0xb4: {  	v12 =	vld [tilespmem:s29+$0x0];
	[tilespmem:s24+$0xCB50] =	vst v11;
	v4 =	vadd.f32 v4, v9  }
0xb5: {  	v11 =	vld [tilespmem:s29+$0x10];
	[tilespmem:s24+$0xCB60] =	vst v5;
	v3 =	vadd.f32 v3, v8  }
0xb6: {  	v5 =	vld [tilespmem:s29+$0x20];
	[tilespmem:s24+$0xCB70] =	vst v4;
	v2 =	vadd.f32 v2, v6  }
0xb7: {  	v4 =	vld [tilespmem:s29+$0x30];
	[tilespmem:s24+$0xCB80] =	vst v3;
	v1 =	vadd.f32 v1, v7  }
0xb8: {  	v3 =	vld [tilespmem:s29+$0x40];
	[tilespmem:s24+$0xCB90] =	vst v2;
	v0 =	vadd.f32 v0, v10  }
0xb9: {  	v2 =	vld [tilespmem:s29+$0x50];
	[tilespmem:s24+$0xCBA0] =	vst v1  }
0xba: {  	v1 =	vld [tilespmem:s29+$0x60];
	[tilespmem:s24+$0xCBB0] =	vst v0;
	s24 =	smov.u32 s29  }
0xbb: {  	v0 =	vld [tilespmem:s24+$0x70]  }
0xbc: {  	v6 =	vld [tilespmem:s24+$0xCB40]  }
0xbd: {  	v7 =	vld [tilespmem:s24+$0xCB50]  }
.Ltmp2:
0xbe: {  	v10 =	vld [tilespmem:s24+$0xCB60];
	(pc) =	sbr.rel @p1 .LBB2_7-.Ltmp2, $4  }
0xbf: {  	v9 =	vld [tilespmem:s24+$0xCB70]  }
0xc0: {  	v8 =	vld [tilespmem:s24+$0xCB80]  }
0xc1: {  	v12 =	vadd.f32 v12, v6;
	v6 =	vld [tilespmem:s24+$0xCB90]  }
0xc2: {  	s3 =	sadd.s32 $0x200, s3;
	v11 =	vadd.f32 v11, v7;
	v7 =	vld [tilespmem:s24+$0xCBA0]  }
0xc3: {  	[tilespmem:s24+$0xCB40] =	vst v12;
	v5 =	vadd.f32 v5, v10;
	v10 =	vld [tilespmem:s24+$0xCBB0]  }
0xc4: {  	[tilespmem:s24+$0xCB50] =	vst v11;
	v4 =	vadd.f32 v4, v9  }
0xc5: {  	[tilespmem:s24+$0xCB60] =	vst v5;
	v3 =	vadd.f32 v3, v8  }
0xc6: {  	[tilespmem:s24+$0xCB70] =	vst v4;
	v2 =	vadd.f32 v2, v6  }
0xc7: {  	s3 =	sor.u32 $0x1, s26;
	[tilespmem:s24+$0xCB80] =	vst v3;
	v1 =	vadd.f32 v1, v7  }
0xc8: {  	s29 =	smul.u32 $0xC80, s3;
	[tilespmem:s24+$0xCB90] =	vst v2;
	v0 =	vadd.f32 v0, v10  }
0xc9: {  	[tilespmem:s24+$0xCBA0] =	vst v1  }
0xca: {  	s18 =	sadd.s32 s4, s29;
	s29 =	simm.s32 $0x0;
	[tilespmem:s24+$0xCBB0] =	vst v0;
	s24 =	simm.s32 $0x0  }
0xcb: {  	[hbm4b:s18+s29] =	stream.linear.scatter [tilespmem:s28], [sflag:$0xA], $0x3400, $0x38;
	[tilespmem:$0x1F740] =	vst v63  }
0xcc: {  	v6 =	vld [tilespmem:s24+$0x3400]  }
0xcd: {  	v11 =	vld [tilespmem:s24+$0x3410]  }
0xce: {  	v5 =	vld [tilespmem:s24+$0x3420]  }
0xcf: {  	v4 =	vld [tilespmem:s24+$0x3430]  }
0xd0: {  	v3 =	vld [tilespmem:s24+$0x3440]  }
0xd1: {  	v2 =	vld [tilespmem:s24+$0x3450]  }
0xd2: {  	v1 =	vld [tilespmem:s24+$0x3460]  }
0xd3: {  	v0 =	vld [tilespmem:s24+$0x3470]  }
0xd4: {  	v12 =	vld [tilespmem:s24+$0xFF40]  }
0xd5: {  	v13 =	vld [tilespmem:s24+$0xFF50]  }
0xd6: {  	v10 =	vld [tilespmem:s24+$0xFF60]  }
0xd7: {  	v9 =	vld [tilespmem:s24+$0xFF70]  }
0xd8: {  	v8 =	vld [tilespmem:s24+$0xFF80]  }
0xd9: {  	v7 =	vld [tilespmem:s24+$0xFF90];
	v12 =	vadd.f32 v6, v12  }
0xda: {  	s29 =	simm.s32 $0x200;
	v11 =	vadd.f32 v11, v13;
	v6 =	vld [tilespmem:s24+$0xFFA0]  }
.LBB2_9:
0xdb: {  	s18 =	sshra.s32 s29, $0x2;
	p1 =	sne.s32 s29, $0xBE00;
	[tilespmem:s24+$0xFF40] =	vst v12;
	v5 =	vadd.f32 v5, v10;
	v10 =	vld [tilespmem:s24+$0xFFB0]  }
0xdc: {  	v12 =	vld [tilespmem:s18+$0x3400];
	[tilespmem:s24+$0xFF50] =	vst v11;
	v4 =	vadd.f32 v4, v9  }
0xdd: {  	v11 =	vld [tilespmem:s18+$0x3410];
	[tilespmem:s24+$0xFF60] =	vst v5;
	v3 =	vadd.f32 v3, v8  }
0xde: {  	v5 =	vld [tilespmem:s18+$0x3420];
	[tilespmem:s24+$0xFF70] =	vst v4;
	v2 =	vadd.f32 v2, v7  }
0xdf: {  	v4 =	vld [tilespmem:s18+$0x3430];
	[tilespmem:s24+$0xFF80] =	vst v3;
	v1 =	vadd.f32 v1, v6  }
0xe0: {  	v3 =	vld [tilespmem:s18+$0x3440];
	[tilespmem:s24+$0xFF90] =	vst v2;
	v0 =	vadd.f32 v0, v10  }
0xe1: {  	v2 =	vld [tilespmem:s18+$0x3450];
	[tilespmem:s24+$0xFFA0] =	vst v1  }
0xe2: {  	v1 =	vld [tilespmem:s18+$0x3460];
	[tilespmem:s24+$0xFFB0] =	vst v0;
	s24 =	smov.u32 s18  }
0xe3: {  	v0 =	vld [tilespmem:s24+$0x3470]  }
0xe4: {  	v6 =	vld [tilespmem:s24+$0xFF40]  }
0xe5: {  	v13 =	vld [tilespmem:s24+$0xFF50]  }
.Ltmp3:
0xe6: {  	v10 =	vld [tilespmem:s24+$0xFF60];
	(pc) =	sbr.rel @p1 .LBB2_9-.Ltmp3, $4  }
0xe7: {  	v9 =	vld [tilespmem:s24+$0xFF70]  }
0xe8: {  	v8 =	vld [tilespmem:s24+$0xFF80]  }
0xe9: {  	v12 =	vadd.f32 v12, v6;
	v7 =	vld [tilespmem:s24+$0xFF90]  }
0xea: {  	s29 =	sadd.s32 $0x200, s29;
	v11 =	vadd.f32 v11, v13;
	v6 =	vld [tilespmem:s24+$0xFFA0]  }
0xeb: {  	[tilespmem:s24+$0xFF40] =	vst v12;
	v5 =	vadd.f32 v5, v10;
	v10 =	vld [tilespmem:s24+$0xFFB0]  }
0xec: {  	[tilespmem:s24+$0xFF50] =	vst v11;
	v4 =	vadd.f32 v4, v9  }
0xed: {  	[tilespmem:s24+$0xFF60] =	vst v5;
	v3 =	vadd.f32 v3, v8  }
0xee: {  	s3 =	smul.u32 $0x6400, s3;
	[tilespmem:s24+$0xFF70] =	vst v4;
	v2 =	vadd.f32 v2, v7  }
0xef: {  	[tilespmem:s24+$0xFF80] =	vst v3;
	v1 =	vadd.f32 v1, v6  }
0xf0: {  	s3 =	sshrl.u32 s3, $0x3;
	[tilespmem:s24+$0xFF90] =	vst v2;
	v0 =	vadd.f32 v0, v10  }
0xf1: {  	s3 =	sadd.s32 s4, s3;
	[tilespmem:s24+$0xFFA0] =	vst v1  }
0xf2: {  	s3 =	sadd.s32 $0x680, s3;
	[tilespmem:s24+$0xFFB0] =	vst v0  }
0xf3: {  	[hbm4b:s3+s5] =	stream.linear.scatter [tilespmem:s11], [sflag:$0xA], $0x3000, $0x38;
	[tilespmem:$0x1F740] =	vst v63  }
0xf4: {  	s3 =	simm.s32 @p0 $0x7  }
0xf5: {  	_ =	swait.ge @p0 [sflag:s3], $0x3200  }
0xf6: {  	[sflag:s3] =	ssyncset.done @p0 $0x0  }
0xf7: {  	[sflag:s3] =	ssyncadd.s32 @p0 $0xFFFFCE00  }
0xf8: {  	_ =	swait.ge @p0 [sflag:s3], $0x3200  }
0xf9: {  	[sflag:s3] =	ssyncset.done @p0 $0x0  }
0xfa: {  	[sflag:s3] =	ssyncadd.s32 @p0 $0xFFFFCE00;
	s3 =	simm.s32 @!p0 $0x1  }
0xfb: {  	_ =	swait.ge @!p0 [sflag:s3], $0xD0  }
0xfc: {  	[sflag:s3] =	ssyncset.done @!p0 $0x0  }
0xfd: {  	[sflag:s3] =	ssyncadd.s32 @!p0 $0xFFFFFF30;
	s3 =	simm.s32 @!p0 $0x9  }
0xfe: {  	_ =	swait.ge @!p0 [sflag:s3], $0x3400  }
0xff: {  	[sflag:s3] =	ssyncset.done @!p0 $0x0  }
0x100: {  	[sflag:s3] =	ssyncadd.s32 @!p0 $0xFFFFCC00  }
0x101: {  	_ =	swait.ge @!p0 [sflag:s3], $0x3000  }
0x102: {  	s18 =	simm.s32 @!p0 $0x6400;
	[sflag:s3] =	ssyncset.done @!p0 $0x0  }
0x103: {  	s24 =	simm.s32 @!p0 $0x6740;
	[sflag:s3] =	ssyncadd.s32 @!p0 $0xFFFFD000;
	s3 =	simm.s32 @!p0 $0x64  }
0x104: {  	[tilespmem:s24], [sflag:$0x5] =	stream.indirect.gather @!p0 [hbm4b:s1+s3], $0x80, s18, s3, $0xb8;
	[tilespmem:$0x1F740] =	vst v63  }
0x105: {  	s18 =	simm.s32 @!p0 $0x6468;
	s24 =	simm.s32 @!p0 $0x9940  }
0x106: {  	[tilespmem:s24], [sflag:$0x5] =	stream.indirect.gather @!p0 [hbm4b:s1+s3], $0x80, s18, s3, $0xb8;
	[tilespmem:$0x1F740] =	vst v63  }
0x107: {  	s3 =	simm.s32 @!p0 $0x7  }
0x108: {  	_ =	swait.ge @!p0 [sflag:s3], $0x3200  }
0x109: {  	[sflag:s3] =	ssyncset.done @!p0 $0x0  }
0x10a: {  	s18 =	sadd.s32 @!p0 s21, s14;
	[sflag:s3] =	ssyncadd.s32 @!p0 $0xFFFFCE00  }
0x10b: {  	s18 =	smul.u32 @!p0 $0x1A, s18;
	_ =	swait.ge @!p0 [sflag:s3], $0x3200  }
0x10c: {  	s24 =	simm.s32 @!p0 $0x65A0;
	[sflag:s3] =	ssyncset.done @!p0 $0x0  }
0x10d: {  	[sflag:s3] =	ssyncadd.s32 @!p0 $0xFFFFCE00;
	s3 =	sadd.s32 @!p0 s6, s18;
	s18 =	simm.s32 @!p0 $0x0  }
0x10e: {  	[tilespmem:s24], [sflag:$0x3] =	stream.linear.gather @!p0 [hbm4b:s3+s18], $0xD0, $0x38;
	[tilespmem:$0x1F740] =	vst v63  }
0x10f: {  	s24 =	simm.s32 $0x0  }
0x110: {  	v7 =	vld [tilespmem:s24+$0x0]  }
0x111: {  	v11 =	vld [tilespmem:s24+$0x10]  }
0x112: {  	v5 =	vld [tilespmem:s24+$0x20]  }
0x113: {  	v4 =	vld [tilespmem:s24+$0x30]  }
0x114: {  	v3 =	vld [tilespmem:s24+$0x40]  }
0x115: {  	v2 =	vld [tilespmem:s24+$0x50]  }
0x116: {  	v1 =	vld [tilespmem:s24+$0x60]  }
0x117: {  	v0 =	vld [tilespmem:s24+$0x70]  }
0x118: {  	v12 =	vld [tilespmem:s24+$0x12F40]  }
0x119: {  	v13 =	vld [tilespmem:s24+$0x12F50]  }
0x11a: {  	v10 =	vld [tilespmem:s24+$0x12F60]  }
0x11b: {  	v9 =	vld [tilespmem:s24+$0x12F70]  }
0x11c: {  	v8 =	vld [tilespmem:s24+$0x12F80]  }
0x11d: {  	v6 =	vld [tilespmem:s24+$0x12F90];
	v12 =	vadd.f32 v7, v12  }
0x11e: {  	s3 =	simm.s32 $0x200;
	v11 =	vadd.f32 v11, v13;
	v7 =	vld [tilespmem:s24+$0x12FA0]  }
.LBB2_11:
0x11f: {  	s18 =	sshra.s32 s3, $0x2;
	p1 =	sne.s32 s3, $0xCE00;
	[tilespmem:s24+$0x12F40] =	vst v12;
	v5 =	vadd.f32 v5, v10;
	v10 =	vld [tilespmem:s24+$0x12FB0]  }
0x120: {  	v12 =	vld [tilespmem:s18+$0x0];
	[tilespmem:s24+$0x12F50] =	vst v11;
	v4 =	vadd.f32 v4, v9  }
0x121: {  	v11 =	vld [tilespmem:s18+$0x10];
	[tilespmem:s24+$0x12F60] =	vst v5;
	v3 =	vadd.f32 v3, v8  }
0x122: {  	v5 =	vld [tilespmem:s18+$0x20];
	[tilespmem:s24+$0x12F70] =	vst v4;
	v2 =	vadd.f32 v2, v6  }
0x123: {  	v4 =	vld [tilespmem:s18+$0x30];
	[tilespmem:s24+$0x12F80] =	vst v3;
	v1 =	vadd.f32 v1, v7  }
0x124: {  	v3 =	vld [tilespmem:s18+$0x40];
	[tilespmem:s24+$0x12F90] =	vst v2;
	v0 =	vadd.f32 v0, v10  }
0x125: {  	v2 =	vld [tilespmem:s18+$0x50];
	[tilespmem:s24+$0x12FA0] =	vst v1  }
0x126: {  	v1 =	vld [tilespmem:s18+$0x60];
	[tilespmem:s24+$0x12FB0] =	vst v0;
	s24 =	smov.u32 s18  }
0x127: {  	v0 =	vld [tilespmem:s24+$0x70]  }
0x128: {  	v6 =	vld [tilespmem:s24+$0x12F40]  }
0x129: {  	v7 =	vld [tilespmem:s24+$0x12F50]  }
.Ltmp4:
0x12a: {  	v10 =	vld [tilespmem:s24+$0x12F60];
	(pc) =	sbr.rel @p1 .LBB2_11-.Ltmp4, $4  }
0x12b: {  	v9 =	vld [tilespmem:s24+$0x12F70]  }
0x12c: {  	v8 =	vld [tilespmem:s24+$0x12F80]  }
0x12d: {  	v12 =	vadd.f32 v12, v6;
	v6 =	vld [tilespmem:s24+$0x12F90]  }
0x12e: {  	s3 =	sadd.s32 $0x200, s3;
	v11 =	vadd.f32 v11, v7;
	v7 =	vld [tilespmem:s24+$0x12FA0]  }
0x12f: {  	[tilespmem:s24+$0x12F40] =	vst v12;
	v5 =	vadd.f32 v5, v10;
	v10 =	vld [tilespmem:s24+$0x12FB0]  }
0x130: {  	[tilespmem:s24+$0x12F50] =	vst v11;
	v4 =	vadd.f32 v4, v9  }
0x131: {  	[tilespmem:s24+$0x12F60] =	vst v5;
	v3 =	vadd.f32 v3, v8  }
0x132: {  	[tilespmem:s24+$0x12F70] =	vst v4;
	v2 =	vadd.f32 v2, v6  }
0x133: {  	s3 =	sor.u32 $0x2, s26;
	[tilespmem:s24+$0x12F80] =	vst v3;
	v1 =	vadd.f32 v1, v7  }
0x134: {  	s18 =	smul.u32 $0xC80, s3;
	[tilespmem:s24+$0x12F90] =	vst v2;
	v0 =	vadd.f32 v0, v10  }
0x135: {  	[tilespmem:s24+$0x12FA0] =	vst v1  }
0x136: {  	s18 =	sadd.s32 s4, s18;
	[tilespmem:s24+$0x12FB0] =	vst v0;
	s24 =	simm.s32 $0x0  }
0x137: {  	[hbm4b:s18+s24] =	stream.linear.scatter [tilespmem:s0], [sflag:$0xB], $0x3400, $0x38;
	[tilespmem:$0x1F740] =	vst v63  }
0x138: {  	s24 =	simm.s32 $0x0  }
0x139: {  	v6 =	vld [tilespmem:s24+$0x3400]  }
0x13a: {  	v11 =	vld [tilespmem:s24+$0x3410]  }
0x13b: {  	v5 =	vld [tilespmem:s24+$0x3420]  }
0x13c: {  	v4 =	vld [tilespmem:s24+$0x3430]  }
0x13d: {  	v3 =	vld [tilespmem:s24+$0x3440]  }
0x13e: {  	v2 =	vld [tilespmem:s24+$0x3450]  }
0x13f: {  	v1 =	vld [tilespmem:s24+$0x3460]  }
0x140: {  	v0 =	vld [tilespmem:s24+$0x3470]  }
0x141: {  	v12 =	vld [tilespmem:s24+$0x16340]  }
0x142: {  	v13 =	vld [tilespmem:s24+$0x16350]  }
0x143: {  	v10 =	vld [tilespmem:s24+$0x16360]  }
0x144: {  	v9 =	vld [tilespmem:s24+$0x16370]  }
0x145: {  	v8 =	vld [tilespmem:s24+$0x16380]  }
0x146: {  	v7 =	vld [tilespmem:s24+$0x16390];
	v12 =	vadd.f32 v6, v12  }
0x147: {  	s29 =	simm.s32 $0x200;
	v11 =	vadd.f32 v11, v13;
	v6 =	vld [tilespmem:s24+$0x163A0]  }
.LBB2_13:
0x148: {  	s18 =	sshra.s32 s29, $0x2;
	p1 =	sne.s32 s29, $0xBE00;
	[tilespmem:s24+$0x16340] =	vst v12;
	v5 =	vadd.f32 v5, v10;
	v10 =	vld [tilespmem:s24+$0x163B0]  }
0x149: {  	v12 =	vld [tilespmem:s18+$0x3400];
	[tilespmem:s24+$0x16350] =	vst v11;
	v4 =	vadd.f32 v4, v9  }
0x14a: {  	v11 =	vld [tilespmem:s18+$0x3410];
	[tilespmem:s24+$0x16360] =	vst v5;
	v3 =	vadd.f32 v3, v8  }
0x14b: {  	v5 =	vld [tilespmem:s18+$0x3420];
	[tilespmem:s24+$0x16370] =	vst v4;
	v2 =	vadd.f32 v2, v7  }
0x14c: {  	v4 =	vld [tilespmem:s18+$0x3430];
	[tilespmem:s24+$0x16380] =	vst v3;
	v1 =	vadd.f32 v1, v6  }
0x14d: {  	v3 =	vld [tilespmem:s18+$0x3440];
	[tilespmem:s24+$0x16390] =	vst v2;
	v0 =	vadd.f32 v0, v10  }
0x14e: {  	v2 =	vld [tilespmem:s18+$0x3450];
	[tilespmem:s24+$0x163A0] =	vst v1  }
0x14f: {  	v1 =	vld [tilespmem:s18+$0x3460];
	[tilespmem:s24+$0x163B0] =	vst v0;
	s24 =	smov.u32 s18  }
0x150: {  	v0 =	vld [tilespmem:s24+$0x3470]  }
0x151: {  	v6 =	vld [tilespmem:s24+$0x16340]  }
0x152: {  	v13 =	vld [tilespmem:s24+$0x16350]  }
.Ltmp5:
0x153: {  	v10 =	vld [tilespmem:s24+$0x16360];
	(pc) =	sbr.rel @p1 .LBB2_13-.Ltmp5, $4  }
0x154: {  	v9 =	vld [tilespmem:s24+$0x16370]  }
0x155: {  	v8 =	vld [tilespmem:s24+$0x16380]  }
0x156: {  	v12 =	vadd.f32 v12, v6;
	v7 =	vld [tilespmem:s24+$0x16390]  }
0x157: {  	s29 =	sadd.s32 $0x200, s29;
	v11 =	vadd.f32 v11, v13;
	v6 =	vld [tilespmem:s24+$0x163A0]  }
0x158: {  	[tilespmem:s24+$0x16340] =	vst v12;
	v5 =	vadd.f32 v5, v10;
	v10 =	vld [tilespmem:s24+$0x163B0]  }
0x159: {  	[tilespmem:s24+$0x16350] =	vst v11;
	v4 =	vadd.f32 v4, v9  }
0x15a: {  	[tilespmem:s24+$0x16360] =	vst v5;
	v3 =	vadd.f32 v3, v8  }
0x15b: {  	s3 =	smul.u32 $0x6400, s3;
	[tilespmem:s24+$0x16370] =	vst v4;
	v2 =	vadd.f32 v2, v7  }
0x15c: {  	[tilespmem:s24+$0x16380] =	vst v3;
	v1 =	vadd.f32 v1, v6  }
0x15d: {  	s3 =	sshrl.u32 s3, $0x3;
	[tilespmem:s24+$0x16390] =	vst v2;
	v0 =	vadd.f32 v0, v10  }
0x15e: {  	s3 =	sadd.s32 s4, s3;
	[tilespmem:s24+$0x163A0] =	vst v1  }
0x15f: {  	s3 =	sadd.s32 $0x680, s3;
	[tilespmem:s24+$0x163B0] =	vst v0  }
0x160: {  	[hbm4b:s3+s5] =	stream.linear.scatter [tilespmem:s16], [sflag:$0xB], $0x3000, $0x38;
	[tilespmem:$0x1F740] =	vst v63  }
0x161: {  	s3 =	simm.s32 @p0 $0x8  }
0x162: {  	_ =	swait.ge @p0 [sflag:s3], $0x3200  }
0x163: {  	[sflag:s3] =	ssyncset.done @p0 $0x0  }
0x164: {  	[sflag:s3] =	ssyncadd.s32 @p0 $0xFFFFCE00  }
0x165: {  	_ =	swait.ge @p0 [sflag:s3], $0x3200  }
0x166: {  	[sflag:s3] =	ssyncset.done @p0 $0x0  }
0x167: {  	[sflag:s3] =	ssyncadd.s32 @p0 $0xFFFFCE00;
	s3 =	simm.s32 @!p0 $0x2  }
0x168: {  	_ =	swait.ge @!p0 [sflag:s3], $0xD0  }
0x169: {  	[sflag:s3] =	ssyncset.done @!p0 $0x0  }
0x16a: {  	[sflag:s3] =	ssyncadd.s32 @!p0 $0xFFFFFF30;
	s3 =	simm.s32 @!p0 $0xA  }
0x16b: {  	_ =	swait.ge @!p0 [sflag:s3], $0x3400  }
0x16c: {  	[sflag:s3] =	ssyncset.done @!p0 $0x0  }
0x16d: {  	[sflag:s3] =	ssyncadd.s32 @!p0 $0xFFFFCC00  }
0x16e: {  	_ =	swait.ge @!p0 [sflag:s3], $0x3000  }
0x16f: {  	s18 =	simm.s32 @!p0 $0x64D0;
	[sflag:s3] =	ssyncset.done @!p0 $0x0  }
0x170: {  	s24 =	simm.s32 @!p0 $0xCB40;
	[sflag:s3] =	ssyncadd.s32 @!p0 $0xFFFFD000;
	s3 =	simm.s32 @!p0 $0x64  }
0x171: {  	[tilespmem:s24], [sflag:$0x6] =	stream.indirect.gather @!p0 [hbm4b:s1+s3], $0x80, s18, s3, $0xb8;
	[tilespmem:$0x1F740] =	vst v63  }
0x172: {  	s18 =	simm.s32 @!p0 $0x6538;
	s24 =	simm.s32 @!p0 $0xFD40  }
0x173: {  	[tilespmem:s24], [sflag:$0x6] =	stream.indirect.gather @!p0 [hbm4b:s1+s3], $0x80, s18, s3, $0xb8;
	[tilespmem:$0x1F740] =	vst v63  }
0x174: {  	s3 =	simm.s32 @!p0 $0x8  }
0x175: {  	_ =	swait.ge @!p0 [sflag:s3], $0x3200  }
0x176: {  	[sflag:s3] =	ssyncset.done @!p0 $0x0  }
0x177: {  	s18 =	sadd.s32 @!p0 s21, s15;
	[sflag:s3] =	ssyncadd.s32 @!p0 $0xFFFFCE00  }
0x178: {  	s18 =	smul.u32 @!p0 $0x1A, s18;
	_ =	swait.ge @!p0 [sflag:s3], $0x3200  }
0x179: {  	s21 =	simm.s32 @!p0 $0x6670;
	[sflag:s3] =	ssyncset.done @!p0 $0x0  }
0x17a: {  	[sflag:s3] =	ssyncadd.s32 @!p0 $0xFFFFCE00;
	s3 =	sadd.s32 @!p0 s6, s18;
	s18 =	simm.s32 @!p0 $0x0  }
0x17b: {  	[tilespmem:s21], [sflag:$0x4] =	stream.linear.gather @!p0 [hbm4b:s3+s18], $0xD0, $0x38;
	[tilespmem:$0x1F740] =	vst v63  }
0x17c: {  	s21 =	simm.s32 $0x0  }
0x17d: {  	v7 =	vld [tilespmem:s21+$0x0]  }
0x17e: {  	v11 =	vld [tilespmem:s21+$0x10]  }
0x17f: {  	v5 =	vld [tilespmem:s21+$0x20]  }
0x180: {  	v4 =	vld [tilespmem:s21+$0x30]  }
0x181: {  	v3 =	vld [tilespmem:s21+$0x40]  }
0x182: {  	v2 =	vld [tilespmem:s21+$0x50]  }
0x183: {  	v1 =	vld [tilespmem:s21+$0x60]  }
0x184: {  	v0 =	vld [tilespmem:s21+$0x70]  }
0x185: {  	v12 =	vld [tilespmem:s21+$0x19340]  }
0x186: {  	v13 =	vld [tilespmem:s21+$0x19350]  }
0x187: {  	v10 =	vld [tilespmem:s21+$0x19360]  }
0x188: {  	v9 =	vld [tilespmem:s21+$0x19370]  }
0x189: {  	v8 =	vld [tilespmem:s21+$0x19380]  }
0x18a: {  	v6 =	vld [tilespmem:s21+$0x19390];
	v12 =	vadd.f32 v7, v12  }
0x18b: {  	s3 =	simm.s32 $0x200;
	v11 =	vadd.f32 v11, v13;
	v7 =	vld [tilespmem:s21+$0x193A0]  }
.LBB2_15:
0x18c: {  	s18 =	sshra.s32 s3, $0x2;
	p0 =	sne.s32 s3, $0xCE00;
	[tilespmem:s21+$0x19340] =	vst v12;
	v5 =	vadd.f32 v5, v10;
	v10 =	vld [tilespmem:s21+$0x193B0]  }
0x18d: {  	v12 =	vld [tilespmem:s18+$0x0];
	[tilespmem:s21+$0x19350] =	vst v11;
	v4 =	vadd.f32 v4, v9  }
0x18e: {  	v11 =	vld [tilespmem:s18+$0x10];
	[tilespmem:s21+$0x19360] =	vst v5;
	v3 =	vadd.f32 v3, v8  }
0x18f: {  	v5 =	vld [tilespmem:s18+$0x20];
	[tilespmem:s21+$0x19370] =	vst v4;
	v2 =	vadd.f32 v2, v6  }
0x190: {  	v4 =	vld [tilespmem:s18+$0x30];
	[tilespmem:s21+$0x19380] =	vst v3;
	v1 =	vadd.f32 v1, v7  }
0x191: {  	v3 =	vld [tilespmem:s18+$0x40];
	[tilespmem:s21+$0x19390] =	vst v2;
	v0 =	vadd.f32 v0, v10  }
0x192: {  	v2 =	vld [tilespmem:s18+$0x50];
	[tilespmem:s21+$0x193A0] =	vst v1  }
0x193: {  	v1 =	vld [tilespmem:s18+$0x60];
	[tilespmem:s21+$0x193B0] =	vst v0;
	s21 =	smov.u32 s18  }
0x194: {  	v0 =	vld [tilespmem:s21+$0x70]  }
0x195: {  	v6 =	vld [tilespmem:s21+$0x19340]  }
0x196: {  	v7 =	vld [tilespmem:s21+$0x19350]  }
.Ltmp6:
0x197: {  	v10 =	vld [tilespmem:s21+$0x19360];
	(pc) =	sbr.rel @p0 .LBB2_15-.Ltmp6, $4  }
0x198: {  	v9 =	vld [tilespmem:s21+$0x19370]  }
0x199: {  	v8 =	vld [tilespmem:s21+$0x19380]  }
0x19a: {  	v12 =	vadd.f32 v12, v6;
	v6 =	vld [tilespmem:s21+$0x19390]  }
0x19b: {  	s3 =	sadd.s32 $0x200, s3;
	v11 =	vadd.f32 v11, v7;
	v7 =	vld [tilespmem:s21+$0x193A0]  }
0x19c: {  	[tilespmem:s21+$0x19340] =	vst v12;
	v5 =	vadd.f32 v5, v10;
	v10 =	vld [tilespmem:s21+$0x193B0]  }
0x19d: {  	[tilespmem:s21+$0x19350] =	vst v11;
	v4 =	vadd.f32 v4, v9  }
0x19e: {  	[tilespmem:s21+$0x19360] =	vst v5;
	v3 =	vadd.f32 v3, v8  }
0x19f: {  	[tilespmem:s21+$0x19370] =	vst v4;
	v2 =	vadd.f32 v2, v6  }
0x1a0: {  	s3 =	sor.u32 $0x3, s26;
	[tilespmem:s21+$0x19380] =	vst v3;
	v1 =	vadd.f32 v1, v7  }
0x1a1: {  	s18 =	smul.u32 $0xC80, s3;
	[tilespmem:s21+$0x19390] =	vst v2;
	v0 =	vadd.f32 v0, v10  }
0x1a2: {  	[tilespmem:s21+$0x193A0] =	vst v1  }
0x1a3: {  	s29 =	simm.s32 $0x0;
	s18 =	sadd.s32 s4, s18;
	[tilespmem:s21+$0x193B0] =	vst v0;
	s21 =	simm.s32 $0x0  }
0x1a4: {  	[hbm4b:s18+s29] =	stream.linear.scatter [tilespmem:s17], [sflag:$0xC], $0x3400, $0x38;
	[tilespmem:$0x1F740] =	vst v63  }
0x1a5: {  	v6 =	vld [tilespmem:s21+$0x3400]  }
0x1a6: {  	v11 =	vld [tilespmem:s21+$0x3410]  }
0x1a7: {  	v5 =	vld [tilespmem:s21+$0x3420]  }
0x1a8: {  	v4 =	vld [tilespmem:s21+$0x3430]  }
0x1a9: {  	v3 =	vld [tilespmem:s21+$0x3440]  }
0x1aa: {  	v2 =	vld [tilespmem:s21+$0x3450]  }
0x1ab: {  	v1 =	vld [tilespmem:s21+$0x3460]  }
0x1ac: {  	v0 =	vld [tilespmem:s21+$0x3470]  }
0x1ad: {  	v12 =	vld [tilespmem:s21+$0x1C740]  }
0x1ae: {  	v13 =	vld [tilespmem:s21+$0x1C750]  }
0x1af: {  	v10 =	vld [tilespmem:s21+$0x1C760]  }
0x1b0: {  	v9 =	vld [tilespmem:s21+$0x1C770]  }
0x1b1: {  	v8 =	vld [tilespmem:s21+$0x1C780]  }
0x1b2: {  	v7 =	vld [tilespmem:s21+$0x1C790];
	v12 =	vadd.f32 v6, v12  }
0x1b3: {  	s24 =	simm.s32 $0x200;
	v11 =	vadd.f32 v11, v13;
	v6 =	vld [tilespmem:s21+$0x1C7A0]  }
.LBB2_17:
0x1b4: {  	s18 =	sshra.s32 s24, $0x2;
	p0 =	sne.s32 s24, $0xBE00;
	[tilespmem:s21+$0x1C740] =	vst v12;
	v5 =	vadd.f32 v5, v10;
	v10 =	vld [tilespmem:s21+$0x1C7B0]  }
0x1b5: {  	v12 =	vld [tilespmem:s18+$0x3400];
	[tilespmem:s21+$0x1C750] =	vst v11;
	v4 =	vadd.f32 v4, v9  }
0x1b6: {  	v11 =	vld [tilespmem:s18+$0x3410];
	[tilespmem:s21+$0x1C760] =	vst v5;
	v3 =	vadd.f32 v3, v8  }
0x1b7: {  	v5 =	vld [tilespmem:s18+$0x3420];
	[tilespmem:s21+$0x1C770] =	vst v4;
	v2 =	vadd.f32 v2, v7  }
0x1b8: {  	v4 =	vld [tilespmem:s18+$0x3430];
	[tilespmem:s21+$0x1C780] =	vst v3;
	v1 =	vadd.f32 v1, v6  }
0x1b9: {  	v3 =	vld [tilespmem:s18+$0x3440];
	[tilespmem:s21+$0x1C790] =	vst v2;
	v0 =	vadd.f32 v0, v10  }
0x1ba: {  	v2 =	vld [tilespmem:s18+$0x3450];
	[tilespmem:s21+$0x1C7A0] =	vst v1  }
0x1bb: {  	v1 =	vld [tilespmem:s18+$0x3460];
	[tilespmem:s21+$0x1C7B0] =	vst v0;
	s21 =	smov.u32 s18  }
0x1bc: {  	v0 =	vld [tilespmem:s21+$0x3470]  }
0x1bd: {  	v6 =	vld [tilespmem:s21+$0x1C740]  }
0x1be: {  	v13 =	vld [tilespmem:s21+$0x1C750]  }
.Ltmp7:
0x1bf: {  	v10 =	vld [tilespmem:s21+$0x1C760];
	(pc) =	sbr.rel @p0 .LBB2_17-.Ltmp7, $4  }
0x1c0: {  	v9 =	vld [tilespmem:s21+$0x1C770]  }
0x1c1: {  	v8 =	vld [tilespmem:s21+$0x1C780]  }
0x1c2: {  	v12 =	vadd.f32 v12, v6;
	v7 =	vld [tilespmem:s21+$0x1C790]  }
0x1c3: {  	s24 =	sadd.s32 $0x200, s24;
	v11 =	vadd.f32 v11, v13;
	v6 =	vld [tilespmem:s21+$0x1C7A0]  }
0x1c4: {  	[tilespmem:s21+$0x1C740] =	vst v12;
	v5 =	vadd.f32 v5, v10;
	v63 =	vld [tilespmem:s21+$0x1C7B0]  }
0x1c5: {  	[tilespmem:s21+$0x1C750] =	vst v11;
	v4 =	vadd.f32 v4, v9  }
0x1c6: {  	s31 =	sadd.s32 $0x1, s31;
	[tilespmem:s21+$0x1C760] =	vst v5;
	v3 =	vadd.f32 v3, v8  }
0x1c7: {  	s3 =	smul.u32 $0x6400, s3;
	p0 =	sne.s32 s31, $0x20;
	[tilespmem:s21+$0x1C770] =	vst v4;
	v2 =	vadd.f32 v2, v7  }
.Ltmp8:
0x1c8: {  	[tilespmem:s21+$0x1C780] =	vst v3;
	v1 =	vadd.f32 v1, v6;
	(pc) =	sbr.rel @p0 .LBB2_2-.Ltmp8, $4  }
0x1c9: {  	s3 =	sshrl.u32 s3, $0x3;
	[tilespmem:s21+$0x1C790] =	vst v2;
	v0 =	vadd.f32 v0, v63  }
0x1ca: {  	s3 =	sadd.s32 s4, s3;
	[tilespmem:s21+$0x1C7A0] =	vst v1  }
0x1cb: {  	s3 =	sadd.s32 $0x680, s3;
	[tilespmem:s21+$0x1C7B0] =	vst v0  }
0x1cc: {  	[hbm4b:s3+s5] =	stream.linear.scatter [tilespmem:s7], [sflag:$0xC], $0x3000, $0x38;
	[tilespmem:$0x1F740] =	vst v63  }
0x1cd: {  	s3 =	simm.s32 $0x9  }
0x1ce: {  	_ =	swait.ge [sflag:s3], $0x3400  }
0x1cf: {  	[sflag:s3] =	ssyncset.done $0x0  }
0x1d0: {  	[sflag:s3] =	ssyncadd.s32 $0xFFFFCC00  }
0x1d1: {  	_ =	swait.ge [sflag:s3], $0x3000  }
0x1d2: {  	[sflag:s3] =	ssyncset.done $0x0  }
0x1d3: {  	s26 =	simm.s32 $0xA;
	[sflag:s3] =	ssyncadd.s32 $0xFFFFD000  }
0x1d4: {  	_ =	swait.ge [sflag:s26], $0x3400  }
0x1d5: {  	[sflag:s26] =	ssyncset.done $0x0  }
0x1d6: {  	[sflag:s26] =	ssyncadd.s32 $0xFFFFCC00  }
0x1d7: {  	_ =	swait.ge [sflag:s26], $0x3000  }
0x1d8: {  	[sflag:s26] =	ssyncset.done $0x0  }
0x1d9: {  	s29 =	simm.s32 $0xB;
	[sflag:s26] =	ssyncadd.s32 $0xFFFFD000  }
0x1da: {  	_ =	swait.ge [sflag:s29], $0x3400  }
0x1db: {  	[sflag:s29] =	ssyncset.done $0x0  }
0x1dc: {  	[sflag:s29] =	ssyncadd.s32 $0xFFFFCC00  }
0x1dd: {  	_ =	swait.ge [sflag:s29], $0x3000  }
0x1de: {  	[sflag:s29] =	ssyncset.done $0x0  }
0x1df: {  	s18 =	simm.s32 $0xC;
	[sflag:s29] =	ssyncadd.s32 $0xFFFFD000  }
0x1e0: {  	_ =	swait.ge [sflag:s18], $0x3400  }
0x1e1: {  	[sflag:s18] =	ssyncset.done $0x0  }
0x1e2: {  	[sflag:s18] =	ssyncadd.s32 $0xFFFFCC00  }
0x1e3: {  	_ =	swait.ge [sflag:s18], $0x3000  }
0x1e4: {  	s21 =	rddreg [dreg:$0xa]  }
0x1e5: {  	s31 =	rddreg [dreg:$0x9];
	s21 =	sadd.s32 $0x1, s21  }
0x1e6: {  	p0 =	sne.s32 s21, s31  }
.Ltmp9:
0x1e7: {  	_ = 	snop;
	(pc) =	sbr.rel @p0 .LBB2_1-.Ltmp9, $3  }
0x1e8: {  	_ =	sdelay $0x1  }
0x1e9: {  	[sflag:s18] =	ssyncset.done $0x0  }
0x1ea: {  	[sflag:s18] =	ssyncadd.s32 $0xFFFFD000  }
0x1eb: {  	_ =	sfence.sel $0x180000  }
0x1ec: {  	[bflag:$0x0] =	sbarrier.arrive $0xFFFF  }
0x1ed: {  	_ =	strace $0x90000047  }
0x1ee: {  	s0 =	stileid.u32;
	[bflag:$0x2] =	sbarrier.arrive $0xFFFF  }
0x1ef: {  	p0 =	sne.s32 s0, $0x0;
	s0 =	rddreg [dreg:$0x4]  }
0x1f0: {  	s0 =	sadd.s32 @!p0 $0x100000, s0  }
0x1f1: {  	[sflag:s0] =	ssyncadd.tile.s32 @!p0 $0x1;
	_ =	shalt  }
.Lfunc_end2:
_tile_overlayer_lowered:
.L_overlay_start_2:
0x1f2: {  	(tag) =	ssettag $0x2  }
0x1f3: {  	s0 =	rddreg [dreg:$0x0];
	s2 =	stileid.u32  }
0x1f4: {  	s1 =	rddreg [dreg:$0x1];
	p0 =	sne.s32 s2, $0x0  }
0x1f5: {  	s3 =	rddreg [dreg:$0x2];
	[bflag:$0x3] =	sbarrier.arrive $0xFFFF;
	s2 =	simm.s32 @!p0 $0x1C0E  }
0x1f6: {  	[timem:s3], [sflag:s2] =	dma.local @!p0 [hbm:s0], s1  }
0x1f7: {  	s0 =	simm.s32 @!p0 $0xE  }
0x1f8: {  	_ =	swait.ge @!p0 [sflag:s0], s1  }
0x1f9: {  	s1 =	ssub.s32 @!p0 $0x0, s1;
	[sflag:s0] =	ssyncset.done @!p0 $0x0  }
0x1fa: {  	[sflag:s0] =	ssyncadd.s32 @!p0 s1  }
0x1fb: {  	[bflag:$0x3] =	sbarrier.arrive $0xFFFF  }
0x1fc: {  	_ =	shalt  }

</sc_bundles>
